<compile_context>
chip_gen: v7x
topology: tpu7x:2x2x1
jax: 0.10.2.dev20260603
libtpu: 0.0.44.dev20260713+nightly
codegen_flags: <defaults>
</compile_context>

<pallas_src>
import functools

import jax
import jax.numpy as jnp
from jax import lax
from jax.experimental import pallas as pl
from jax.experimental.pallas import tpu as pltpu
from jax.experimental.pallas import tpu_sc as plsc

NC = 2
NS = 16
NW = NC * NS
CK = 128
NR = 4


def _pad_rows(n):
    q = 128 * NS
    return (n + q - 1) // q * q


def _sc_mesh():
    return plsc.VectorSubcoreMesh(core_axis_name="c", subcore_axis_name="s")


def _edges_pad(src, dst, n, npad):
    e = src.shape[0]
    nch = -(-e // (NW * CK))
    pad = NW * nch * CK - e
    if pad:
        ar = jnp.arange(pad, dtype=jnp.int32)
        src = jnp.concatenate([src, ar % n])
        dst = jnp.concatenate([dst, n + ar % (npad - n)])
    return src, dst, nch


def _deg_call(dst1, zeros1, ones1, nch, npad):
    rpt = npad // NS

    @functools.partial(
        pl.kernel,
        out_type=jax.ShapeDtypeStruct((NC * npad,), jnp.float32),
        mesh=_sc_mesh(),
        scratch_types=[
            pltpu.VMEM((NR, CK), jnp.int32),
            pltpu.VMEM((CK,), jnp.float32),
            pltpu.VMEM_SHARED((npad,), jnp.float32),
            pltpu.SemaphoreType.DMA,
            pltpu.SemaphoreType.DMA,
            pltpu.SemaphoreType.DMA,
            pltpu.SemaphoreType.DMA,
            pltpu.SemaphoreType.DMA,
            pltpu.SemaphoreType.DMA,
            pltpu.SemaphoreType.DMA,
            pltpu.SemaphoreType.DMA,
        ],
    )
    def deg_kernel(dst_hbm, z_hbm, ones_hbm, out_hbm, dring, ones_v, acc_sh,
                   i0, i1, i2, i3, s0, s1, s2, s3):
        isem = (i0, i1, i2, i3)
        ssem = (s0, s1, s2, s3)
        cid = lax.axis_index("c")
        sid = lax.axis_index("s")
        wid = sid * NC + cid
        ebase = wid * nch * CK

        def idx_start(g, slot):
            pltpu.async_copy(dst_hbm.at[pl.ds(ebase + g * CK, CK)],
                             dring.at[slot], isem[slot])

        def idx_wait(slot):
            pltpu.make_async_copy(dst_hbm.at[pl.ds(0, CK)],
                                  dring.at[slot], isem[slot]).wait()

        def scatter_start(g, slot):
            pltpu.async_copy(ones_v, acc_sh.at[dring.at[slot]],
                             ssem[slot], add=True)

        def scatter_wait(slot):
            pltpu.make_async_copy(ones_v, acc_sh.at[dring.at[0]],
                                  ssem[slot]).wait()

        def step(g):
            slot = g % NR
            idx_wait(slot)
            scatter_start(g, slot)
            if g + 3 <= nch - 1:
                if g >= 1:
                    scatter_wait((g - 1) % NR)
                idx_start(g + 3, (g + 3) % NR)

        for g in range(min(3, nch)):
            idx_start(g, g % NR)
        pltpu.sync_copy(z_hbm.at[pl.ds(sid * rpt, rpt)],
                        acc_sh.at[pl.ds(sid * rpt, rpt)])
        pltpu.sync_copy(ones_hbm, ones_v)
        plsc.subcore_barrier()
        head = min(1, nch)
        for g in range(head):
            step(g)
        blocks = max(0, nch - 3 - head) // NR

        def body(j, carry):
            gb = head + j * NR
            for u in range(NR):
                g = gb + u
                slot = (head + u) % NR
                idx_wait(slot)
                pltpu.async_copy(ones_v, acc_sh.at[dring.at[slot]],
                                 ssem[slot], add=True)
                scatter_wait((slot + 3) % NR)
                pltpu.async_copy(dst_hbm.at[pl.ds(ebase + (g + 3) * CK, CK)],
                                 dring.at[(slot + 3) % NR],
                                 isem[(slot + 3) % NR])
            return carry

        if blocks > 0:
            lax.fori_loop(0, blocks, body, 0)
        for g in range(head + blocks * NR, nch):
            step(g)
        for t in range(max(0, nch - NR), nch):
            scatter_wait(t % NR)
        plsc.subcore_barrier()
        pltpu.sync_copy(acc_sh.at[pl.ds(sid * rpt, rpt)],
                        out_hbm.at[pl.ds(cid * npad + sid * rpt, rpt)])

    return deg_kernel(dst1, zeros1, ones1)


def _dis_call(degp3):
    _, rows, cols = degp3.shape

    def body(d_ref, o_ref):
        d = d_ref[...]
        o_ref[...] = lax.rsqrt(d[0] + d[1] + 1.0)

    return pl.pallas_call(
        body,
        out_shape=jax.ShapeDtypeStruct((rows, cols), jnp.float32),
    )(degp3)


def _msg_call(src1, dst1, hs, zeros128, nch, npad):
    d = hs.shape[1]
    rpt = npad // NS

    @functools.partial(
        pl.kernel,
        out_type=jax.ShapeDtypeStruct((NC, npad, d), jnp.float32),
        mesh=_sc_mesh(),
        scratch_types=[
            pltpu.VMEM((NR, CK), jnp.int32),
            pltpu.VMEM((NR, CK), jnp.int32),
            pltpu.VMEM((2, CK, d), jnp.float32),
            pltpu.VMEM_SHARED((npad, d), jnp.float32),
            pltpu.SemaphoreType.DMA,
            pltpu.SemaphoreType.DMA,
            pltpu.SemaphoreType.DMA,
            pltpu.SemaphoreType.DMA,
            pltpu.SemaphoreType.DMA,
            pltpu.SemaphoreType.DMA,
        ],
    )
    def msg_kernel(src_hbm, dst_hbm, hs_hbm, z_hbm, out_hbm,
                   sring, dring, rows_v, acc_sh,
                   i0, i1, i2, i3, g0, g1):
        isem = (i0, i1, i2, i3)
        gsem = (g0, g1)
        cid = lax.axis_index("c")
        sid = lax.axis_index("s")
        wid = sid * NC + cid
        ebase = wid * nch * CK

        def idx_start(g, slot):
            pltpu.async_copy(src_hbm.at[pl.ds(ebase + g * CK, CK)],
                             sring.at[slot], isem[slot])
            pltpu.async_copy(dst_hbm.at[pl.ds(ebase + g * CK, CK)],
                             dring.at[slot], isem[slot])

        def idx_wait(slot):
            pltpu.make_async_copy(src_hbm.at[pl.ds(0, CK)],
                                  sring.at[slot], isem[slot]).wait()
            pltpu.make_async_copy(dst_hbm.at[pl.ds(0, CK)],
                                  dring.at[slot], isem[slot]).wait()

        def gather_start(g, islot, bslot):
            pltpu.async_copy(hs_hbm.at[sring.at[islot]], rows_v.at[bslot],
                             gsem[bslot])

        def gather_wait(bslot):
            pltpu.make_async_copy(hs_hbm.at[sring.at[0]],
                                  rows_v.at[bslot], gsem[bslot]).wait()

        def step(g):
            if g + 1 <= nch - 1:
                idx_wait((g + 1) % NR)
            gather_wait(g % 2)
            if g + 1 <= nch - 1:
                gather_start(g + 1, (g + 1) % NR, (g + 1) % 2)
            if g + 3 <= nch - 1:
                idx_start(g + 3, (g + 3) % NR)
            pltpu.sync_copy(rows_v.at[g % 2], acc_sh.at[dring.at[g % NR]],
                            add=True)

        for g in range(min(3, nch)):
            idx_start(g, g % NR)
        if nch > 0:
            idx_wait(0)
            gather_start(0, 0, 0)
        for z in range(rpt // CK):
            pltpu.sync_copy(z_hbm, acc_sh.at[pl.ds(sid * rpt + z * CK, CK)])
        plsc.subcore_barrier()
        head = min(1, nch)
        for g in range(head):
            step(g)
        blocks = max(0, nch - 3 - head) // NR

        def body(j, carry):
            gb = head + j * NR
            for u in range(NR):
                g = gb + u
                slot = (head + u) % NR
                nslot = (head + u + 1) % NR
                pslot = (head + u + 3) % NR
                bslot = (head + u) % 2
                idx_wait(nslot)
                gather_wait(bslot)
                pltpu.async_copy(hs_hbm.at[sring.at[nslot]],
                                 rows_v.at[1 - bslot], gsem[1 - bslot])
                pltpu.async_copy(src_hbm.at[pl.ds(ebase + (g + 3) * CK, CK)],
                                 sring.at[pslot], isem[pslot])
                pltpu.async_copy(dst_hbm.at[pl.ds(ebase + (g + 3) * CK, CK)],
                                 dring.at[pslot], isem[pslot])
                pltpu.sync_copy(rows_v.at[bslot], acc_sh.at[dring.at[slot]],
                                add=True)
            return carry

        if blocks > 0:
            lax.fori_loop(0, blocks, body, 0)
        for g in range(head + blocks * NR, nch):
            step(g)
        plsc.subcore_barrier()
        pltpu.sync_copy(acc_sh.at[pl.ds(sid * rpt, rpt)],
                        out_hbm.at[cid, pl.ds(sid * rpt, rpt)])

    return msg_kernel(src1, dst1, hs, zeros128)


def _hs_call(x, W, dis):
    n, din = x.shape
    dh = W.shape[1]
    bm = 1000

    def body(x_ref, w_ref, d_ref, o_ref):
        h = jnp.dot(x_ref[...], w_ref[...], preferred_element_type=jnp.float32)
        o_ref[...] = h * d_ref[...]

    return pl.pallas_call(
        body,
        grid=(n // bm,),
        in_specs=[
            pl.BlockSpec((bm, din), lambda i: (i, 0)),
            pl.BlockSpec((din, dh), lambda i: (0, 0)),
            pl.BlockSpec((bm, 1), lambda i: (i, 0)),
        ],
        out_specs=pl.BlockSpec((bm, dh), lambda i: (i, 0)),
        out_shape=jax.ShapeDtypeStruct((n, dh), jnp.float32),
    )(x, W, dis)


def _logits_call(msgp, hs, dis, b2, wc_pad, bc2):
    n, dh = hs.shape
    dc = wc_pad.shape[1]
    bm = 1000

    def body(m_ref, hs_ref, d_ref, b_ref, wc_ref, bc_ref, o_ref):
        m = m_ref[...]
        t = (m[0] + m[1] + hs_ref[...]) * d_ref[...] + b_ref[...]
        o_ref[...] = (
            jnp.dot(t, wc_ref[...], preferred_element_type=jnp.float32)
            + bc_ref[...]
        )

    return pl.pallas_call(
        body,
        grid=(n // bm,),
        in_specs=[
            pl.BlockSpec((NC, bm, dh), lambda i: (0, i, 0)),
            pl.BlockSpec((bm, dh), lambda i: (i, 0)),
            pl.BlockSpec((bm, 1), lambda i: (i, 0)),
            pl.BlockSpec((1, dh), lambda i: (0, 0)),
            pl.BlockSpec((dh, dc), lambda i: (0, 0)),
            pl.BlockSpec((1, dc), lambda i: (0, 0)),
        ],
        out_specs=pl.BlockSpec((bm, dc), lambda i: (i, 0)),
        out_shape=jax.ShapeDtypeStruct((n, dc), jnp.float32),
    )(msgp, hs, dis, b2, wc_pad, bc2)


def kernel(x, edge_index, W, b, Wc, bc):
    n = x.shape[0]
    dh = W.shape[1]
    num_classes = Wc.shape[1]
    src = edge_index[0].astype(jnp.int32)
    dst = edge_index[1].astype(jnp.int32)

    npad = _pad_rows(n)
    src1, dst1, nch = _edges_pad(src, dst, n, npad)
    zeros1 = jnp.zeros((npad,), jnp.float32)
    ones1 = jnp.ones((CK,), jnp.float32)
    zeros128 = jnp.zeros((CK, dh), jnp.float32)

    deg_flat = _deg_call(dst1, zeros1, ones1, nch, npad)
    dis2 = _dis_call(deg_flat.reshape(NC, npad // 128, 128))
    dis = dis2.reshape(npad)[:n].reshape(n, 1)

    hs = _hs_call(x, W, dis)
    msgp = _msg_call(src1, dst1, hs, zeros128, nch, npad)

    wc_pad = jnp.zeros((dh, dh), jnp.float32).at[:, :num_classes].set(Wc)
    bc_pad = jnp.zeros((1, dh), jnp.float32).at[0, :num_classes].set(bc)
    logits_pad = _logits_call(msgp, hs, dis, b.reshape(1, dh), wc_pad, bc_pad)
    return logits_pad[:, :num_classes]

# --- scband reference (transcript-rebuilt; emitter-appended) ---
"""Pipeline reference for scband-sogabase-5274219839794 (READ-ONLY COPY).

The authoritative reference and input builder live on the scoring server;
editing this copy changes nothing except your own understanding.
"""

import jax, jax.numpy as jnp
import numpy as np

N_NODES = 10000
N_EDGES = 320000
IN_DIM = 128
HID_DIM = 128
NUM_CLASSES = 10


def setup_inputs(seed: int = 0) -> dict:
    key = jax.random.key(seed)
    k1, k2, k3, k4, k5, k6 = jax.random.split(key, 6)
    x = jax.random.normal(k1, (N_NODES, IN_DIM), dtype=jnp.float32)
    edge_index = jax.random.randint(k2, (2, N_EDGES), 0, N_NODES, dtype=jnp.int64)
    # GCNConv weight (PyG lin has no bias, conv has bias) -> emulate with W, b
    W = jax.random.normal(k3, (IN_DIM, HID_DIM), dtype=jnp.float32) * (1.0 / np.sqrt(IN_DIM))
    b = jnp.zeros((HID_DIM,), dtype=jnp.float32)
    # classifier Linear(hid_dim, num_classes)
    Wc = jax.random.normal(k4, (HID_DIM, NUM_CLASSES), dtype=jnp.float32) * (1.0 / np.sqrt(HID_DIM))
    bc = jax.random.normal(k5, (NUM_CLASSES,), dtype=jnp.float32) * 0.01
    return {"x": x, "edge_index": edge_index, "W": W, "b": b, "Wc": Wc, "bc": bc}


def reference(x, edge_index, W, b, Wc, bc):
    N = x.shape[0]
    src = edge_index[0]
    dst = edge_index[1]
    # add self-loops (PyG GCNConv default add_self_loops=True)
    loop = jnp.arange(N, dtype=src.dtype)
    src = jnp.concatenate([src, loop])
    dst = jnp.concatenate([dst, loop])
    ew = jnp.ones(src.shape[0], dtype=x.dtype)
    # symmetric normalization: deg computed on dst (col)
    deg = jnp.zeros((N,), dtype=x.dtype).at[dst].add(ew)
    deg_inv_sqrt = jnp.where(deg > 0, 1.0 / jnp.sqrt(deg), 0.0)
    norm = deg_inv_sqrt[src] * ew * deg_inv_sqrt[dst]
    # linear transform then message passing (scatter-add over dst)
    h = x @ W
    msg = h[src] * norm[:, None]
    out = jnp.zeros((N, h.shape[1]), dtype=x.dtype).at[dst].add(msg)
    out = out + b
    # num_layers == 1 -> no activation/dropout after the last conv
    logits = out @ Wc + bc
    return logits

if __name__ == "__main__":
    import jax
    _d = setup_inputs()
    print(jax.jit(kernel)(*tuple(_d.values())))

</pallas_src>

<mosaic_0001>
#map = affine_map<(d0, d1) -> (0)>
module attributes {stable_mosaic.version = 14 : i64} {
  func.func @deg_kernel(%arg0: i32, %arg1: i32, %arg2: memref<323584xi32, #tpu.memory_space<hbm>>, %arg3: memref<10240xf32, #tpu.memory_space<hbm>>, %arg4: memref<128xf32, #tpu.memory_space<hbm>>, %arg5: memref<20480xf32, #tpu.memory_space<hbm>>, %arg6: memref<4x128xi32, #tpu.memory_space<vmem>>, %arg7: memref<128xf32, #tpu.memory_space<vmem>>, %arg8: memref<10240xf32, #tpu.memory_space<vmem_shared>>, %arg9: memref<!tpu.dma_semaphore, #tpu.memory_space<semaphore_mem>>, %arg10: memref<!tpu.dma_semaphore, #tpu.memory_space<semaphore_mem>>, %arg11: memref<!tpu.dma_semaphore, #tpu.memory_space<semaphore_mem>>, %arg12: memref<!tpu.dma_semaphore, #tpu.memory_space<semaphore_mem>>, %arg13: memref<!tpu.dma_semaphore, #tpu.memory_space<semaphore_mem>>, %arg14: memref<!tpu.dma_semaphore, #tpu.memory_space<semaphore_mem>>, %arg15: memref<!tpu.dma_semaphore, #tpu.memory_space<semaphore_mem>>, %arg16: memref<!tpu.dma_semaphore, #tpu.memory_space<semaphore_mem>>) attributes {dimension_semantics = [#tpu.dimension_semantics<core_parallel>, #tpu.dimension_semantics<subcore_parallel>], iteration_bounds = array<i64: 2, 16>, scalar_prefetch = 0 : i64, scratch_operands = 11 : i64, tpu.core_type = #tpu.core_type<sc_vector_subcore>, window_params = [{transform_indices = #map}, {transform_indices = #map}, {transform_indices = #map}, {transform_indices = #map}]} {
    %mul3A = arith.constant 2 : i32
    %mul3A_0 = arith.muli %arg1, %mul3A : i32
    %add3A = arith.addi %mul3A_0, %arg0 : i32
    %mul3A_1 = arith.constant 79 : i32
    %mul3A_2 = arith.muli %add3A, %mul3A_1 : i32
    %mul3A_3 = arith.constant 128 : i32
    %mul3A_4 = arith.muli %mul3A_2, %mul3A_3 : i32
    %add3A_5 = arith.constant 0 : i32
    %add3A_6 = arith.addi %mul3A_4, %add3A_5 : i32
    %dma_start3A = arith.constant 0 : i32
    %dma_start3A_7 = arith.constant 0 : i32
    %dma_start3A_8 = tpu.memref_slice %arg6[%dma_start3A, %dma_start3A_7] : memref<4x128xi32, #tpu.memory_space<vmem>> -> memref<1x128xi32, #tpu.memory_space<vmem>>
    %dma_start3A_9 = tpu.memref_squeeze %dma_start3A_8 : memref<1x128xi32, #tpu.memory_space<vmem>> -> memref<128xi32, #tpu.memory_space<vmem>>
    %dma_start3A_10 = tpu.memref_slice %arg2[%add3A_6] : memref<323584xi32, #tpu.memory_space<hbm>> -> memref<128xi32, #tpu.memory_space<hbm>>
    %dma_start3A_11 = arith.constant 0 : i32
    %dma_start3A_12 = tpu.memref_slice %arg6[%dma_start3A, %dma_start3A_11] : memref<4x128xi32, #tpu.memory_space<vmem>> -> memref<1x128xi32, #tpu.memory_space<vmem>>
    %dma_start3A_13 = tpu.memref_squeeze %dma_start3A_12 : memref<1x128xi32, #tpu.memory_space<vmem>> -> memref<128xi32, #tpu.memory_space<vmem>>
    %dma_start3A_14 = tpu.memref_slice %arg2[%add3A_6] : memref<323584xi32, #tpu.memory_space<hbm>> -> memref<128xi32, #tpu.memory_space<hbm>>
    tpu.enqueue_dma source(%dma_start3A_14 : memref<128xi32, #tpu.memory_space<hbm>>) target(%dma_start3A_13 : memref<128xi32, #tpu.memory_space<vmem>>) target_semaphore(%arg9 : memref<!tpu.dma_semaphore, #tpu.memory_space<semaphore_mem>>)
    %add3A_15 = arith.constant 128 : i32
    %add3A_16 = arith.addi %mul3A_4, %add3A_15 : i32
    %dma_start3A_17 = arith.constant 1 : i32
    %dma_start3A_18 = arith.constant 0 : i32
    %dma_start3A_19 = tpu.memref_slice %arg6[%dma_start3A_17, %dma_start3A_18] : memref<4x128xi32, #tpu.memory_space<vmem>> -> memref<1x128xi32, #tpu.memory_space<vmem>>
    %dma_start3A_20 = tpu.memref_squeeze %dma_start3A_19 : memref<1x128xi32, #tpu.memory_space<vmem>> -> memref<128xi32, #tpu.memory_space<vmem>>
    %dma_start3A_21 = tpu.memref_slice %arg2[%add3A_16] : memref<323584xi32, #tpu.memory_space<hbm>> -> memref<128xi32, #tpu.memory_space<hbm>>
    %dma_start3A_22 = arith.constant 0 : i32
    %dma_start3A_23 = tpu.memref_slice %arg6[%dma_start3A_17, %dma_start3A_22] : memref<4x128xi32, #tpu.memory_space<vmem>> -> memref<1x128xi32, #tpu.memory_space<vmem>>
    %dma_start3A_24 = tpu.memref_squeeze %dma_start3A_23 : memref<1x128xi32, #tpu.memory_space<vmem>> -> memref<128xi32, #tpu.memory_space<vmem>>
    %dma_start3A_25 = tpu.memref_slice %arg2[%add3A_16] : memref<323584xi32, #tpu.memory_space<hbm>> -> memref<128xi32, #tpu.memory_space<hbm>>
    tpu.enqueue_dma source(%dma_start3A_25 : memref<128xi32, #tpu.memory_space<hbm>>) target(%dma_start3A_24 : memref<128xi32, #tpu.memory_space<vmem>>) target_semaphore(%arg10 : memref<!tpu.dma_semaphore, #tpu.memory_space<semaphore_mem>>)
    %add3A_26 = arith.constant 256 : i32
    %add3A_27 = arith.addi %mul3A_4, %add3A_26 : i32
    %dma_start3A_28 = arith.constant 2 : i32
    %dma_start3A_29 = arith.constant 0 : i32
    %dma_start3A_30 = tpu.memref_slice %arg6[%dma_start3A_28, %dma_start3A_29] : memref<4x128xi32, #tpu.memory_space<vmem>> -> memref<1x128xi32, #tpu.memory_space<vmem>>
    %dma_start3A_31 = tpu.memref_squeeze %dma_start3A_30 : memref<1x128xi32, #tpu.memory_space<vmem>> -> memref<128xi32, #tpu.memory_space<vmem>>
    %dma_start3A_32 = tpu.memref_slice %arg2[%add3A_27] : memref<323584xi32, #tpu.memory_space<hbm>> -> memref<128xi32, #tpu.memory_space<hbm>>
    %dma_start3A_33 = arith.constant 0 : i32
    %dma_start3A_34 = tpu.memref_slice %arg6[%dma_start3A_28, %dma_start3A_33] : memref<4x128xi32, #tpu.memory_space<vmem>> -> memref<1x128xi32, #tpu.memory_space<vmem>>
    %dma_start3A_35 = tpu.memref_squeeze %dma_start3A_34 : memref<1x128xi32, #tpu.memory_space<vmem>> -> memref<128xi32, #tpu.memory_space<vmem>>
    %dma_start3A_36 = tpu.memref_slice %arg2[%add3A_27] : memref<323584xi32, #tpu.memory_space<hbm>> -> memref<128xi32, #tpu.memory_space<hbm>>
    tpu.enqueue_dma source(%dma_start3A_36 : memref<128xi32, #tpu.memory_space<hbm>>) target(%dma_start3A_35 : memref<128xi32, #tpu.memory_space<vmem>>) target_semaphore(%arg11 : memref<!tpu.dma_semaphore, #tpu.memory_space<semaphore_mem>>)
    %mul3A_37 = arith.constant 640 : i32
    %mul3A_38 = arith.muli %arg1, %mul3A_37 : i32
    %mul3A_39 = arith.constant 640 : i32
    %mul3A_40 = arith.muli %arg1, %mul3A_39 : i32
    "tpu.region"() ({
      %run_scoped3A = tpu.sem_alloc : memref<!tpu.dma_semaphore, #tpu.memory_space<semaphore_mem>>
      %dma_start3A_258 = tpu.memref_slice %arg8[%mul3A_40] : memref<10240xf32, #tpu.memory_space<vmem_shared>> -> memref<640xf32, #tpu.memory_space<vmem_shared>>
      %dma_start3A_259 = tpu.memref_slice %arg3[%mul3A_38] : memref<10240xf32, #tpu.memory_space<hbm>> -> memref<640xf32, #tpu.memory_space<hbm>>
      tpu.enqueue_dma source(%dma_start3A_259 : memref<640xf32, #tpu.memory_space<hbm>>) target(%dma_start3A_258 : memref<640xf32, #tpu.memory_space<vmem_shared>>) target_semaphore(%run_scoped3A : memref<!tpu.dma_semaphore, #tpu.memory_space<semaphore_mem>>)
      %dma_wait3A_260 = tpu.memref_slice %arg8[%mul3A_40] : memref<10240xf32, #tpu.memory_space<vmem_shared>> -> memref<640xf32, #tpu.memory_space<vmem_shared>>
      %dma_wait3A_261 = tpu.memref_slice %arg3[%mul3A_38] : memref<10240xf32, #tpu.memory_space<hbm>> -> memref<640xf32, #tpu.memory_space<hbm>>
      tpu.wait_dma2 semaphore(%run_scoped3A : memref<!tpu.dma_semaphore, #tpu.memory_space<semaphore_mem>>) src(%dma_wait3A_261 : memref<640xf32, #tpu.memory_space<hbm>>) dst(%dma_wait3A_260 : memref<640xf32, #tpu.memory_space<vmem_shared>>)
      tpu.yield
    }) : () -> ()
    "tpu.region"() ({
      %run_scoped3A = tpu.sem_alloc : memref<!tpu.dma_semaphore, #tpu.memory_space<semaphore_mem>>
      tpu.enqueue_dma source(%arg4 : memref<128xf32, #tpu.memory_space<hbm>>) target(%arg7 : memref<128xf32, #tpu.memory_space<vmem>>) target_semaphore(%run_scoped3A : memref<!tpu.dma_semaphore, #tpu.memory_space<semaphore_mem>>)
      tpu.wait_dma2 semaphore(%run_scoped3A : memref<!tpu.dma_semaphore, #tpu.memory_space<semaphore_mem>>) src(%arg4 : memref<128xf32, #tpu.memory_space<hbm>>) dst(%arg7 : memref<128xf32, #tpu.memory_space<vmem>>)
      tpu.yield
    }) : () -> ()
    %barrier3A = arith.constant 0 : index
    tpu.barrier barrier_id(%barrier3A)
    %dma_wait3A = arith.constant 0 : i32
    %dma_wait3A_41 = arith.constant 0 : i32
    %dma_wait3A_42 = tpu.memref_slice %arg6[%dma_wait3A, %dma_wait3A_41] : memref<4x128xi32, #tpu.memory_space<vmem>> -> memref<1x128xi32, #tpu.memory_space<vmem>>
    %dma_wait3A_43 = tpu.memref_squeeze %dma_wait3A_42 : memref<1x128xi32, #tpu.memory_space<vmem>> -> memref<128xi32, #tpu.memory_space<vmem>>
    %dma_wait3A_44 = arith.constant 0 : i32
    %dma_wait3A_45 = tpu.memref_slice %arg2[%dma_wait3A_44] : memref<323584xi32, #tpu.memory_space<hbm>> -> memref<128xi32, #tpu.memory_space<hbm>>
    %dma_wait3A_46 = arith.constant 0 : i32
    %dma_wait3A_47 = tpu.memref_slice %arg6[%dma_wait3A, %dma_wait3A_46] : memref<4x128xi32, #tpu.memory_space<vmem>> -> memref<1x128xi32, #tpu.memory_space<vmem>>
    %dma_wait3A_48 = tpu.memref_squeeze %dma_wait3A_47 : memref<1x128xi32, #tpu.memory_space<vmem>> -> memref<128xi32, #tpu.memory_space<vmem>>
    %dma_wait3A_49 = arith.constant 0 : i32
    %dma_wait3A_50 = tpu.memref_slice %arg2[%dma_wait3A_49] : memref<323584xi32, #tpu.memory_space<hbm>> -> memref<128xi32, #tpu.memory_space<hbm>>
    tpu.wait_dma2 semaphore(%arg9 : memref<!tpu.dma_semaphore, #tpu.memory_space<semaphore_mem>>) src(%dma_wait3A_50 : memref<128xi32, #tpu.memory_space<hbm>>) dst(%dma_wait3A_48 : memref<128xi32, #tpu.memory_space<vmem>>)
    %dma_start3A_51 = arith.constant 0 : i32
    %dma_start3A_52 = arith.constant 0 : i32
    %dma_start3A_53 = tpu.memref_slice %arg6[%dma_start3A_51, %dma_start3A_52] : memref<4x128xi32, #tpu.memory_space<vmem>> -> memref<1x128xi32, #tpu.memory_space<vmem>>
    %dma_start3A_54 = tpu.memref_squeeze %dma_start3A_53 : memref<1x128xi32, #tpu.memory_space<vmem>> -> memref<128xi32, #tpu.memory_space<vmem>>
    %dma_start3A_55 = arith.constant 0 : i32
    %dma_start3A_56 = tpu.memref_slice %arg8[%dma_start3A_55] : memref<10240xf32, #tpu.memory_space<vmem_shared>> -> memref<10240xf32, #tpu.memory_space<vmem_shared>>
    tpu.enqueue_indirect_dma source(%arg7 : memref<128xf32, #tpu.memory_space<vmem>>) target(%dma_start3A_56 : memref<10240xf32, #tpu.memory_space<vmem_shared>>) offsets(%dma_start3A_54 : memref<128xi32, #tpu.memory_space<vmem>>) semaphore(%arg13 : memref<!tpu.dma_semaphore, #tpu.memory_space<semaphore_mem>>) {add = true}
    %add3A_57 = arith.constant 384 : i32
    %add3A_58 = arith.addi %mul3A_4, %add3A_57 : i32
    %dma_start3A_59 = arith.constant 3 : i32
    %dma_start3A_60 = arith.constant 0 : i32
    %dma_start3A_61 = tpu.memref_slice %arg6[%dma_start3A_59, %dma_start3A_60] : memref<4x128xi32, #tpu.memory_space<vmem>> -> memref<1x128xi32, #tpu.memory_space<vmem>>
    %dma_start3A_62 = tpu.memref_squeeze %dma_start3A_61 : memref<1x128xi32, #tpu.memory_space<vmem>> -> memref<128xi32, #tpu.memory_space<vmem>>
    %dma_start3A_63 = tpu.memref_slice %arg2[%add3A_58] : memref<323584xi32, #tpu.memory_space<hbm>> -> memref<128xi32, #tpu.memory_space<hbm>>
    %dma_start3A_64 = arith.constant 0 : i32
    %dma_start3A_65 = tpu.memref_slice %arg6[%dma_start3A_59, %dma_start3A_64] : memref<4x128xi32, #tpu.memory_space<vmem>> -> memref<1x128xi32, #tpu.memory_space<vmem>>
    %dma_start3A_66 = tpu.memref_squeeze %dma_start3A_65 : memref<1x128xi32, #tpu.memory_space<vmem>> -> memref<128xi32, #tpu.memory_space<vmem>>
    %dma_start3A_67 = tpu.memref_slice %arg2[%add3A_58] : memref<323584xi32, #tpu.memory_space<hbm>> -> memref<128xi32, #tpu.memory_space<hbm>>
    tpu.enqueue_dma source(%dma_start3A_67 : memref<128xi32, #tpu.memory_space<hbm>>) target(%dma_start3A_66 : memref<128xi32, #tpu.memory_space<vmem>>) target_semaphore(%arg12 : memref<!tpu.dma_semaphore, #tpu.memory_space<semaphore_mem>>)
    %scan3A = arith.constant 0 : i32
    %scan3A_68 = arith.constant 0 : i32
    %scan3A_69 = arith.constant 18 : i32
    %scan3A_70 = arith.addi %scan3A_68, %scan3A_69 : i32
    %scan3A_71 = arith.constant 1 : i32
    scf.for %scan3A_258 = %scan3A_68 to %scan3A_70 step %scan3A_71  : i32 {
      %mul3A_259 = arith.constant 4 : i32
      %mul3A_260 = arith.muli %scan3A_258, %mul3A_259 : i32
      %add3A_261 = arith.constant 1 : i32
      %add3A_262 = arith.addi %add3A_261, %mul3A_260 : i32
      %add3A_263 = arith.constant 0 : i32
      %add3A_264 = arith.addi %add3A_262, %add3A_263 : i32
      %dma_wait3A_265 = arith.constant 1 : i32
      %dma_wait3A_266 = arith.constant 0 : i32
      %dma_wait3A_267 = tpu.memref_slice %arg6[%dma_wait3A_265, %dma_wait3A_266] : memref<4x128xi32, #tpu.memory_space<vmem>> -> memref<1x128xi32, #tpu.memory_space<vmem>>
      %dma_wait3A_268 = tpu.memref_squeeze %dma_wait3A_267 : memref<1x128xi32, #tpu.memory_space<vmem>> -> memref<128xi32, #tpu.memory_space<vmem>>
      %dma_wait3A_269 = arith.constant 0 : i32
      %dma_wait3A_270 = tpu.memref_slice %arg2[%dma_wait3A_269] : memref<323584xi32, #tpu.memory_space<hbm>> -> memref<128xi32, #tpu.memory_space<hbm>>
      %dma_wait3A_271 = arith.constant 0 : i32
      %dma_wait3A_272 = tpu.memref_slice %arg6[%dma_wait3A_265, %dma_wait3A_271] : memref<4x128xi32, #tpu.memory_space<vmem>> -> memref<1x128xi32, #tpu.memory_space<vmem>>
      %dma_wait3A_273 = tpu.memref_squeeze %dma_wait3A_272 : memref<1x128xi32, #tpu.memory_space<vmem>> -> memref<128xi32, #tpu.memory_space<vmem>>
      %dma_wait3A_274 = arith.constant 0 : i32
      %dma_wait3A_275 = tpu.memref_slice %arg2[%dma_wait3A_274] : memref<323584xi32, #tpu.memory_space<hbm>> -> memref<128xi32, #tpu.memory_space<hbm>>
      tpu.wait_dma2 semaphore(%arg10 : memref<!tpu.dma_semaphore, #tpu.memory_space<semaphore_mem>>) src(%dma_wait3A_275 : memref<128xi32, #tpu.memory_space<hbm>>) dst(%dma_wait3A_273 : memref<128xi32, #tpu.memory_space<vmem>>)
      %dma_start3A_276 = arith.constant 1 : i32
      %dma_start3A_277 = arith.constant 0 : i32
      %dma_start3A_278 = tpu.memref_slice %arg6[%dma_start3A_276, %dma_start3A_277] : memref<4x128xi32, #tpu.memory_space<vmem>> -> memref<1x128xi32, #tpu.memory_space<vmem>>
      %dma_start3A_279 = tpu.memref_squeeze %dma_start3A_278 : memref<1x128xi32, #tpu.memory_space<vmem>> -> memref<128xi32, #tpu.memory_space<vmem>>
      %dma_start3A_280 = arith.constant 0 : i32
      %dma_start3A_281 = tpu.memref_slice %arg8[%dma_start3A_280] : memref<10240xf32, #tpu.memory_space<vmem_shared>> -> memref<10240xf32, #tpu.memory_space<vmem_shared>>
      tpu.enqueue_indirect_dma source(%arg7 : memref<128xf32, #tpu.memory_space<vmem>>) target(%dma_start3A_281 : memref<10240xf32, #tpu.memory_space<vmem_shared>>) offsets(%dma_start3A_279 : memref<128xi32, #tpu.memory_space<vmem>>) semaphore(%arg14 : memref<!tpu.dma_semaphore, #tpu.memory_space<semaphore_mem>>) {add = true}
      %dma_wait3A_282 = arith.constant 0 : i32
      %dma_wait3A_283 = arith.constant 0 : i32
      %dma_wait3A_284 = tpu.memref_slice %arg6[%dma_wait3A_282, %dma_wait3A_283] : memref<4x128xi32, #tpu.memory_space<vmem>> -> memref<1x128xi32, #tpu.memory_space<vmem>>
      %dma_wait3A_285 = tpu.memref_squeeze %dma_wait3A_284 : memref<1x128xi32, #tpu.memory_space<vmem>> -> memref<128xi32, #tpu.memory_space<vmem>>
      %dma_wait3A_286 = arith.constant 0 : i32
      %dma_wait3A_287 = tpu.memref_slice %arg8[%dma_wait3A_286] : memref<10240xf32, #tpu.memory_space<vmem_shared>> -> memref<10240xf32, #tpu.memory_space<vmem_shared>>
      tpu.wait_indirect_dma semaphore(%arg13 : memref<!tpu.dma_semaphore, #tpu.memory_space<semaphore_mem>>) src(%arg7 : memref<128xf32, #tpu.memory_space<vmem>>) dst(%dma_wait3A_287 : memref<10240xf32, #tpu.memory_space<vmem_shared>>)
      %add3A_288 = arith.constant 3 : i32
      %add3A_289 = arith.addi %add3A_264, %add3A_288 : i32
      %mul3A_290 = arith.constant 128 : i32
      %mul3A_291 = arith.muli %add3A_289, %mul3A_290 : i32
      %add3A_292 = arith.addi %mul3A_4, %mul3A_291 : i32
      %dma_start3A_293 = arith.constant 0 : i32
      %dma_start3A_294 = arith.constant 0 : i32
      %dma_start3A_295 = tpu.memref_slice %arg6[%dma_start3A_293, %dma_start3A_294] : memref<4x128xi32, #tpu.memory_space<vmem>> -> memref<1x128xi32, #tpu.memory_space<vmem>>
      %dma_start3A_296 = tpu.memref_squeeze %dma_start3A_295 : memref<1x128xi32, #tpu.memory_space<vmem>> -> memref<128xi32, #tpu.memory_space<vmem>>
      %dma_start3A_297 = tpu.memref_slice %arg2[%add3A_292] : memref<323584xi32, #tpu.memory_space<hbm>> -> memref<128xi32, #tpu.memory_space<hbm>>
      %dma_start3A_298 = arith.constant 0 : i32
      %dma_start3A_299 = tpu.memref_slice %arg6[%dma_start3A_293, %dma_start3A_298] : memref<4x128xi32, #tpu.memory_space<vmem>> -> memref<1x128xi32, #tpu.memory_space<vmem>>
      %dma_start3A_300 = tpu.memref_squeeze %dma_start3A_299 : memref<1x128xi32, #tpu.memory_space<vmem>> -> memref<128xi32, #tpu.memory_space<vmem>>
      %dma_start3A_301 = tpu.memref_slice %arg2[%add3A_292] : memref<323584xi32, #tpu.memory_space<hbm>> -> memref<128xi32, #tpu.memory_space<hbm>>
      tpu.enqueue_dma source(%dma_start3A_301 : memref<128xi32, #tpu.memory_space<hbm>>) target(%dma_start3A_300 : memref<128xi32, #tpu.memory_space<vmem>>) target_semaphore(%arg9 : memref<!tpu.dma_semaphore, #tpu.memory_space<semaphore_mem>>)
      %add3A_302 = arith.constant 1 : i32
      %add3A_303 = arith.addi %add3A_262, %add3A_302 : i32
      %dma_wait3A_304 = arith.constant 2 : i32
      %dma_wait3A_305 = arith.constant 0 : i32
      %dma_wait3A_306 = tpu.memref_slice %arg6[%dma_wait3A_304, %dma_wait3A_305] : memref<4x128xi32, #tpu.memory_space<vmem>> -> memref<1x128xi32, #tpu.memory_space<vmem>>
      %dma_wait3A_307 = tpu.memref_squeeze %dma_wait3A_306 : memref<1x128xi32, #tpu.memory_space<vmem>> -> memref<128xi32, #tpu.memory_space<vmem>>
      %dma_wait3A_308 = arith.constant 0 : i32
      %dma_wait3A_309 = tpu.memref_slice %arg2[%dma_wait3A_308] : memref<323584xi32, #tpu.memory_space<hbm>> -> memref<128xi32, #tpu.memory_space<hbm>>
      %dma_wait3A_310 = arith.constant 0 : i32
      %dma_wait3A_311 = tpu.memref_slice %arg6[%dma_wait3A_304, %dma_wait3A_310] : memref<4x128xi32, #tpu.memory_space<vmem>> -> memref<1x128xi32, #tpu.memory_space<vmem>>
      %dma_wait3A_312 = tpu.memref_squeeze %dma_wait3A_311 : memref<1x128xi32, #tpu.memory_space<vmem>> -> memref<128xi32, #tpu.memory_space<vmem>>
      %dma_wait3A_313 = arith.constant 0 : i32
      %dma_wait3A_314 = tpu.memref_slice %arg2[%dma_wait3A_313] : memref<323584xi32, #tpu.memory_space<hbm>> -> memref<128xi32, #tpu.memory_space<hbm>>
      tpu.wait_dma2 semaphore(%arg11 : memref<!tpu.dma_semaphore, #tpu.memory_space<semaphore_mem>>) src(%dma_wait3A_314 : memref<128xi32, #tpu.memory_space<hbm>>) dst(%dma_wait3A_312 : memref<128xi32, #tpu.memory_space<vmem>>)
      %dma_start3A_315 = arith.constant 2 : i32
      %dma_start3A_316 = arith.constant 0 : i32
      %dma_start3A_317 = tpu.memref_slice %arg6[%dma_start3A_315, %dma_start3A_316] : memref<4x128xi32, #tpu.memory_space<vmem>> -> memref<1x128xi32, #tpu.memory_space<vmem>>
      %dma_start3A_318 = tpu.memref_squeeze %dma_start3A_317 : memref<1x128xi32, #tpu.memory_space<vmem>> -> memref<128xi32, #tpu.memory_space<vmem>>
      %dma_start3A_319 = arith.constant 0 : i32
      %dma_start3A_320 = tpu.memref_slice %arg8[%dma_start3A_319] : memref<10240xf32, #tpu.memory_space<vmem_shared>> -> memref<10240xf32, #tpu.memory_space<vmem_shared>>
      tpu.enqueue_indirect_dma source(%arg7 : memref<128xf32, #tpu.memory_space<vmem>>) target(%dma_start3A_320 : memref<10240xf32, #tpu.memory_space<vmem_shared>>) offsets(%dma_start3A_318 : memref<128xi32, #tpu.memory_space<vmem>>) semaphore(%arg15 : memref<!tpu.dma_semaphore, #tpu.memory_space<semaphore_mem>>) {add = true}
      %dma_wait3A_321 = arith.constant 0 : i32
      %dma_wait3A_322 = arith.constant 0 : i32
      %dma_wait3A_323 = tpu.memref_slice %arg6[%dma_wait3A_321, %dma_wait3A_322] : memref<4x128xi32, #tpu.memory_space<vmem>> -> memref<1x128xi32, #tpu.memory_space<vmem>>
      %dma_wait3A_324 = tpu.memref_squeeze %dma_wait3A_323 : memref<1x128xi32, #tpu.memory_space<vmem>> -> memref<128xi32, #tpu.memory_space<vmem>>
      %dma_wait3A_325 = arith.constant 0 : i32
      %dma_wait3A_326 = tpu.memref_slice %arg8[%dma_wait3A_325] : memref<10240xf32, #tpu.memory_space<vmem_shared>> -> memref<10240xf32, #tpu.memory_space<vmem_shared>>
      tpu.wait_indirect_dma semaphore(%arg14 : memref<!tpu.dma_semaphore, #tpu.memory_space<semaphore_mem>>) src(%arg7 : memref<128xf32, #tpu.memory_space<vmem>>) dst(%dma_wait3A_326 : memref<10240xf32, #tpu.memory_space<vmem_shared>>)
      %add3A_327 = arith.constant 3 : i32
      %add3A_328 = arith.addi %add3A_303, %add3A_327 : i32
      %mul3A_329 = arith.constant 128 : i32
      %mul3A_330 = arith.muli %add3A_328, %mul3A_329 : i32
      %add3A_331 = arith.addi %mul3A_4, %mul3A_330 : i32
      %dma_start3A_332 = arith.constant 1 : i32
      %dma_start3A_333 = arith.constant 0 : i32
      %dma_start3A_334 = tpu.memref_slice %arg6[%dma_start3A_332, %dma_start3A_333] : memref<4x128xi32, #tpu.memory_space<vmem>> -> memref<1x128xi32, #tpu.memory_space<vmem>>
      %dma_start3A_335 = tpu.memref_squeeze %dma_start3A_334 : memref<1x128xi32, #tpu.memory_space<vmem>> -> memref<128xi32, #tpu.memory_space<vmem>>
      %dma_start3A_336 = tpu.memref_slice %arg2[%add3A_331] : memref<323584xi32, #tpu.memory_space<hbm>> -> memref<128xi32, #tpu.memory_space<hbm>>
      %dma_start3A_337 = arith.constant 0 : i32
      %dma_start3A_338 = tpu.memref_slice %arg6[%dma_start3A_332, %dma_start3A_337] : memref<4x128xi32, #tpu.memory_space<vmem>> -> memref<1x128xi32, #tpu.memory_space<vmem>>
      %dma_start3A_339 = tpu.memref_squeeze %dma_start3A_338 : memref<1x128xi32, #tpu.memory_space<vmem>> -> memref<128xi32, #tpu.memory_space<vmem>>
      %dma_start3A_340 = tpu.memref_slice %arg2[%add3A_331] : memref<323584xi32, #tpu.memory_space<hbm>> -> memref<128xi32, #tpu.memory_space<hbm>>
      tpu.enqueue_dma source(%dma_start3A_340 : memref<128xi32, #tpu.memory_space<hbm>>) target(%dma_start3A_339 : memref<128xi32, #tpu.memory_space<vmem>>) target_semaphore(%arg10 : memref<!tpu.dma_semaphore, #tpu.memory_space<semaphore_mem>>)
      %add3A_341 = arith.constant 2 : i32
      %add3A_342 = arith.addi %add3A_262, %add3A_341 : i32
      %dma_wait3A_343 = arith.constant 3 : i32
      %dma_wait3A_344 = arith.constant 0 : i32
      %dma_wait3A_345 = tpu.memref_slice %arg6[%dma_wait3A_343, %dma_wait3A_344] : memref<4x128xi32, #tpu.memory_space<vmem>> -> memref<1x128xi32, #tpu.memory_space<vmem>>
      %dma_wait3A_346 = tpu.memref_squeeze %dma_wait3A_345 : memref<1x128xi32, #tpu.memory_space<vmem>> -> memref<128xi32, #tpu.memory_space<vmem>>
      %dma_wait3A_347 = arith.constant 0 : i32
      %dma_wait3A_348 = tpu.memref_slice %arg2[%dma_wait3A_347] : memref<323584xi32, #tpu.memory_space<hbm>> -> memref<128xi32, #tpu.memory_space<hbm>>
      %dma_wait3A_349 = arith.constant 0 : i32
      %dma_wait3A_350 = tpu.memref_slice %arg6[%dma_wait3A_343, %dma_wait3A_349] : memref<4x128xi32, #tpu.memory_space<vmem>> -> memref<1x128xi32, #tpu.memory_space<vmem>>
      %dma_wait3A_351 = tpu.memref_squeeze %dma_wait3A_350 : memref<1x128xi32, #tpu.memory_space<vmem>> -> memref<128xi32, #tpu.memory_space<vmem>>
      %dma_wait3A_352 = arith.constant 0 : i32
      %dma_wait3A_353 = tpu.memref_slice %arg2[%dma_wait3A_352] : memref<323584xi32, #tpu.memory_space<hbm>> -> memref<128xi32, #tpu.memory_space<hbm>>
      tpu.wait_dma2 semaphore(%arg12 : memref<!tpu.dma_semaphore, #tpu.memory_space<semaphore_mem>>) src(%dma_wait3A_353 : memref<128xi32, #tpu.memory_space<hbm>>) dst(%dma_wait3A_351 : memref<128xi32, #tpu.memory_space<vmem>>)
      %dma_start3A_354 = arith.constant 3 : i32
      %dma_start3A_355 = arith.constant 0 : i32
      %dma_start3A_356 = tpu.memref_slice %arg6[%dma_start3A_354, %dma_start3A_355] : memref<4x128xi32, #tpu.memory_space<vmem>> -> memref<1x128xi32, #tpu.memory_space<vmem>>
      %dma_start3A_357 = tpu.memref_squeeze %dma_start3A_356 : memref<1x128xi32, #tpu.memory_space<vmem>> -> memref<128xi32, #tpu.memory_space<vmem>>
      %dma_start3A_358 = arith.constant 0 : i32
      %dma_start3A_359 = tpu.memref_slice %arg8[%dma_start3A_358] : memref<10240xf32, #tpu.memory_space<vmem_shared>> -> memref<10240xf32, #tpu.memory_space<vmem_shared>>
      tpu.enqueue_indirect_dma source(%arg7 : memref<128xf32, #tpu.memory_space<vmem>>) target(%dma_start3A_359 : memref<10240xf32, #tpu.memory_space<vmem_shared>>) offsets(%dma_start3A_357 : memref<128xi32, #tpu.memory_space<vmem>>) semaphore(%arg16 : memref<!tpu.dma_semaphore, #tpu.memory_space<semaphore_mem>>) {add = true}
      %dma_wait3A_360 = arith.constant 0 : i32
      %dma_wait3A_361 = arith.constant 0 : i32
      %dma_wait3A_362 = tpu.memref_slice %arg6[%dma_wait3A_360, %dma_wait3A_361] : memref<4x128xi32, #tpu.memory_space<vmem>> -> memref<1x128xi32, #tpu.memory_space<vmem>>
      %dma_wait3A_363 = tpu.memref_squeeze %dma_wait3A_362 : memref<1x128xi32, #tpu.memory_space<vmem>> -> memref<128xi32, #tpu.memory_space<vmem>>
      %dma_wait3A_364 = arith.constant 0 : i32
      %dma_wait3A_365 = tpu.memref_slice %arg8[%dma_wait3A_364] : memref<10240xf32, #tpu.memory_space<vmem_shared>> -> memref<10240xf32, #tpu.memory_space<vmem_shared>>
      tpu.wait_indirect_dma semaphore(%arg15 : memref<!tpu.dma_semaphore, #tpu.memory_space<semaphore_mem>>) src(%arg7 : memref<128xf32, #tpu.memory_space<vmem>>) dst(%dma_wait3A_365 : memref<10240xf32, #tpu.memory_space<vmem_shared>>)
      %add3A_366 = arith.constant 3 : i32
      %add3A_367 = arith.addi %add3A_342, %add3A_366 : i32
      %mul3A_368 = arith.constant 128 : i32
      %mul3A_369 = arith.muli %add3A_367, %mul3A_368 : i32
      %add3A_370 = arith.addi %mul3A_4, %mul3A_369 : i32
      %dma_start3A_371 = arith.constant 2 : i32
      %dma_start3A_372 = arith.constant 0 : i32
      %dma_start3A_373 = tpu.memref_slice %arg6[%dma_start3A_371, %dma_start3A_372] : memref<4x128xi32, #tpu.memory_space<vmem>> -> memref<1x128xi32, #tpu.memory_space<vmem>>
      %dma_start3A_374 = tpu.memref_squeeze %dma_start3A_373 : memref<1x128xi32, #tpu.memory_space<vmem>> -> memref<128xi32, #tpu.memory_space<vmem>>
      %dma_start3A_375 = tpu.memref_slice %arg2[%add3A_370] : memref<323584xi32, #tpu.memory_space<hbm>> -> memref<128xi32, #tpu.memory_space<hbm>>
      %dma_start3A_376 = arith.constant 0 : i32
      %dma_start3A_377 = tpu.memref_slice %arg6[%dma_start3A_371, %dma_start3A_376] : memref<4x128xi32, #tpu.memory_space<vmem>> -> memref<1x128xi32, #tpu.memory_space<vmem>>
      %dma_start3A_378 = tpu.memref_squeeze %dma_start3A_377 : memref<1x128xi32, #tpu.memory_space<vmem>> -> memref<128xi32, #tpu.memory_space<vmem>>
      %dma_start3A_379 = tpu.memref_slice %arg2[%add3A_370] : memref<323584xi32, #tpu.memory_space<hbm>> -> memref<128xi32, #tpu.memory_space<hbm>>
      tpu.enqueue_dma source(%dma_start3A_379 : memref<128xi32, #tpu.memory_space<hbm>>) target(%dma_start3A_378 : memref<128xi32, #tpu.memory_space<vmem>>) target_semaphore(%arg11 : memref<!tpu.dma_semaphore, #tpu.memory_space<semaphore_mem>>)
      %add3A_380 = arith.constant 3 : i32
      %add3A_381 = arith.addi %add3A_262, %add3A_380 : i32
      %dma_wait3A_382 = arith.constant 0 : i32
      %dma_wait3A_383 = arith.constant 0 : i32
      %dma_wait3A_384 = tpu.memref_slice %arg6[%dma_wait3A_382, %dma_wait3A_383] : memref<4x128xi32, #tpu.memory_space<vmem>> -> memref<1x128xi32, #tpu.memory_space<vmem>>
      %dma_wait3A_385 = tpu.memref_squeeze %dma_wait3A_384 : memref<1x128xi32, #tpu.memory_space<vmem>> -> memref<128xi32, #tpu.memory_space<vmem>>
      %dma_wait3A_386 = arith.constant 0 : i32
      %dma_wait3A_387 = tpu.memref_slice %arg2[%dma_wait3A_386] : memref<323584xi32, #tpu.memory_space<hbm>> -> memref<128xi32, #tpu.memory_space<hbm>>
      %dma_wait3A_388 = arith.constant 0 : i32
      %dma_wait3A_389 = tpu.memref_slice %arg6[%dma_wait3A_382, %dma_wait3A_388] : memref<4x128xi32, #tpu.memory_space<vmem>> -> memref<1x128xi32, #tpu.memory_space<vmem>>
      %dma_wait3A_390 = tpu.memref_squeeze %dma_wait3A_389 : memref<1x128xi32, #tpu.memory_space<vmem>> -> memref<128xi32, #tpu.memory_space<vmem>>
      %dma_wait3A_391 = arith.constant 0 : i32
      %dma_wait3A_392 = tpu.memref_slice %arg2[%dma_wait3A_391] : memref<323584xi32, #tpu.memory_space<hbm>> -> memref<128xi32, #tpu.memory_space<hbm>>
      tpu.wait_dma2 semaphore(%arg9 : memref<!tpu.dma_semaphore, #tpu.memory_space<semaphore_mem>>) src(%dma_wait3A_392 : memref<128xi32, #tpu.memory_space<hbm>>) dst(%dma_wait3A_390 : memref<128xi32, #tpu.memory_space<vmem>>)
      %dma_start3A_393 = arith.constant 0 : i32
      %dma_start3A_394 = arith.constant 0 : i32
      %dma_start3A_395 = tpu.memref_slice %arg6[%dma_start3A_393, %dma_start3A_394] : memref<4x128xi32, #tpu.memory_space<vmem>> -> memref<1x128xi32, #tpu.memory_space<vmem>>
      %dma_start3A_396 = tpu.memref_squeeze %dma_start3A_395 : memref<1x128xi32, #tpu.memory_space<vmem>> -> memref<128xi32, #tpu.memory_space<vmem>>
      %dma_start3A_397 = arith.constant 0 : i32
      %dma_start3A_398 = tpu.memref_slice %arg8[%dma_start3A_397] : memref<10240xf32, #tpu.memory_space<vmem_shared>> -> memref<10240xf32, #tpu.memory_space<vmem_shared>>
      tpu.enqueue_indirect_dma source(%arg7 : memref<128xf32, #tpu.memory_space<vmem>>) target(%dma_start3A_398 : memref<10240xf32, #tpu.memory_space<vmem_shared>>) offsets(%dma_start3A_396 : memref<128xi32, #tpu.memory_space<vmem>>) semaphore(%arg13 : memref<!tpu.dma_semaphore, #tpu.memory_space<semaphore_mem>>) {add = true}
      %dma_wait3A_399 = arith.constant 0 : i32
      %dma_wait3A_400 = arith.constant 0 : i32
      %dma_wait3A_401 = tpu.memref_slice %arg6[%dma_wait3A_399, %dma_wait3A_400] : memref<4x128xi32, #tpu.memory_space<vmem>> -> memref<1x128xi32, #tpu.memory_space<vmem>>
      %dma_wait3A_402 = tpu.memref_squeeze %dma_wait3A_401 : memref<1x128xi32, #tpu.memory_space<vmem>> -> memref<128xi32, #tpu.memory_space<vmem>>
      %dma_wait3A_403 = arith.constant 0 : i32
      %dma_wait3A_404 = tpu.memref_slice %arg8[%dma_wait3A_403] : memref<10240xf32, #tpu.memory_space<vmem_shared>> -> memref<10240xf32, #tpu.memory_space<vmem_shared>>
      tpu.wait_indirect_dma semaphore(%arg16 : memref<!tpu.dma_semaphore, #tpu.memory_space<semaphore_mem>>) src(%arg7 : memref<128xf32, #tpu.memory_space<vmem>>) dst(%dma_wait3A_404 : memref<10240xf32, #tpu.memory_space<vmem_shared>>)
      %add3A_405 = arith.constant 3 : i32
      %add3A_406 = arith.addi %add3A_381, %add3A_405 : i32
      %mul3A_407 = arith.constant 128 : i32
      %mul3A_408 = arith.muli %add3A_406, %mul3A_407 : i32
      %add3A_409 = arith.addi %mul3A_4, %mul3A_408 : i32
      %dma_start3A_410 = arith.constant 3 : i32
      %dma_start3A_411 = arith.constant 0 : i32
      %dma_start3A_412 = tpu.memref_slice %arg6[%dma_start3A_410, %dma_start3A_411] : memref<4x128xi32, #tpu.memory_space<vmem>> -> memref<1x128xi32, #tpu.memory_space<vmem>>
      %dma_start3A_413 = tpu.memref_squeeze %dma_start3A_412 : memref<1x128xi32, #tpu.memory_space<vmem>> -> memref<128xi32, #tpu.memory_space<vmem>>
      %dma_start3A_414 = tpu.memref_slice %arg2[%add3A_409] : memref<323584xi32, #tpu.memory_space<hbm>> -> memref<128xi32, #tpu.memory_space<hbm>>
      %dma_start3A_415 = arith.constant 0 : i32
      %dma_start3A_416 = tpu.memref_slice %arg6[%dma_start3A_410, %dma_start3A_415] : memref<4x128xi32, #tpu.memory_space<vmem>> -> memref<1x128xi32, #tpu.memory_space<vmem>>
      %dma_start3A_417 = tpu.memref_squeeze %dma_start3A_416 : memref<1x128xi32, #tpu.memory_space<vmem>> -> memref<128xi32, #tpu.memory_space<vmem>>
      %dma_start3A_418 = tpu.memref_slice %arg2[%add3A_409] : memref<323584xi32, #tpu.memory_space<hbm>> -> memref<128xi32, #tpu.memory_space<hbm>>
      tpu.enqueue_dma source(%dma_start3A_418 : memref<128xi32, #tpu.memory_space<hbm>>) target(%dma_start3A_417 : memref<128xi32, #tpu.memory_space<vmem>>) target_semaphore(%arg12 : memref<!tpu.dma_semaphore, #tpu.memory_space<semaphore_mem>>)
    }
    %scan3A_72 = arith.constant 18 : i32
    %dma_wait3A_73 = arith.constant 1 : i32
    %dma_wait3A_74 = arith.constant 0 : i32
    %dma_wait3A_75 = tpu.memref_slice %arg6[%dma_wait3A_73, %dma_wait3A_74] : memref<4x128xi32, #tpu.memory_space<vmem>> -> memref<1x128xi32, #tpu.memory_space<vmem>>
    %dma_wait3A_76 = tpu.memref_squeeze %dma_wait3A_75 : memref<1x128xi32, #tpu.memory_space<vmem>> -> memref<128xi32, #tpu.memory_space<vmem>>
    %dma_wait3A_77 = arith.constant 0 : i32
    %dma_wait3A_78 = tpu.memref_slice %arg2[%dma_wait3A_77] : memref<323584xi32, #tpu.memory_space<hbm>> -> memref<128xi32, #tpu.memory_space<hbm>>
    %dma_wait3A_79 = arith.constant 0 : i32
    %dma_wait3A_80 = tpu.memref_slice %arg6[%dma_wait3A_73, %dma_wait3A_79] : memref<4x128xi32, #tpu.memory_space<vmem>> -> memref<1x128xi32, #tpu.memory_space<vmem>>
    %dma_wait3A_81 = tpu.memref_squeeze %dma_wait3A_80 : memref<1x128xi32, #tpu.memory_space<vmem>> -> memref<128xi32, #tpu.memory_space<vmem>>
    %dma_wait3A_82 = arith.constant 0 : i32
    %dma_wait3A_83 = tpu.memref_slice %arg2[%dma_wait3A_82] : memref<323584xi32, #tpu.memory_space<hbm>> -> memref<128xi32, #tpu.memory_space<hbm>>
    tpu.wait_dma2 semaphore(%arg10 : memref<!tpu.dma_semaphore, #tpu.memory_space<semaphore_mem>>) src(%dma_wait3A_83 : memref<128xi32, #tpu.memory_space<hbm>>) dst(%dma_wait3A_81 : memref<128xi32, #tpu.memory_space<vmem>>)
    %dma_start3A_84 = arith.constant 1 : i32
    %dma_start3A_85 = arith.constant 0 : i32
    %dma_start3A_86 = tpu.memref_slice %arg6[%dma_start3A_84, %dma_start3A_85] : memref<4x128xi32, #tpu.memory_space<vmem>> -> memref<1x128xi32, #tpu.memory_space<vmem>>
    %dma_start3A_87 = tpu.memref_squeeze %dma_start3A_86 : memref<1x128xi32, #tpu.memory_space<vmem>> -> memref<128xi32, #tpu.memory_space<vmem>>
    %dma_start3A_88 = arith.constant 0 : i32
    %dma_start3A_89 = tpu.memref_slice %arg8[%dma_start3A_88] : memref<10240xf32, #tpu.memory_space<vmem_shared>> -> memref<10240xf32, #tpu.memory_space<vmem_shared>>
    tpu.enqueue_indirect_dma source(%arg7 : memref<128xf32, #tpu.memory_space<vmem>>) target(%dma_start3A_89 : memref<10240xf32, #tpu.memory_space<vmem_shared>>) offsets(%dma_start3A_87 : memref<128xi32, #tpu.memory_space<vmem>>) semaphore(%arg14 : memref<!tpu.dma_semaphore, #tpu.memory_space<semaphore_mem>>) {add = true}
    %dma_wait3A_90 = arith.constant 0 : i32
    %dma_wait3A_91 = arith.constant 0 : i32
    %dma_wait3A_92 = tpu.memref_slice %arg6[%dma_wait3A_90, %dma_wait3A_91] : memref<4x128xi32, #tpu.memory_space<vmem>> -> memref<1x128xi32, #tpu.memory_space<vmem>>
    %dma_wait3A_93 = tpu.memref_squeeze %dma_wait3A_92 : memref<1x128xi32, #tpu.memory_space<vmem>> -> memref<128xi32, #tpu.memory_space<vmem>>
    %dma_wait3A_94 = arith.constant 0 : i32
    %dma_wait3A_95 = tpu.memref_slice %arg8[%dma_wait3A_94] : memref<10240xf32, #tpu.memory_space<vmem_shared>> -> memref<10240xf32, #tpu.memory_space<vmem_shared>>
    tpu.wait_indirect_dma semaphore(%arg13 : memref<!tpu.dma_semaphore, #tpu.memory_space<semaphore_mem>>) src(%arg7 : memref<128xf32, #tpu.memory_space<vmem>>) dst(%dma_wait3A_95 : memref<10240xf32, #tpu.memory_space<vmem_shared>>)
    %add3A_96 = arith.constant 9728 : i32
    %add3A_97 = arith.addi %mul3A_4, %add3A_96 : i32
    %dma_start3A_98 = arith.constant 0 : i32
    %dma_start3A_99 = arith.constant 0 : i32
    %dma_start3A_100 = tpu.memref_slice %arg6[%dma_start3A_98, %dma_start3A_99] : memref<4x128xi32, #tpu.memory_space<vmem>> -> memref<1x128xi32, #tpu.memory_space<vmem>>
    %dma_start3A_101 = tpu.memref_squeeze %dma_start3A_100 : memref<1x128xi32, #tpu.memory_space<vmem>> -> memref<128xi32, #tpu.memory_space<vmem>>
    %dma_start3A_102 = tpu.memref_slice %arg2[%add3A_97] : memref<323584xi32, #tpu.memory_space<hbm>> -> memref<128xi32, #tpu.memory_space<hbm>>
    %dma_start3A_103 = arith.constant 0 : i32
    %dma_start3A_104 = tpu.memref_slice %arg6[%dma_start3A_98, %dma_start3A_103] : memref<4x128xi32, #tpu.memory_space<vmem>> -> memref<1x128xi32, #tpu.memory_space<vmem>>
    %dma_start3A_105 = tpu.memref_squeeze %dma_start3A_104 : memref<1x128xi32, #tpu.memory_space<vmem>> -> memref<128xi32, #tpu.memory_space<vmem>>
    %dma_start3A_106 = tpu.memref_slice %arg2[%add3A_97] : memref<323584xi32, #tpu.memory_space<hbm>> -> memref<128xi32, #tpu.memory_space<hbm>>
    tpu.enqueue_dma source(%dma_start3A_106 : memref<128xi32, #tpu.memory_space<hbm>>) target(%dma_start3A_105 : memref<128xi32, #tpu.memory_space<vmem>>) target_semaphore(%arg9 : memref<!tpu.dma_semaphore, #tpu.memory_space<semaphore_mem>>)
    %dma_wait3A_107 = arith.constant 2 : i32
    %dma_wait3A_108 = arith.constant 0 : i32
    %dma_wait3A_109 = tpu.memref_slice %arg6[%dma_wait3A_107, %dma_wait3A_108] : memref<4x128xi32, #tpu.memory_space<vmem>> -> memref<1x128xi32, #tpu.memory_space<vmem>>
    %dma_wait3A_110 = tpu.memref_squeeze %dma_wait3A_109 : memref<1x128xi32, #tpu.memory_space<vmem>> -> memref<128xi32, #tpu.memory_space<vmem>>
    %dma_wait3A_111 = arith.constant 0 : i32
    %dma_wait3A_112 = tpu.memref_slice %arg2[%dma_wait3A_111] : memref<323584xi32, #tpu.memory_space<hbm>> -> memref<128xi32, #tpu.memory_space<hbm>>
    %dma_wait3A_113 = arith.constant 0 : i32
    %dma_wait3A_114 = tpu.memref_slice %arg6[%dma_wait3A_107, %dma_wait3A_113] : memref<4x128xi32, #tpu.memory_space<vmem>> -> memref<1x128xi32, #tpu.memory_space<vmem>>
    %dma_wait3A_115 = tpu.memref_squeeze %dma_wait3A_114 : memref<1x128xi32, #tpu.memory_space<vmem>> -> memref<128xi32, #tpu.memory_space<vmem>>
    %dma_wait3A_116 = arith.constant 0 : i32
    %dma_wait3A_117 = tpu.memref_slice %arg2[%dma_wait3A_116] : memref<323584xi32, #tpu.memory_space<hbm>> -> memref<128xi32, #tpu.memory_space<hbm>>
    tpu.wait_dma2 semaphore(%arg11 : memref<!tpu.dma_semaphore, #tpu.memory_space<semaphore_mem>>) src(%dma_wait3A_117 : memref<128xi32, #tpu.memory_space<hbm>>) dst(%dma_wait3A_115 : memref<128xi32, #tpu.memory_space<vmem>>)
    %dma_start3A_118 = arith.constant 2 : i32
    %dma_start3A_119 = arith.constant 0 : i32
    %dma_start3A_120 = tpu.memref_slice %arg6[%dma_start3A_118, %dma_start3A_119] : memref<4x128xi32, #tpu.memory_space<vmem>> -> memref<1x128xi32, #tpu.memory_space<vmem>>
    %dma_start3A_121 = tpu.memref_squeeze %dma_start3A_120 : memref<1x128xi32, #tpu.memory_space<vmem>> -> memref<128xi32, #tpu.memory_space<vmem>>
    %dma_start3A_122 = arith.constant 0 : i32
    %dma_start3A_123 = tpu.memref_slice %arg8[%dma_start3A_122] : memref<10240xf32, #tpu.memory_space<vmem_shared>> -> memref<10240xf32, #tpu.memory_space<vmem_shared>>
    tpu.enqueue_indirect_dma source(%arg7 : memref<128xf32, #tpu.memory_space<vmem>>) target(%dma_start3A_123 : memref<10240xf32, #tpu.memory_space<vmem_shared>>) offsets(%dma_start3A_121 : memref<128xi32, #tpu.memory_space<vmem>>) semaphore(%arg15 : memref<!tpu.dma_semaphore, #tpu.memory_space<semaphore_mem>>) {add = true}
    %dma_wait3A_124 = arith.constant 0 : i32
    %dma_wait3A_125 = arith.constant 0 : i32
    %dma_wait3A_126 = tpu.memref_slice %arg6[%dma_wait3A_124, %dma_wait3A_125] : memref<4x128xi32, #tpu.memory_space<vmem>> -> memref<1x128xi32, #tpu.memory_space<vmem>>
    %dma_wait3A_127 = tpu.memref_squeeze %dma_wait3A_126 : memref<1x128xi32, #tpu.memory_space<vmem>> -> memref<128xi32, #tpu.memory_space<vmem>>
    %dma_wait3A_128 = arith.constant 0 : i32
    %dma_wait3A_129 = tpu.memref_slice %arg8[%dma_wait3A_128] : memref<10240xf32, #tpu.memory_space<vmem_shared>> -> memref<10240xf32, #tpu.memory_space<vmem_shared>>
    tpu.wait_indirect_dma semaphore(%arg14 : memref<!tpu.dma_semaphore, #tpu.memory_space<semaphore_mem>>) src(%arg7 : memref<128xf32, #tpu.memory_space<vmem>>) dst(%dma_wait3A_129 : memref<10240xf32, #tpu.memory_space<vmem_shared>>)
    %add3A_130 = arith.constant 9856 : i32
    %add3A_131 = arith.addi %mul3A_4, %add3A_130 : i32
    %dma_start3A_132 = arith.constant 1 : i32
    %dma_start3A_133 = arith.constant 0 : i32
    %dma_start3A_134 = tpu.memref_slice %arg6[%dma_start3A_132, %dma_start3A_133] : memref<4x128xi32, #tpu.memory_space<vmem>> -> memref<1x128xi32, #tpu.memory_space<vmem>>
    %dma_start3A_135 = tpu.memref_squeeze %dma_start3A_134 : memref<1x128xi32, #tpu.memory_space<vmem>> -> memref<128xi32, #tpu.memory_space<vmem>>
    %dma_start3A_136 = tpu.memref_slice %arg2[%add3A_131] : memref<323584xi32, #tpu.memory_space<hbm>> -> memref<128xi32, #tpu.memory_space<hbm>>
    %dma_start3A_137 = arith.constant 0 : i32
    %dma_start3A_138 = tpu.memref_slice %arg6[%dma_start3A_132, %dma_start3A_137] : memref<4x128xi32, #tpu.memory_space<vmem>> -> memref<1x128xi32, #tpu.memory_space<vmem>>
    %dma_start3A_139 = tpu.memref_squeeze %dma_start3A_138 : memref<1x128xi32, #tpu.memory_space<vmem>> -> memref<128xi32, #tpu.memory_space<vmem>>
    %dma_start3A_140 = tpu.memref_slice %arg2[%add3A_131] : memref<323584xi32, #tpu.memory_space<hbm>> -> memref<128xi32, #tpu.memory_space<hbm>>
    tpu.enqueue_dma source(%dma_start3A_140 : memref<128xi32, #tpu.memory_space<hbm>>) target(%dma_start3A_139 : memref<128xi32, #tpu.memory_space<vmem>>) target_semaphore(%arg10 : memref<!tpu.dma_semaphore, #tpu.memory_space<semaphore_mem>>)
    %dma_wait3A_141 = arith.constant 3 : i32
    %dma_wait3A_142 = arith.constant 0 : i32
    %dma_wait3A_143 = tpu.memref_slice %arg6[%dma_wait3A_141, %dma_wait3A_142] : memref<4x128xi32, #tpu.memory_space<vmem>> -> memref<1x128xi32, #tpu.memory_space<vmem>>
    %dma_wait3A_144 = tpu.memref_squeeze %dma_wait3A_143 : memref<1x128xi32, #tpu.memory_space<vmem>> -> memref<128xi32, #tpu.memory_space<vmem>>
    %dma_wait3A_145 = arith.constant 0 : i32
    %dma_wait3A_146 = tpu.memref_slice %arg2[%dma_wait3A_145] : memref<323584xi32, #tpu.memory_space<hbm>> -> memref<128xi32, #tpu.memory_space<hbm>>
    %dma_wait3A_147 = arith.constant 0 : i32
    %dma_wait3A_148 = tpu.memref_slice %arg6[%dma_wait3A_141, %dma_wait3A_147] : memref<4x128xi32, #tpu.memory_space<vmem>> -> memref<1x128xi32, #tpu.memory_space<vmem>>
    %dma_wait3A_149 = tpu.memref_squeeze %dma_wait3A_148 : memref<1x128xi32, #tpu.memory_space<vmem>> -> memref<128xi32, #tpu.memory_space<vmem>>
    %dma_wait3A_150 = arith.constant 0 : i32
    %dma_wait3A_151 = tpu.memref_slice %arg2[%dma_wait3A_150] : memref<323584xi32, #tpu.memory_space<hbm>> -> memref<128xi32, #tpu.memory_space<hbm>>
    tpu.wait_dma2 semaphore(%arg12 : memref<!tpu.dma_semaphore, #tpu.memory_space<semaphore_mem>>) src(%dma_wait3A_151 : memref<128xi32, #tpu.memory_space<hbm>>) dst(%dma_wait3A_149 : memref<128xi32, #tpu.memory_space<vmem>>)
    %dma_start3A_152 = arith.constant 3 : i32
    %dma_start3A_153 = arith.constant 0 : i32
    %dma_start3A_154 = tpu.memref_slice %arg6[%dma_start3A_152, %dma_start3A_153] : memref<4x128xi32, #tpu.memory_space<vmem>> -> memref<1x128xi32, #tpu.memory_space<vmem>>
    %dma_start3A_155 = tpu.memref_squeeze %dma_start3A_154 : memref<1x128xi32, #tpu.memory_space<vmem>> -> memref<128xi32, #tpu.memory_space<vmem>>
    %dma_start3A_156 = arith.constant 0 : i32
    %dma_start3A_157 = tpu.memref_slice %arg8[%dma_start3A_156] : memref<10240xf32, #tpu.memory_space<vmem_shared>> -> memref<10240xf32, #tpu.memory_space<vmem_shared>>
    tpu.enqueue_indirect_dma source(%arg7 : memref<128xf32, #tpu.memory_space<vmem>>) target(%dma_start3A_157 : memref<10240xf32, #tpu.memory_space<vmem_shared>>) offsets(%dma_start3A_155 : memref<128xi32, #tpu.memory_space<vmem>>) semaphore(%arg16 : memref<!tpu.dma_semaphore, #tpu.memory_space<semaphore_mem>>) {add = true}
    %dma_wait3A_158 = arith.constant 0 : i32
    %dma_wait3A_159 = arith.constant 0 : i32
    %dma_wait3A_160 = tpu.memref_slice %arg6[%dma_wait3A_158, %dma_wait3A_159] : memref<4x128xi32, #tpu.memory_space<vmem>> -> memref<1x128xi32, #tpu.memory_space<vmem>>
    %dma_wait3A_161 = tpu.memref_squeeze %dma_wait3A_160 : memref<1x128xi32, #tpu.memory_space<vmem>> -> memref<128xi32, #tpu.memory_space<vmem>>
    %dma_wait3A_162 = arith.constant 0 : i32
    %dma_wait3A_163 = tpu.memref_slice %arg8[%dma_wait3A_162] : memref<10240xf32, #tpu.memory_space<vmem_shared>> -> memref<10240xf32, #tpu.memory_space<vmem_shared>>
    tpu.wait_indirect_dma semaphore(%arg15 : memref<!tpu.dma_semaphore, #tpu.memory_space<semaphore_mem>>) src(%arg7 : memref<128xf32, #tpu.memory_space<vmem>>) dst(%dma_wait3A_163 : memref<10240xf32, #tpu.memory_space<vmem_shared>>)
    %add3A_164 = arith.constant 9984 : i32
    %add3A_165 = arith.addi %mul3A_4, %add3A_164 : i32
    %dma_start3A_166 = arith.constant 2 : i32
    %dma_start3A_167 = arith.constant 0 : i32
    %dma_start3A_168 = tpu.memref_slice %arg6[%dma_start3A_166, %dma_start3A_167] : memref<4x128xi32, #tpu.memory_space<vmem>> -> memref<1x128xi32, #tpu.memory_space<vmem>>
    %dma_start3A_169 = tpu.memref_squeeze %dma_start3A_168 : memref<1x128xi32, #tpu.memory_space<vmem>> -> memref<128xi32, #tpu.memory_space<vmem>>
    %dma_start3A_170 = tpu.memref_slice %arg2[%add3A_165] : memref<323584xi32, #tpu.memory_space<hbm>> -> memref<128xi32, #tpu.memory_space<hbm>>
    %dma_start3A_171 = arith.constant 0 : i32
    %dma_start3A_172 = tpu.memref_slice %arg6[%dma_start3A_166, %dma_start3A_171] : memref<4x128xi32, #tpu.memory_space<vmem>> -> memref<1x128xi32, #tpu.memory_space<vmem>>
    %dma_start3A_173 = tpu.memref_squeeze %dma_start3A_172 : memref<1x128xi32, #tpu.memory_space<vmem>> -> memref<128xi32, #tpu.memory_space<vmem>>
    %dma_start3A_174 = tpu.memref_slice %arg2[%add3A_165] : memref<323584xi32, #tpu.memory_space<hbm>> -> memref<128xi32, #tpu.memory_space<hbm>>
    tpu.enqueue_dma source(%dma_start3A_174 : memref<128xi32, #tpu.memory_space<hbm>>) target(%dma_start3A_173 : memref<128xi32, #tpu.memory_space<vmem>>) target_semaphore(%arg11 : memref<!tpu.dma_semaphore, #tpu.memory_space<semaphore_mem>>)
    %dma_wait3A_175 = arith.constant 0 : i32
    %dma_wait3A_176 = arith.constant 0 : i32
    %dma_wait3A_177 = tpu.memref_slice %arg6[%dma_wait3A_175, %dma_wait3A_176] : memref<4x128xi32, #tpu.memory_space<vmem>> -> memref<1x128xi32, #tpu.memory_space<vmem>>
    %dma_wait3A_178 = tpu.memref_squeeze %dma_wait3A_177 : memref<1x128xi32, #tpu.memory_space<vmem>> -> memref<128xi32, #tpu.memory_space<vmem>>
    %dma_wait3A_179 = arith.constant 0 : i32
    %dma_wait3A_180 = tpu.memref_slice %arg2[%dma_wait3A_179] : memref<323584xi32, #tpu.memory_space<hbm>> -> memref<128xi32, #tpu.memory_space<hbm>>
    %dma_wait3A_181 = arith.constant 0 : i32
    %dma_wait3A_182 = tpu.memref_slice %arg6[%dma_wait3A_175, %dma_wait3A_181] : memref<4x128xi32, #tpu.memory_space<vmem>> -> memref<1x128xi32, #tpu.memory_space<vmem>>
    %dma_wait3A_183 = tpu.memref_squeeze %dma_wait3A_182 : memref<1x128xi32, #tpu.memory_space<vmem>> -> memref<128xi32, #tpu.memory_space<vmem>>
    %dma_wait3A_184 = arith.constant 0 : i32
    %dma_wait3A_185 = tpu.memref_slice %arg2[%dma_wait3A_184] : memref<323584xi32, #tpu.memory_space<hbm>> -> memref<128xi32, #tpu.memory_space<hbm>>
    tpu.wait_dma2 semaphore(%arg9 : memref<!tpu.dma_semaphore, #tpu.memory_space<semaphore_mem>>) src(%dma_wait3A_185 : memref<128xi32, #tpu.memory_space<hbm>>) dst(%dma_wait3A_183 : memref<128xi32, #tpu.memory_space<vmem>>)
    %dma_start3A_186 = arith.constant 0 : i32
    %dma_start3A_187 = arith.constant 0 : i32
    %dma_start3A_188 = tpu.memref_slice %arg6[%dma_start3A_186, %dma_start3A_187] : memref<4x128xi32, #tpu.memory_space<vmem>> -> memref<1x128xi32, #tpu.memory_space<vmem>>
    %dma_start3A_189 = tpu.memref_squeeze %dma_start3A_188 : memref<1x128xi32, #tpu.memory_space<vmem>> -> memref<128xi32, #tpu.memory_space<vmem>>
    %dma_start3A_190 = arith.constant 0 : i32
    %dma_start3A_191 = tpu.memref_slice %arg8[%dma_start3A_190] : memref<10240xf32, #tpu.memory_space<vmem_shared>> -> memref<10240xf32, #tpu.memory_space<vmem_shared>>
    tpu.enqueue_indirect_dma source(%arg7 : memref<128xf32, #tpu.memory_space<vmem>>) target(%dma_start3A_191 : memref<10240xf32, #tpu.memory_space<vmem_shared>>) offsets(%dma_start3A_189 : memref<128xi32, #tpu.memory_space<vmem>>) semaphore(%arg13 : memref<!tpu.dma_semaphore, #tpu.memory_space<semaphore_mem>>) {add = true}
    %dma_wait3A_192 = arith.constant 1 : i32
    %dma_wait3A_193 = arith.constant 0 : i32
    %dma_wait3A_194 = tpu.memref_slice %arg6[%dma_wait3A_192, %dma_wait3A_193] : memref<4x128xi32, #tpu.memory_space<vmem>> -> memref<1x128xi32, #tpu.memory_space<vmem>>
    %dma_wait3A_195 = tpu.memref_squeeze %dma_wait3A_194 : memref<1x128xi32, #tpu.memory_space<vmem>> -> memref<128xi32, #tpu.memory_space<vmem>>
    %dma_wait3A_196 = arith.constant 0 : i32
    %dma_wait3A_197 = tpu.memref_slice %arg2[%dma_wait3A_196] : memref<323584xi32, #tpu.memory_space<hbm>> -> memref<128xi32, #tpu.memory_space<hbm>>
    %dma_wait3A_198 = arith.constant 0 : i32
    %dma_wait3A_199 = tpu.memref_slice %arg6[%dma_wait3A_192, %dma_wait3A_198] : memref<4x128xi32, #tpu.memory_space<vmem>> -> memref<1x128xi32, #tpu.memory_space<vmem>>
    %dma_wait3A_200 = tpu.memref_squeeze %dma_wait3A_199 : memref<1x128xi32, #tpu.memory_space<vmem>> -> memref<128xi32, #tpu.memory_space<vmem>>
    %dma_wait3A_201 = arith.constant 0 : i32
    %dma_wait3A_202 = tpu.memref_slice %arg2[%dma_wait3A_201] : memref<323584xi32, #tpu.memory_space<hbm>> -> memref<128xi32, #tpu.memory_space<hbm>>
    tpu.wait_dma2 semaphore(%arg10 : memref<!tpu.dma_semaphore, #tpu.memory_space<semaphore_mem>>) src(%dma_wait3A_202 : memref<128xi32, #tpu.memory_space<hbm>>) dst(%dma_wait3A_200 : memref<128xi32, #tpu.memory_space<vmem>>)
    %dma_start3A_203 = arith.constant 1 : i32
    %dma_start3A_204 = arith.constant 0 : i32
    %dma_start3A_205 = tpu.memref_slice %arg6[%dma_start3A_203, %dma_start3A_204] : memref<4x128xi32, #tpu.memory_space<vmem>> -> memref<1x128xi32, #tpu.memory_space<vmem>>
    %dma_start3A_206 = tpu.memref_squeeze %dma_start3A_205 : memref<1x128xi32, #tpu.memory_space<vmem>> -> memref<128xi32, #tpu.memory_space<vmem>>
    %dma_start3A_207 = arith.constant 0 : i32
    %dma_start3A_208 = tpu.memref_slice %arg8[%dma_start3A_207] : memref<10240xf32, #tpu.memory_space<vmem_shared>> -> memref<10240xf32, #tpu.memory_space<vmem_shared>>
    tpu.enqueue_indirect_dma source(%arg7 : memref<128xf32, #tpu.memory_space<vmem>>) target(%dma_start3A_208 : memref<10240xf32, #tpu.memory_space<vmem_shared>>) offsets(%dma_start3A_206 : memref<128xi32, #tpu.memory_space<vmem>>) semaphore(%arg14 : memref<!tpu.dma_semaphore, #tpu.memory_space<semaphore_mem>>) {add = true}
    %dma_wait3A_209 = arith.constant 2 : i32
    %dma_wait3A_210 = arith.constant 0 : i32
    %dma_wait3A_211 = tpu.memref_slice %arg6[%dma_wait3A_209, %dma_wait3A_210] : memref<4x128xi32, #tpu.memory_space<vmem>> -> memref<1x128xi32, #tpu.memory_space<vmem>>
    %dma_wait3A_212 = tpu.memref_squeeze %dma_wait3A_211 : memref<1x128xi32, #tpu.memory_space<vmem>> -> memref<128xi32, #tpu.memory_space<vmem>>
    %dma_wait3A_213 = arith.constant 0 : i32
    %dma_wait3A_214 = tpu.memref_slice %arg2[%dma_wait3A_213] : memref<323584xi32, #tpu.memory_space<hbm>> -> memref<128xi32, #tpu.memory_space<hbm>>
    %dma_wait3A_215 = arith.constant 0 : i32
    %dma_wait3A_216 = tpu.memref_slice %arg6[%dma_wait3A_209, %dma_wait3A_215] : memref<4x128xi32, #tpu.memory_space<vmem>> -> memref<1x128xi32, #tpu.memory_space<vmem>>
    %dma_wait3A_217 = tpu.memref_squeeze %dma_wait3A_216 : memref<1x128xi32, #tpu.memory_space<vmem>> -> memref<128xi32, #tpu.memory_space<vmem>>
    %dma_wait3A_218 = arith.constant 0 : i32
    %dma_wait3A_219 = tpu.memref_slice %arg2[%dma_wait3A_218] : memref<323584xi32, #tpu.memory_space<hbm>> -> memref<128xi32, #tpu.memory_space<hbm>>
    tpu.wait_dma2 semaphore(%arg11 : memref<!tpu.dma_semaphore, #tpu.memory_space<semaphore_mem>>) src(%dma_wait3A_219 : memref<128xi32, #tpu.memory_space<hbm>>) dst(%dma_wait3A_217 : memref<128xi32, #tpu.memory_space<vmem>>)
    %dma_start3A_220 = arith.constant 2 : i32
    %dma_start3A_221 = arith.constant 0 : i32
    %dma_start3A_222 = tpu.memref_slice %arg6[%dma_start3A_220, %dma_start3A_221] : memref<4x128xi32, #tpu.memory_space<vmem>> -> memref<1x128xi32, #tpu.memory_space<vmem>>
    %dma_start3A_223 = tpu.memref_squeeze %dma_start3A_222 : memref<1x128xi32, #tpu.memory_space<vmem>> -> memref<128xi32, #tpu.memory_space<vmem>>
    %dma_start3A_224 = arith.constant 0 : i32
    %dma_start3A_225 = tpu.memref_slice %arg8[%dma_start3A_224] : memref<10240xf32, #tpu.memory_space<vmem_shared>> -> memref<10240xf32, #tpu.memory_space<vmem_shared>>
    tpu.enqueue_indirect_dma source(%arg7 : memref<128xf32, #tpu.memory_space<vmem>>) target(%dma_start3A_225 : memref<10240xf32, #tpu.memory_space<vmem_shared>>) offsets(%dma_start3A_223 : memref<128xi32, #tpu.memory_space<vmem>>) semaphore(%arg15 : memref<!tpu.dma_semaphore, #tpu.memory_space<semaphore_mem>>) {add = true}
    %dma_wait3A_226 = arith.constant 0 : i32
    %dma_wait3A_227 = arith.constant 0 : i32
    %dma_wait3A_228 = tpu.memref_slice %arg6[%dma_wait3A_226, %dma_wait3A_227] : memref<4x128xi32, #tpu.memory_space<vmem>> -> memref<1x128xi32, #tpu.memory_space<vmem>>
    %dma_wait3A_229 = tpu.memref_squeeze %dma_wait3A_228 : memref<1x128xi32, #tpu.memory_space<vmem>> -> memref<128xi32, #tpu.memory_space<vmem>>
    %dma_wait3A_230 = arith.constant 0 : i32
    %dma_wait3A_231 = tpu.memref_slice %arg8[%dma_wait3A_230] : memref<10240xf32, #tpu.memory_space<vmem_shared>> -> memref<10240xf32, #tpu.memory_space<vmem_shared>>
    tpu.wait_indirect_dma semaphore(%arg16 : memref<!tpu.dma_semaphore, #tpu.memory_space<semaphore_mem>>) src(%arg7 : memref<128xf32, #tpu.memory_space<vmem>>) dst(%dma_wait3A_231 : memref<10240xf32, #tpu.memory_space<vmem_shared>>)
    %dma_wait3A_232 = arith.constant 0 : i32
    %dma_wait3A_233 = arith.constant 0 : i32
    %dma_wait3A_234 = tpu.memref_slice %arg6[%dma_wait3A_232, %dma_wait3A_233] : memref<4x128xi32, #tpu.memory_space<vmem>> -> memref<1x128xi32, #tpu.memory_space<vmem>>
    %dma_wait3A_235 = tpu.memref_squeeze %dma_wait3A_234 : memref<1x128xi32, #tpu.memory_space<vmem>> -> memref<128xi32, #tpu.memory_space<vmem>>
    %dma_wait3A_236 = arith.constant 0 : i32
    %dma_wait3A_237 = tpu.memref_slice %arg8[%dma_wait3A_236] : memref<10240xf32, #tpu.memory_space<vmem_shared>> -> memref<10240xf32, #tpu.memory_space<vmem_shared>>
    tpu.wait_indirect_dma semaphore(%arg13 : memref<!tpu.dma_semaphore, #tpu.memory_space<semaphore_mem>>) src(%arg7 : memref<128xf32, #tpu.memory_space<vmem>>) dst(%dma_wait3A_237 : memref<10240xf32, #tpu.memory_space<vmem_shared>>)
    %dma_wait3A_238 = arith.constant 0 : i32
    %dma_wait3A_239 = arith.constant 0 : i32
    %dma_wait3A_240 = tpu.memref_slice %arg6[%dma_wait3A_238, %dma_wait3A_239] : memref<4x128xi32, #tpu.memory_space<vmem>> -> memref<1x128xi32, #tpu.memory_space<vmem>>
    %dma_wait3A_241 = tpu.memref_squeeze %dma_wait3A_240 : memref<1x128xi32, #tpu.memory_space<vmem>> -> memref<128xi32, #tpu.memory_space<vmem>>
    %dma_wait3A_242 = arith.constant 0 : i32
    %dma_wait3A_243 = tpu.memref_slice %arg8[%dma_wait3A_242] : memref<10240xf32, #tpu.memory_space<vmem_shared>> -> memref<10240xf32, #tpu.memory_space<vmem_shared>>
    tpu.wait_indirect_dma semaphore(%arg14 : memref<!tpu.dma_semaphore, #tpu.memory_space<semaphore_mem>>) src(%arg7 : memref<128xf32, #tpu.memory_space<vmem>>) dst(%dma_wait3A_243 : memref<10240xf32, #tpu.memory_space<vmem_shared>>)
    %dma_wait3A_244 = arith.constant 0 : i32
    %dma_wait3A_245 = arith.constant 0 : i32
    %dma_wait3A_246 = tpu.memref_slice %arg6[%dma_wait3A_244, %dma_wait3A_245] : memref<4x128xi32, #tpu.memory_space<vmem>> -> memref<1x128xi32, #tpu.memory_space<vmem>>
    %dma_wait3A_247 = tpu.memref_squeeze %dma_wait3A_246 : memref<1x128xi32, #tpu.memory_space<vmem>> -> memref<128xi32, #tpu.memory_space<vmem>>
    %dma_wait3A_248 = arith.constant 0 : i32
    %dma_wait3A_249 = tpu.memref_slice %arg8[%dma_wait3A_248] : memref<10240xf32, #tpu.memory_space<vmem_shared>> -> memref<10240xf32, #tpu.memory_space<vmem_shared>>
    tpu.wait_indirect_dma semaphore(%arg15 : memref<!tpu.dma_semaphore, #tpu.memory_space<semaphore_mem>>) src(%arg7 : memref<128xf32, #tpu.memory_space<vmem>>) dst(%dma_wait3A_249 : memref<10240xf32, #tpu.memory_space<vmem_shared>>)
    %barrier3A_250 = arith.constant 0 : index
    tpu.barrier barrier_id(%barrier3A_250)
    %mul3A_251 = arith.constant 640 : i32
    %mul3A_252 = arith.muli %arg1, %mul3A_251 : i32
    %mul3A_253 = arith.constant 10240 : i32
    %mul3A_254 = arith.muli %arg0, %mul3A_253 : i32
    %mul3A_255 = arith.constant 640 : i32
    %mul3A_256 = arith.muli %arg1, %mul3A_255 : i32
    %add3A_257 = arith.addi %mul3A_254, %mul3A_256 : i32
    "tpu.region"() ({
      %run_scoped3A = tpu.sem_alloc : memref<!tpu.dma_semaphore, #tpu.memory_space<semaphore_mem>>
      %dma_start3A_258 = tpu.memref_slice %arg5[%add3A_257] : memref<20480xf32, #tpu.memory_space<hbm>> -> memref<640xf32, #tpu.memory_space<hbm>>
      %dma_start3A_259 = tpu.memref_slice %arg8[%mul3A_252] : memref<10240xf32, #tpu.memory_space<vmem_shared>> -> memref<640xf32, #tpu.memory_space<vmem_shared>>
      tpu.enqueue_dma source(%dma_start3A_259 : memref<640xf32, #tpu.memory_space<vmem_shared>>) target(%dma_start3A_258 : memref<640xf32, #tpu.memory_space<hbm>>) target_semaphore(%run_scoped3A : memref<!tpu.dma_semaphore, #tpu.memory_space<semaphore_mem>>)
      %dma_wait3A_260 = tpu.memref_slice %arg5[%add3A_257] : memref<20480xf32, #tpu.memory_space<hbm>> -> memref<640xf32, #tpu.memory_space<hbm>>
      %dma_wait3A_261 = tpu.memref_slice %arg8[%mul3A_252] : memref<10240xf32, #tpu.memory_space<vmem_shared>> -> memref<640xf32, #tpu.memory_space<vmem_shared>>
      tpu.wait_dma2 semaphore(%run_scoped3A : memref<!tpu.dma_semaphore, #tpu.memory_space<semaphore_mem>>) src(%dma_wait3A_261 : memref<640xf32, #tpu.memory_space<vmem_shared>>) dst(%dma_wait3A_260 : memref<640xf32, #tpu.memory_space<hbm>>)
      tpu.yield
    }) : () -> ()
    return
  }
}

#map = affine_map<(d0, d1) -> (0)>
#map1 = affine_map<(d0, d1) -> (0, 0)>
#map2 = affine_map<(d0, d1) -> (0, 0, 0)>
module attributes {stable_mosaic.version = 14 : i64} {
  func.func @msg_kernel(%arg0: i32, %arg1: i32, %arg2: memref<323584xi32, #tpu.memory_space<hbm>>, %arg3: memref<323584xi32, #tpu.memory_space<hbm>>, %arg4: memref<10000x128xf32, #tpu.memory_space<hbm>>, %arg5: memref<128x128xf32, #tpu.memory_space<hbm>>, %arg6: memref<2x10240x128xf32, #tpu.memory_space<hbm>>, %arg7: memref<4x128xi32, #tpu.memory_space<vmem>>, %arg8: memref<4x128xi32, #tpu.memory_space<vmem>>, %arg9: memref<2x128x128xf32, #tpu.memory_space<vmem>>, %arg10: memref<10240x128xf32, #tpu.memory_space<vmem_shared>>, %arg11: memref<!tpu.dma_semaphore, #tpu.memory_space<semaphore_mem>>, %arg12: memref<!tpu.dma_semaphore, #tpu.memory_space<semaphore_mem>>, %arg13: memref<!tpu.dma_semaphore, #tpu.memory_space<semaphore_mem>>, %arg14: memref<!tpu.dma_semaphore, #tpu.memory_space<semaphore_mem>>, %arg15: memref<!tpu.dma_semaphore, #tpu.memory_space<semaphore_mem>>, %arg16: memref<!tpu.dma_semaphore, #tpu.memory_space<semaphore_mem>>) attributes {dimension_semantics = [#tpu.dimension_semantics<core_parallel>, #tpu.dimension_semantics<subcore_parallel>], iteration_bounds = array<i64: 2, 16>, scalar_prefetch = 0 : i64, scratch_operands = 10 : i64, tpu.core_type = #tpu.core_type<sc_vector_subcore>, window_params = [{transform_indices = #map}, {transform_indices = #map}, {transform_indices = #map1}, {transform_indices = #map1}, {transform_indices = #map2}]} {
    %mul3A = arith.constant 2 : i32
    %mul3A_0 = arith.muli %arg1, %mul3A : i32
    %add3A = arith.addi %mul3A_0, %arg0 : i32
    %mul3A_1 = arith.constant 79 : i32
    %mul3A_2 = arith.muli %add3A, %mul3A_1 : i32
    %mul3A_3 = arith.constant 128 : i32
    %mul3A_4 = arith.muli %mul3A_2, %mul3A_3 : i32
    %add3A_5 = arith.constant 0 : i32
    %add3A_6 = arith.addi %mul3A_4, %add3A_5 : i32
    %dma_start3A = arith.constant 0 : i32
    %dma_start3A_7 = arith.constant 0 : i32
    %dma_start3A_8 = tpu.memref_slice %arg7[%dma_start3A, %dma_start3A_7] : memref<4x128xi32, #tpu.memory_space<vmem>> -> memref<1x128xi32, #tpu.memory_space<vmem>>
    %dma_start3A_9 = tpu.memref_squeeze %dma_start3A_8 : memref<1x128xi32, #tpu.memory_space<vmem>> -> memref<128xi32, #tpu.memory_space<vmem>>
    %dma_start3A_10 = tpu.memref_slice %arg2[%add3A_6] : memref<323584xi32, #tpu.memory_space<hbm>> -> memref<128xi32, #tpu.memory_space<hbm>>
    %dma_start3A_11 = arith.constant 0 : i32
    %dma_start3A_12 = tpu.memref_slice %arg7[%dma_start3A, %dma_start3A_11] : memref<4x128xi32, #tpu.memory_space<vmem>> -> memref<1x128xi32, #tpu.memory_space<vmem>>
    %dma_start3A_13 = tpu.memref_squeeze %dma_start3A_12 : memref<1x128xi32, #tpu.memory_space<vmem>> -> memref<128xi32, #tpu.memory_space<vmem>>
    %dma_start3A_14 = tpu.memref_slice %arg2[%add3A_6] : memref<323584xi32, #tpu.memory_space<hbm>> -> memref<128xi32, #tpu.memory_space<hbm>>
    tpu.enqueue_dma source(%dma_start3A_14 : memref<128xi32, #tpu.memory_space<hbm>>) target(%dma_start3A_13 : memref<128xi32, #tpu.memory_space<vmem>>) target_semaphore(%arg11 : memref<!tpu.dma_semaphore, #tpu.memory_space<semaphore_mem>>)
    %add3A_15 = arith.constant 0 : i32
    %add3A_16 = arith.addi %mul3A_4, %add3A_15 : i32
    %dma_start3A_17 = arith.constant 0 : i32
    %dma_start3A_18 = arith.constant 0 : i32
    %dma_start3A_19 = tpu.memref_slice %arg8[%dma_start3A_17, %dma_start3A_18] : memref<4x128xi32, #tpu.memory_space<vmem>> -> memref<1x128xi32, #tpu.memory_space<vmem>>
    %dma_start3A_20 = tpu.memref_squeeze %dma_start3A_19 : memref<1x128xi32, #tpu.memory_space<vmem>> -> memref<128xi32, #tpu.memory_space<vmem>>
    %dma_start3A_21 = tpu.memref_slice %arg3[%add3A_16] : memref<323584xi32, #tpu.memory_space<hbm>> -> memref<128xi32, #tpu.memory_space<hbm>>
    %dma_start3A_22 = arith.constant 0 : i32
    %dma_start3A_23 = tpu.memref_slice %arg8[%dma_start3A_17, %dma_start3A_22] : memref<4x128xi32, #tpu.memory_space<vmem>> -> memref<1x128xi32, #tpu.memory_space<vmem>>
    %dma_start3A_24 = tpu.memref_squeeze %dma_start3A_23 : memref<1x128xi32, #tpu.memory_space<vmem>> -> memref<128xi32, #tpu.memory_space<vmem>>
    %dma_start3A_25 = tpu.memref_slice %arg3[%add3A_16] : memref<323584xi32, #tpu.memory_space<hbm>> -> memref<128xi32, #tpu.memory_space<hbm>>
    tpu.enqueue_dma source(%dma_start3A_25 : memref<128xi32, #tpu.memory_space<hbm>>) target(%dma_start3A_24 : memref<128xi32, #tpu.memory_space<vmem>>) target_semaphore(%arg11 : memref<!tpu.dma_semaphore, #tpu.memory_space<semaphore_mem>>)
    %add3A_26 = arith.constant 128 : i32
    %add3A_27 = arith.addi %mul3A_4, %add3A_26 : i32
    %dma_start3A_28 = arith.constant 1 : i32
    %dma_start3A_29 = arith.constant 0 : i32
    %dma_start3A_30 = tpu.memref_slice %arg7[%dma_start3A_28, %dma_start3A_29] : memref<4x128xi32, #tpu.memory_space<vmem>> -> memref<1x128xi32, #tpu.memory_space<vmem>>
    %dma_start3A_31 = tpu.memref_squeeze %dma_start3A_30 : memref<1x128xi32, #tpu.memory_space<vmem>> -> memref<128xi32, #tpu.memory_space<vmem>>
    %dma_start3A_32 = tpu.memref_slice %arg2[%add3A_27] : memref<323584xi32, #tpu.memory_space<hbm>> -> memref<128xi32, #tpu.memory_space<hbm>>
    %dma_start3A_33 = arith.constant 0 : i32
    %dma_start3A_34 = tpu.memref_slice %arg7[%dma_start3A_28, %dma_start3A_33] : memref<4x128xi32, #tpu.memory_space<vmem>> -> memref<1x128xi32, #tpu.memory_space<vmem>>
    %dma_start3A_35 = tpu.memref_squeeze %dma_start3A_34 : memref<1x128xi32, #tpu.memory_space<vmem>> -> memref<128xi32, #tpu.memory_space<vmem>>
    %dma_start3A_36 = tpu.memref_slice %arg2[%add3A_27] : memref<323584xi32, #tpu.memory_space<hbm>> -> memref<128xi32, #tpu.memory_space<hbm>>
    tpu.enqueue_dma source(%dma_start3A_36 : memref<128xi32, #tpu.memory_space<hbm>>) target(%dma_start3A_35 : memref<128xi32, #tpu.memory_space<vmem>>) target_semaphore(%arg12 : memref<!tpu.dma_semaphore, #tpu.memory_space<semaphore_mem>>)
    %add3A_37 = arith.constant 128 : i32
    %add3A_38 = arith.addi %mul3A_4, %add3A_37 : i32
    %dma_start3A_39 = arith.constant 1 : i32
    %dma_start3A_40 = arith.constant 0 : i32
    %dma_start3A_41 = tpu.memref_slice %arg8[%dma_start3A_39, %dma_start3A_40] : memref<4x128xi32, #tpu.memory_space<vmem>> -> memref<1x128xi32, #tpu.memory_space<vmem>>
    %dma_start3A_42 = tpu.memref_squeeze %dma_start3A_41 : memref<1x128xi32, #tpu.memory_space<vmem>> -> memref<128xi32, #tpu.memory_space<vmem>>
    %dma_start3A_43 = tpu.memref_slice %arg3[%add3A_38] : memref<323584xi32, #tpu.memory_space<hbm>> -> memref<128xi32, #tpu.memory_space<hbm>>
    %dma_start3A_44 = arith.constant 0 : i32
    %dma_start3A_45 = tpu.memref_slice %arg8[%dma_start3A_39, %dma_start3A_44] : memref<4x128xi32, #tpu.memory_space<vmem>> -> memref<1x128xi32, #tpu.memory_space<vmem>>
    %dma_start3A_46 = tpu.memref_squeeze %dma_start3A_45 : memref<1x128xi32, #tpu.memory_space<vmem>> -> memref<128xi32, #tpu.memory_space<vmem>>
    %dma_start3A_47 = tpu.memref_slice %arg3[%add3A_38] : memref<323584xi32, #tpu.memory_space<hbm>> -> memref<128xi32, #tpu.memory_space<hbm>>
    tpu.enqueue_dma source(%dma_start3A_47 : memref<128xi32, #tpu.memory_space<hbm>>) target(%dma_start3A_46 : memref<128xi32, #tpu.memory_space<vmem>>) target_semaphore(%arg12 : memref<!tpu.dma_semaphore, #tpu.memory_space<semaphore_mem>>)
    %add3A_48 = arith.constant 256 : i32
    %add3A_49 = arith.addi %mul3A_4, %add3A_48 : i32
    %dma_start3A_50 = arith.constant 2 : i32
    %dma_start3A_51 = arith.constant 0 : i32
    %dma_start3A_52 = tpu.memref_slice %arg7[%dma_start3A_50, %dma_start3A_51] : memref<4x128xi32, #tpu.memory_space<vmem>> -> memref<1x128xi32, #tpu.memory_space<vmem>>
    %dma_start3A_53 = tpu.memref_squeeze %dma_start3A_52 : memref<1x128xi32, #tpu.memory_space<vmem>> -> memref<128xi32, #tpu.memory_space<vmem>>
    %dma_start3A_54 = tpu.memref_slice %arg2[%add3A_49] : memref<323584xi32, #tpu.memory_space<hbm>> -> memref<128xi32, #tpu.memory_space<hbm>>
    %dma_start3A_55 = arith.constant 0 : i32
    %dma_start3A_56 = tpu.memref_slice %arg7[%dma_start3A_50, %dma_start3A_55] : memref<4x128xi32, #tpu.memory_space<vmem>> -> memref<1x128xi32, #tpu.memory_space<vmem>>
    %dma_start3A_57 = tpu.memref_squeeze %dma_start3A_56 : memref<1x128xi32, #tpu.memory_space<vmem>> -> memref<128xi32, #tpu.memory_space<vmem>>
    %dma_start3A_58 = tpu.memref_slice %arg2[%add3A_49] : memref<323584xi32, #tpu.memory_space<hbm>> -> memref<128xi32, #tpu.memory_space<hbm>>
    tpu.enqueue_dma source(%dma_start3A_58 : memref<128xi32, #tpu.memory_space<hbm>>) target(%dma_start3A_57 : memref<128xi32, #tpu.memory_space<vmem>>) target_semaphore(%arg13 : memref<!tpu.dma_semaphore, #tpu.memory_space<semaphore_mem>>)
    %add3A_59 = arith.constant 256 : i32
    %add3A_60 = arith.addi %mul3A_4, %add3A_59 : i32
    %dma_start3A_61 = arith.constant 2 : i32
    %dma_start3A_62 = arith.constant 0 : i32
    %dma_start3A_63 = tpu.memref_slice %arg8[%dma_start3A_61, %dma_start3A_62] : memref<4x128xi32, #tpu.memory_space<vmem>> -> memref<1x128xi32, #tpu.memory_space<vmem>>
    %dma_start3A_64 = tpu.memref_squeeze %dma_start3A_63 : memref<1x128xi32, #tpu.memory_space<vmem>> -> memref<128xi32, #tpu.memory_space<vmem>>
    %dma_start3A_65 = tpu.memref_slice %arg3[%add3A_60] : memref<323584xi32, #tpu.memory_space<hbm>> -> memref<128xi32, #tpu.memory_space<hbm>>
    %dma_start3A_66 = arith.constant 0 : i32
    %dma_start3A_67 = tpu.memref_slice %arg8[%dma_start3A_61, %dma_start3A_66] : memref<4x128xi32, #tpu.memory_space<vmem>> -> memref<1x128xi32, #tpu.memory_space<vmem>>
    %dma_start3A_68 = tpu.memref_squeeze %dma_start3A_67 : memref<1x128xi32, #tpu.memory_space<vmem>> -> memref<128xi32, #tpu.memory_space<vmem>>
    %dma_start3A_69 = tpu.memref_slice %arg3[%add3A_60] : memref<323584xi32, #tpu.memory_space<hbm>> -> memref<128xi32, #tpu.memory_space<hbm>>
    tpu.enqueue_dma source(%dma_start3A_69 : memref<128xi32, #tpu.memory_space<hbm>>) target(%dma_start3A_68 : memref<128xi32, #tpu.memory_space<vmem>>) target_semaphore(%arg13 : memref<!tpu.dma_semaphore, #tpu.memory_space<semaphore_mem>>)
    %dma_wait3A = arith.constant 0 : i32
    %dma_wait3A_70 = arith.constant 0 : i32
    %dma_wait3A_71 = tpu.memref_slice %arg7[%dma_wait3A, %dma_wait3A_70] : memref<4x128xi32, #tpu.memory_space<vmem>> -> memref<1x128xi32, #tpu.memory_space<vmem>>
    %dma_wait3A_72 = tpu.memref_squeeze %dma_wait3A_71 : memref<1x128xi32, #tpu.memory_space<vmem>> -> memref<128xi32, #tpu.memory_space<vmem>>
    %dma_wait3A_73 = arith.constant 0 : i32
    %dma_wait3A_74 = tpu.memref_slice %arg2[%dma_wait3A_73] : memref<323584xi32, #tpu.memory_space<hbm>> -> memref<128xi32, #tpu.memory_space<hbm>>
    %dma_wait3A_75 = arith.constant 0 : i32
    %dma_wait3A_76 = tpu.memref_slice %arg7[%dma_wait3A, %dma_wait3A_75] : memref<4x128xi32, #tpu.memory_space<vmem>> -> memref<1x128xi32, #tpu.memory_space<vmem>>
    %dma_wait3A_77 = tpu.memref_squeeze %dma_wait3A_76 : memref<1x128xi32, #tpu.memory_space<vmem>> -> memref<128xi32, #tpu.memory_space<vmem>>
    %dma_wait3A_78 = arith.constant 0 : i32
    %dma_wait3A_79 = tpu.memref_slice %arg2[%dma_wait3A_78] : memref<323584xi32, #tpu.memory_space<hbm>> -> memref<128xi32, #tpu.memory_space<hbm>>
    tpu.wait_dma2 semaphore(%arg11 : memref<!tpu.dma_semaphore, #tpu.memory_space<semaphore_mem>>) src(%dma_wait3A_79 : memref<128xi32, #tpu.memory_space<hbm>>) dst(%dma_wait3A_77 : memref<128xi32, #tpu.memory_space<vmem>>)
    %dma_wait3A_80 = arith.constant 0 : i32
    %dma_wait3A_81 = arith.constant 0 : i32
    %dma_wait3A_82 = tpu.memref_slice %arg8[%dma_wait3A_80, %dma_wait3A_81] : memref<4x128xi32, #tpu.memory_space<vmem>> -> memref<1x128xi32, #tpu.memory_space<vmem>>
    %dma_wait3A_83 = tpu.memref_squeeze %dma_wait3A_82 : memref<1x128xi32, #tpu.memory_space<vmem>> -> memref<128xi32, #tpu.memory_space<vmem>>
    %dma_wait3A_84 = arith.constant 0 : i32
    %dma_wait3A_85 = tpu.memref_slice %arg3[%dma_wait3A_84] : memref<323584xi32, #tpu.memory_space<hbm>> -> memref<128xi32, #tpu.memory_space<hbm>>
    %dma_wait3A_86 = arith.constant 0 : i32
    %dma_wait3A_87 = tpu.memref_slice %arg8[%dma_wait3A_80, %dma_wait3A_86] : memref<4x128xi32, #tpu.memory_space<vmem>> -> memref<1x128xi32, #tpu.memory_space<vmem>>
    %dma_wait3A_88 = tpu.memref_squeeze %dma_wait3A_87 : memref<1x128xi32, #tpu.memory_space<vmem>> -> memref<128xi32, #tpu.memory_space<vmem>>
    %dma_wait3A_89 = arith.constant 0 : i32
    %dma_wait3A_90 = tpu.memref_slice %arg3[%dma_wait3A_89] : memref<323584xi32, #tpu.memory_space<hbm>> -> memref<128xi32, #tpu.memory_space<hbm>>
    tpu.wait_dma2 semaphore(%arg11 : memref<!tpu.dma_semaphore, #tpu.memory_space<semaphore_mem>>) src(%dma_wait3A_90 : memref<128xi32, #tpu.memory_space<hbm>>) dst(%dma_wait3A_88 : memref<128xi32, #tpu.memory_space<vmem>>)
    %dma_start3A_91 = arith.constant 0 : i32
    %dma_start3A_92 = arith.constant 0 : i32
    %dma_start3A_93 = arith.constant 0 : i32
    %dma_start3A_94 = arith.constant 0 : i32
    %dma_start3A_95 = tpu.memref_slice %arg9[%dma_start3A_92, %dma_start3A_93, %dma_start3A_94] : memref<2x128x128xf32, #tpu.memory_space<vmem>> -> memref<1x128x128xf32, #tpu.memory_space<vmem>>
    %dma_start3A_96 = tpu.memref_squeeze %dma_start3A_95 : memref<1x128x128xf32, #tpu.memory_space<vmem>> -> memref<128x128xf32, #tpu.memory_space<vmem>>
    %dma_start3A_97 = arith.constant 0 : i32
    %dma_start3A_98 = tpu.memref_slice %arg7[%dma_start3A_91, %dma_start3A_97] : memref<4x128xi32, #tpu.memory_space<vmem>> -> memref<1x128xi32, #tpu.memory_space<vmem>>
    %dma_start3A_99 = tpu.memref_squeeze %dma_start3A_98 : memref<1x128xi32, #tpu.memory_space<vmem>> -> memref<128xi32, #tpu.memory_space<vmem>>
    %dma_start3A_100 = arith.constant 0 : i32
    %dma_start3A_101 = arith.constant 0 : i32
    %dma_start3A_102 = tpu.memref_slice %arg4[%dma_start3A_100, %dma_start3A_101] : memref<10000x128xf32, #tpu.memory_space<hbm>> -> memref<10000x128xf32, #tpu.memory_space<hbm>>
    tpu.enqueue_indirect_dma source(%dma_start3A_102 : memref<10000x128xf32, #tpu.memory_space<hbm>>) target(%dma_start3A_96 : memref<128x128xf32, #tpu.memory_space<vmem>>) offsets(%dma_start3A_99 : memref<128xi32, #tpu.memory_space<vmem>>) semaphore(%arg15 : memref<!tpu.dma_semaphore, #tpu.memory_space<semaphore_mem>>)
    %mul3A_103 = arith.constant 640 : i32
    %mul3A_104 = arith.muli %arg1, %mul3A_103 : i32
    %add3A_105 = arith.constant 0 : i32
    %add3A_106 = arith.addi %mul3A_104, %add3A_105 : i32
    "tpu.region"() ({
      %run_scoped3A_522 = tpu.sem_alloc : memref<!tpu.dma_semaphore, #tpu.memory_space<semaphore_mem>>
      %dma_start3A_523 = arith.constant 0 : i32
      %dma_start3A_524 = tpu.memref_slice %arg10[%add3A_106, %dma_start3A_523] : memref<10240x128xf32, #tpu.memory_space<vmem_shared>> -> memref<128x128xf32, #tpu.memory_space<vmem_shared>>
      tpu.enqueue_dma source(%arg5 : memref<128x128xf32, #tpu.memory_space<hbm>>) target(%dma_start3A_524 : memref<128x128xf32, #tpu.memory_space<vmem_shared>>) target_semaphore(%run_scoped3A_522 : memref<!tpu.dma_semaphore, #tpu.memory_space<semaphore_mem>>)
      %dma_wait3A_525 = arith.constant 0 : i32
      %dma_wait3A_526 = tpu.memref_slice %arg10[%add3A_106, %dma_wait3A_525] : memref<10240x128xf32, #tpu.memory_space<vmem_shared>> -> memref<128x128xf32, #tpu.memory_space<vmem_shared>>
      tpu.wait_dma2 semaphore(%run_scoped3A_522 : memref<!tpu.dma_semaphore, #tpu.memory_space<semaphore_mem>>) src(%arg5 : memref<128x128xf32, #tpu.memory_space<hbm>>) dst(%dma_wait3A_526 : memref<128x128xf32, #tpu.memory_space<vmem_shared>>)
      tpu.yield
    }) : () -> ()
    %mul3A_107 = arith.constant 640 : i32
    %mul3A_108 = arith.muli %arg1, %mul3A_107 : i32
    %add3A_109 = arith.constant 128 : i32
    %add3A_110 = arith.addi %mul3A_108, %add3A_109 : i32
    "tpu.region"() ({
      %run_scoped3A_522 = tpu.sem_alloc : memref<!tpu.dma_semaphore, #tpu.memory_space<semaphore_mem>>
      %dma_start3A_523 = arith.constant 0 : i32
      %dma_start3A_524 = tpu.memref_slice %arg10[%add3A_110, %dma_start3A_523] : memref<10240x128xf32, #tpu.memory_space<vmem_shared>> -> memref<128x128xf32, #tpu.memory_space<vmem_shared>>
      tpu.enqueue_dma source(%arg5 : memref<128x128xf32, #tpu.memory_space<hbm>>) target(%dma_start3A_524 : memref<128x128xf32, #tpu.memory_space<vmem_shared>>) target_semaphore(%run_scoped3A_522 : memref<!tpu.dma_semaphore, #tpu.memory_space<semaphore_mem>>)
      %dma_wait3A_525 = arith.constant 0 : i32
      %dma_wait3A_526 = tpu.memref_slice %arg10[%add3A_110, %dma_wait3A_525] : memref<10240x128xf32, #tpu.memory_space<vmem_shared>> -> memref<128x128xf32, #tpu.memory_space<vmem_shared>>
      tpu.wait_dma2 semaphore(%run_scoped3A_522 : memref<!tpu.dma_semaphore, #tpu.memory_space<semaphore_mem>>) src(%arg5 : memref<128x128xf32, #tpu.memory_space<hbm>>) dst(%dma_wait3A_526 : memref<128x128xf32, #tpu.memory_space<vmem_shared>>)
      tpu.yield
    }) : () -> ()
    %mul3A_111 = arith.constant 640 : i32
    %mul3A_112 = arith.muli %arg1, %mul3A_111 : i32
    %add3A_113 = arith.constant 256 : i32
    %add3A_114 = arith.addi %mul3A_112, %add3A_113 : i32
    "tpu.region"() ({
      %run_scoped3A_522 = tpu.sem_alloc : memref<!tpu.dma_semaphore, #tpu.memory_space<semaphore_mem>>
      %dma_start3A_523 = arith.constant 0 : i32
      %dma_start3A_524 = tpu.memref_slice %arg10[%add3A_114, %dma_start3A_523] : memref<10240x128xf32, #tpu.memory_space<vmem_shared>> -> memref<128x128xf32, #tpu.memory_space<vmem_shared>>
      tpu.enqueue_dma source(%arg5 : memref<128x128xf32, #tpu.memory_space<hbm>>) target(%dma_start3A_524 : memref<128x128xf32, #tpu.memory_space<vmem_shared>>) target_semaphore(%run_scoped3A_522 : memref<!tpu.dma_semaphore, #tpu.memory_space<semaphore_mem>>)
      %dma_wait3A_525 = arith.constant 0 : i32
      %dma_wait3A_526 = tpu.memref_slice %arg10[%add3A_114, %dma_wait3A_525] : memref<10240x128xf32, #tpu.memory_space<vmem_shared>> -> memref<128x128xf32, #tpu.memory_space<vmem_shared>>
      tpu.wait_dma2 semaphore(%run_scoped3A_522 : memref<!tpu.dma_semaphore, #tpu.memory_space<semaphore_mem>>) src(%arg5 : memref<128x128xf32, #tpu.memory_space<hbm>>) dst(%dma_wait3A_526 : memref<128x128xf32, #tpu.memory_space<vmem_shared>>)
      tpu.yield
    }) : () -> ()
    %mul3A_115 = arith.constant 640 : i32
    %mul3A_116 = arith.muli %arg1, %mul3A_115 : i32
    %add3A_117 = arith.constant 384 : i32
    %add3A_118 = arith.addi %mul3A_116, %add3A_117 : i32
    "tpu.region"() ({
      %run_scoped3A_522 = tpu.sem_alloc : memref<!tpu.dma_semaphore, #tpu.memory_space<semaphore_mem>>
      %dma_start3A_523 = arith.constant 0 : i32
      %dma_start3A_524 = tpu.memref_slice %arg10[%add3A_118, %dma_start3A_523] : memref<10240x128xf32, #tpu.memory_space<vmem_shared>> -> memref<128x128xf32, #tpu.memory_space<vmem_shared>>
      tpu.enqueue_dma source(%arg5 : memref<128x128xf32, #tpu.memory_space<hbm>>) target(%dma_start3A_524 : memref<128x128xf32, #tpu.memory_space<vmem_shared>>) target_semaphore(%run_scoped3A_522 : memref<!tpu.dma_semaphore, #tpu.memory_space<semaphore_mem>>)
      %dma_wait3A_525 = arith.constant 0 : i32
      %dma_wait3A_526 = tpu.memref_slice %arg10[%add3A_118, %dma_wait3A_525] : memref<10240x128xf32, #tpu.memory_space<vmem_shared>> -> memref<128x128xf32, #tpu.memory_space<vmem_shared>>
      tpu.wait_dma2 semaphore(%run_scoped3A_522 : memref<!tpu.dma_semaphore, #tpu.memory_space<semaphore_mem>>) src(%arg5 : memref<128x128xf32, #tpu.memory_space<hbm>>) dst(%dma_wait3A_526 : memref<128x128xf32, #tpu.memory_space<vmem_shared>>)
      tpu.yield
    }) : () -> ()
    %mul3A_119 = arith.constant 640 : i32
    %mul3A_120 = arith.muli %arg1, %mul3A_119 : i32
    %add3A_121 = arith.constant 512 : i32
    %add3A_122 = arith.addi %mul3A_120, %add3A_121 : i32
    "tpu.region"() ({
      %run_scoped3A_522 = tpu.sem_alloc : memref<!tpu.dma_semaphore, #tpu.memory_space<semaphore_mem>>
      %dma_start3A_523 = arith.constant 0 : i32
      %dma_start3A_524 = tpu.memref_slice %arg10[%add3A_122, %dma_start3A_523] : memref<10240x128xf32, #tpu.memory_space<vmem_shared>> -> memref<128x128xf32, #tpu.memory_space<vmem_shared>>
      tpu.enqueue_dma source(%arg5 : memref<128x128xf32, #tpu.memory_space<hbm>>) target(%dma_start3A_524 : memref<128x128xf32, #tpu.memory_space<vmem_shared>>) target_semaphore(%run_scoped3A_522 : memref<!tpu.dma_semaphore, #tpu.memory_space<semaphore_mem>>)
      %dma_wait3A_525 = arith.constant 0 : i32
      %dma_wait3A_526 = tpu.memref_slice %arg10[%add3A_122, %dma_wait3A_525] : memref<10240x128xf32, #tpu.memory_space<vmem_shared>> -> memref<128x128xf32, #tpu.memory_space<vmem_shared>>
      tpu.wait_dma2 semaphore(%run_scoped3A_522 : memref<!tpu.dma_semaphore, #tpu.memory_space<semaphore_mem>>) src(%arg5 : memref<128x128xf32, #tpu.memory_space<hbm>>) dst(%dma_wait3A_526 : memref<128x128xf32, #tpu.memory_space<vmem_shared>>)
      tpu.yield
    }) : () -> ()
    %barrier3A = arith.constant 0 : index
    tpu.barrier barrier_id(%barrier3A)
    %dma_wait3A_123 = arith.constant 1 : i32
    %dma_wait3A_124 = arith.constant 0 : i32
    %dma_wait3A_125 = tpu.memref_slice %arg7[%dma_wait3A_123, %dma_wait3A_124] : memref<4x128xi32, #tpu.memory_space<vmem>> -> memref<1x128xi32, #tpu.memory_space<vmem>>
    %dma_wait3A_126 = tpu.memref_squeeze %dma_wait3A_125 : memref<1x128xi32, #tpu.memory_space<vmem>> -> memref<128xi32, #tpu.memory_space<vmem>>
    %dma_wait3A_127 = arith.constant 0 : i32
    %dma_wait3A_128 = tpu.memref_slice %arg2[%dma_wait3A_127] : memref<323584xi32, #tpu.memory_space<hbm>> -> memref<128xi32, #tpu.memory_space<hbm>>
    %dma_wait3A_129 = arith.constant 0 : i32
    %dma_wait3A_130 = tpu.memref_slice %arg7[%dma_wait3A_123, %dma_wait3A_129] : memref<4x128xi32, #tpu.memory_space<vmem>> -> memref<1x128xi32, #tpu.memory_space<vmem>>
    %dma_wait3A_131 = tpu.memref_squeeze %dma_wait3A_130 : memref<1x128xi32, #tpu.memory_space<vmem>> -> memref<128xi32, #tpu.memory_space<vmem>>
    %dma_wait3A_132 = arith.constant 0 : i32
    %dma_wait3A_133 = tpu.memref_slice %arg2[%dma_wait3A_132] : memref<323584xi32, #tpu.memory_space<hbm>> -> memref<128xi32, #tpu.memory_space<hbm>>
    tpu.wait_dma2 semaphore(%arg12 : memref<!tpu.dma_semaphore, #tpu.memory_space<semaphore_mem>>) src(%dma_wait3A_133 : memref<128xi32, #tpu.memory_space<hbm>>) dst(%dma_wait3A_131 : memref<128xi32, #tpu.memory_space<vmem>>)
    %dma_wait3A_134 = arith.constant 1 : i32
    %dma_wait3A_135 = arith.constant 0 : i32
    %dma_wait3A_136 = tpu.memref_slice %arg8[%dma_wait3A_134, %dma_wait3A_135] : memref<4x128xi32, #tpu.memory_space<vmem>> -> memref<1x128xi32, #tpu.memory_space<vmem>>
    %dma_wait3A_137 = tpu.memref_squeeze %dma_wait3A_136 : memref<1x128xi32, #tpu.memory_space<vmem>> -> memref<128xi32, #tpu.memory_space<vmem>>
    %dma_wait3A_138 = arith.constant 0 : i32
    %dma_wait3A_139 = tpu.memref_slice %arg3[%dma_wait3A_138] : memref<323584xi32, #tpu.memory_space<hbm>> -> memref<128xi32, #tpu.memory_space<hbm>>
    %dma_wait3A_140 = arith.constant 0 : i32
    %dma_wait3A_141 = tpu.memref_slice %arg8[%dma_wait3A_134, %dma_wait3A_140] : memref<4x128xi32, #tpu.memory_space<vmem>> -> memref<1x128xi32, #tpu.memory_space<vmem>>
    %dma_wait3A_142 = tpu.memref_squeeze %dma_wait3A_141 : memref<1x128xi32, #tpu.memory_space<vmem>> -> memref<128xi32, #tpu.memory_space<vmem>>
    %dma_wait3A_143 = arith.constant 0 : i32
    %dma_wait3A_144 = tpu.memref_slice %arg3[%dma_wait3A_143] : memref<323584xi32, #tpu.memory_space<hbm>> -> memref<128xi32, #tpu.memory_space<hbm>>
    tpu.wait_dma2 semaphore(%arg12 : memref<!tpu.dma_semaphore, #tpu.memory_space<semaphore_mem>>) src(%dma_wait3A_144 : memref<128xi32, #tpu.memory_space<hbm>>) dst(%dma_wait3A_142 : memref<128xi32, #tpu.memory_space<vmem>>)
    %dma_wait3A_145 = arith.constant 0 : i32
    %dma_wait3A_146 = arith.constant 0 : i32
    %dma_wait3A_147 = arith.constant 0 : i32
    %dma_wait3A_148 = arith.constant 0 : i32
    %dma_wait3A_149 = tpu.memref_slice %arg9[%dma_wait3A_146, %dma_wait3A_147, %dma_wait3A_148] : memref<2x128x128xf32, #tpu.memory_space<vmem>> -> memref<1x128x128xf32, #tpu.memory_space<vmem>>
    %dma_wait3A_150 = tpu.memref_squeeze %dma_wait3A_149 : memref<1x128x128xf32, #tpu.memory_space<vmem>> -> memref<128x128xf32, #tpu.memory_space<vmem>>
    %dma_wait3A_151 = arith.constant 0 : i32
    %dma_wait3A_152 = tpu.memref_slice %arg7[%dma_wait3A_145, %dma_wait3A_151] : memref<4x128xi32, #tpu.memory_space<vmem>> -> memref<1x128xi32, #tpu.memory_space<vmem>>
    %dma_wait3A_153 = tpu.memref_squeeze %dma_wait3A_152 : memref<1x128xi32, #tpu.memory_space<vmem>> -> memref<128xi32, #tpu.memory_space<vmem>>
    %dma_wait3A_154 = arith.constant 0 : i32
    %dma_wait3A_155 = arith.constant 0 : i32
    %dma_wait3A_156 = tpu.memref_slice %arg4[%dma_wait3A_154, %dma_wait3A_155] : memref<10000x128xf32, #tpu.memory_space<hbm>> -> memref<10000x128xf32, #tpu.memory_space<hbm>>
    tpu.wait_indirect_dma semaphore(%arg15 : memref<!tpu.dma_semaphore, #tpu.memory_space<semaphore_mem>>) src(%dma_wait3A_156 : memref<10000x128xf32, #tpu.memory_space<hbm>>) dst(%dma_wait3A_150 : memref<128x128xf32, #tpu.memory_space<vmem>>)
    %dma_start3A_157 = arith.constant 1 : i32
    %dma_start3A_158 = arith.constant 1 : i32
    %dma_start3A_159 = arith.constant 0 : i32
    %dma_start3A_160 = arith.constant 0 : i32
    %dma_start3A_161 = tpu.memref_slice %arg9[%dma_start3A_158, %dma_start3A_159, %dma_start3A_160] : memref<2x128x128xf32, #tpu.memory_space<vmem>> -> memref<1x128x128xf32, #tpu.memory_space<vmem>>
    %dma_start3A_162 = tpu.memref_squeeze %dma_start3A_161 : memref<1x128x128xf32, #tpu.memory_space<vmem>> -> memref<128x128xf32, #tpu.memory_space<vmem>>
    %dma_start3A_163 = arith.constant 0 : i32
    %dma_start3A_164 = tpu.memref_slice %arg7[%dma_start3A_157, %dma_start3A_163] : memref<4x128xi32, #tpu.memory_space<vmem>> -> memref<1x128xi32, #tpu.memory_space<vmem>>
    %dma_start3A_165 = tpu.memref_squeeze %dma_start3A_164 : memref<1x128xi32, #tpu.memory_space<vmem>> -> memref<128xi32, #tpu.memory_space<vmem>>
    %dma_start3A_166 = arith.constant 0 : i32
    %dma_start3A_167 = arith.constant 0 : i32
    %dma_start3A_168 = tpu.memref_slice %arg4[%dma_start3A_166, %dma_start3A_167] : memref<10000x128xf32, #tpu.memory_space<hbm>> -> memref<10000x128xf32, #tpu.memory_space<hbm>>
    tpu.enqueue_indirect_dma source(%dma_start3A_168 : memref<10000x128xf32, #tpu.memory_space<hbm>>) target(%dma_start3A_162 : memref<128x128xf32, #tpu.memory_space<vmem>>) offsets(%dma_start3A_165 : memref<128xi32, #tpu.memory_space<vmem>>) semaphore(%arg16 : memref<!tpu.dma_semaphore, #tpu.memory_space<semaphore_mem>>)
    %add3A_169 = arith.constant 384 : i32
    %add3A_170 = arith.addi %mul3A_4, %add3A_169 : i32
    %dma_start3A_171 = arith.constant 3 : i32
    %dma_start3A_172 = arith.constant 0 : i32
    %dma_start3A_173 = tpu.memref_slice %arg7[%dma_start3A_171, %dma_start3A_172] : memref<4x128xi32, #tpu.memory_space<vmem>> -> memref<1x128xi32, #tpu.memory_space<vmem>>
    %dma_start3A_174 = tpu.memref_squeeze %dma_start3A_173 : memref<1x128xi32, #tpu.memory_space<vmem>> -> memref<128xi32, #tpu.memory_space<vmem>>
    %dma_start3A_175 = tpu.memref_slice %arg2[%add3A_170] : memref<323584xi32, #tpu.memory_space<hbm>> -> memref<128xi32, #tpu.memory_space<hbm>>
    %dma_start3A_176 = arith.constant 0 : i32
    %dma_start3A_177 = tpu.memref_slice %arg7[%dma_start3A_171, %dma_start3A_176] : memref<4x128xi32, #tpu.memory_space<vmem>> -> memref<1x128xi32, #tpu.memory_space<vmem>>
    %dma_start3A_178 = tpu.memref_squeeze %dma_start3A_177 : memref<1x128xi32, #tpu.memory_space<vmem>> -> memref<128xi32, #tpu.memory_space<vmem>>
    %dma_start3A_179 = tpu.memref_slice %arg2[%add3A_170] : memref<323584xi32, #tpu.memory_space<hbm>> -> memref<128xi32, #tpu.memory_space<hbm>>
    tpu.enqueue_dma source(%dma_start3A_179 : memref<128xi32, #tpu.memory_space<hbm>>) target(%dma_start3A_178 : memref<128xi32, #tpu.memory_space<vmem>>) target_semaphore(%arg14 : memref<!tpu.dma_semaphore, #tpu.memory_space<semaphore_mem>>)
    %add3A_180 = arith.constant 384 : i32
    %add3A_181 = arith.addi %mul3A_4, %add3A_180 : i32
    %dma_start3A_182 = arith.constant 3 : i32
    %dma_start3A_183 = arith.constant 0 : i32
    %dma_start3A_184 = tpu.memref_slice %arg8[%dma_start3A_182, %dma_start3A_183] : memref<4x128xi32, #tpu.memory_space<vmem>> -> memref<1x128xi32, #tpu.memory_space<vmem>>
    %dma_start3A_185 = tpu.memref_squeeze %dma_start3A_184 : memref<1x128xi32, #tpu.memory_space<vmem>> -> memref<128xi32, #tpu.memory_space<vmem>>
    %dma_start3A_186 = tpu.memref_slice %arg3[%add3A_181] : memref<323584xi32, #tpu.memory_space<hbm>> -> memref<128xi32, #tpu.memory_space<hbm>>
    %dma_start3A_187 = arith.constant 0 : i32
    %dma_start3A_188 = tpu.memref_slice %arg8[%dma_start3A_182, %dma_start3A_187] : memref<4x128xi32, #tpu.memory_space<vmem>> -> memref<1x128xi32, #tpu.memory_space<vmem>>
    %dma_start3A_189 = tpu.memref_squeeze %dma_start3A_188 : memref<1x128xi32, #tpu.memory_space<vmem>> -> memref<128xi32, #tpu.memory_space<vmem>>
    %dma_start3A_190 = tpu.memref_slice %arg3[%add3A_181] : memref<323584xi32, #tpu.memory_space<hbm>> -> memref<128xi32, #tpu.memory_space<hbm>>
    tpu.enqueue_dma source(%dma_start3A_190 : memref<128xi32, #tpu.memory_space<hbm>>) target(%dma_start3A_189 : memref<128xi32, #tpu.memory_space<vmem>>) target_semaphore(%arg14 : memref<!tpu.dma_semaphore, #tpu.memory_space<semaphore_mem>>)
    %run_scoped3A = arith.constant 0 : i32
    %run_scoped3A_191 = arith.constant 0 : i32
    "tpu.region"() ({
      %run_scoped3A_522 = tpu.sem_alloc : memref<!tpu.dma_semaphore, #tpu.memory_space<semaphore_mem>>
      %dma_start3A_523 = arith.constant 0 : i32
      %dma_start3A_524 = arith.constant 0 : i32
      %dma_start3A_525 = tpu.memref_slice %arg9[%run_scoped3A, %dma_start3A_523, %dma_start3A_524] : memref<2x128x128xf32, #tpu.memory_space<vmem>> -> memref<1x128x128xf32, #tpu.memory_space<vmem>>
      %dma_start3A_526 = tpu.memref_squeeze %dma_start3A_525 : memref<1x128x128xf32, #tpu.memory_space<vmem>> -> memref<128x128xf32, #tpu.memory_space<vmem>>
      %dma_start3A_527 = arith.constant 0 : i32
      %dma_start3A_528 = tpu.memref_slice %arg8[%run_scoped3A_191, %dma_start3A_527] : memref<4x128xi32, #tpu.memory_space<vmem>> -> memref<1x128xi32, #tpu.memory_space<vmem>>
      %dma_start3A_529 = tpu.memref_squeeze %dma_start3A_528 : memref<1x128xi32, #tpu.memory_space<vmem>> -> memref<128xi32, #tpu.memory_space<vmem>>
      %dma_start3A_530 = arith.constant 0 : i32
      %dma_start3A_531 = arith.constant 0 : i32
      %dma_start3A_532 = tpu.memref_slice %arg10[%dma_start3A_530, %dma_start3A_531] : memref<10240x128xf32, #tpu.memory_space<vmem_shared>> -> memref<10240x128xf32, #tpu.memory_space<vmem_shared>>
      tpu.enqueue_indirect_dma source(%dma_start3A_526 : memref<128x128xf32, #tpu.memory_space<vmem>>) target(%dma_start3A_532 : memref<10240x128xf32, #tpu.memory_space<vmem_shared>>) offsets(%dma_start3A_529 : memref<128xi32, #tpu.memory_space<vmem>>) semaphore(%run_scoped3A_522 : memref<!tpu.dma_semaphore, #tpu.memory_space<semaphore_mem>>) {add = true}
      %dma_wait3A_533 = arith.constant 0 : i32
      %dma_wait3A_534 = arith.constant 0 : i32
      %dma_wait3A_535 = tpu.memref_slice %arg9[%run_scoped3A, %dma_wait3A_533, %dma_wait3A_534] : memref<2x128x128xf32, #tpu.memory_space<vmem>> -> memref<1x128x128xf32, #tpu.memory_space<vmem>>
      %dma_wait3A_536 = tpu.memref_squeeze %dma_wait3A_535 : memref<1x128x128xf32, #tpu.memory_space<vmem>> -> memref<128x128xf32, #tpu.memory_space<vmem>>
      %dma_wait3A_537 = arith.constant 0 : i32
      %dma_wait3A_538 = tpu.memref_slice %arg8[%run_scoped3A_191, %dma_wait3A_537] : memref<4x128xi32, #tpu.memory_space<vmem>> -> memref<1x128xi32, #tpu.memory_space<vmem>>
      %dma_wait3A_539 = tpu.memref_squeeze %dma_wait3A_538 : memref<1x128xi32, #tpu.memory_space<vmem>> -> memref<128xi32, #tpu.memory_space<vmem>>
      %dma_wait3A_540 = arith.constant 0 : i32
      %dma_wait3A_541 = arith.constant 0 : i32
      %dma_wait3A_542 = tpu.memref_slice %arg10[%dma_wait3A_540, %dma_wait3A_541] : memref<10240x128xf32, #tpu.memory_space<vmem_shared>> -> memref<10240x128xf32, #tpu.memory_space<vmem_shared>>
      tpu.wait_indirect_dma semaphore(%run_scoped3A_522 : memref<!tpu.dma_semaphore, #tpu.memory_space<semaphore_mem>>) src(%dma_wait3A_536 : memref<128x128xf32, #tpu.memory_space<vmem>>) dst(%dma_wait3A_542 : memref<10240x128xf32, #tpu.memory_space<vmem_shared>>)
      tpu.yield
    }) : () -> ()
    %scan3A = arith.constant 0 : i32
    %scan3A_192 = arith.constant 0 : i32
    %scan3A_193 = arith.constant 18 : i32
    %scan3A_194 = arith.addi %scan3A_192, %scan3A_193 : i32
    %scan3A_195 = arith.constant 1 : i32
    scf.for %scan3A_522 = %scan3A_192 to %scan3A_194 step %scan3A_195  : i32 {
      %mul3A_523 = arith.constant 4 : i32
      %mul3A_524 = arith.muli %scan3A_522, %mul3A_523 : i32
      %add3A_525 = arith.constant 1 : i32
      %add3A_526 = arith.addi %add3A_525, %mul3A_524 : i32
      %add3A_527 = arith.constant 0 : i32
      %add3A_528 = arith.addi %add3A_526, %add3A_527 : i32
      %dma_wait3A_529 = arith.constant 2 : i32
      %dma_wait3A_530 = arith.constant 0 : i32
      %dma_wait3A_531 = tpu.memref_slice %arg7[%dma_wait3A_529, %dma_wait3A_530] : memref<4x128xi32, #tpu.memory_space<vmem>> -> memref<1x128xi32, #tpu.memory_space<vmem>>
      %dma_wait3A_532 = tpu.memref_squeeze %dma_wait3A_531 : memref<1x128xi32, #tpu.memory_space<vmem>> -> memref<128xi32, #tpu.memory_space<vmem>>
      %dma_wait3A_533 = arith.constant 0 : i32
      %dma_wait3A_534 = tpu.memref_slice %arg2[%dma_wait3A_533] : memref<323584xi32, #tpu.memory_space<hbm>> -> memref<128xi32, #tpu.memory_space<hbm>>
      %dma_wait3A_535 = arith.constant 0 : i32
      %dma_wait3A_536 = tpu.memref_slice %arg7[%dma_wait3A_529, %dma_wait3A_535] : memref<4x128xi32, #tpu.memory_space<vmem>> -> memref<1x128xi32, #tpu.memory_space<vmem>>
      %dma_wait3A_537 = tpu.memref_squeeze %dma_wait3A_536 : memref<1x128xi32, #tpu.memory_space<vmem>> -> memref<128xi32, #tpu.memory_space<vmem>>
      %dma_wait3A_538 = arith.constant 0 : i32
      %dma_wait3A_539 = tpu.memref_slice %arg2[%dma_wait3A_538] : memref<323584xi32, #tpu.memory_space<hbm>> -> memref<128xi32, #tpu.memory_space<hbm>>
      tpu.wait_dma2 semaphore(%arg13 : memref<!tpu.dma_semaphore, #tpu.memory_space<semaphore_mem>>) src(%dma_wait3A_539 : memref<128xi32, #tpu.memory_space<hbm>>) dst(%dma_wait3A_537 : memref<128xi32, #tpu.memory_space<vmem>>)
      %dma_wait3A_540 = arith.constant 2 : i32
      %dma_wait3A_541 = arith.constant 0 : i32
      %dma_wait3A_542 = tpu.memref_slice %arg8[%dma_wait3A_540, %dma_wait3A_541] : memref<4x128xi32, #tpu.memory_space<vmem>> -> memref<1x128xi32, #tpu.memory_space<vmem>>
      %dma_wait3A_543 = tpu.memref_squeeze %dma_wait3A_542 : memref<1x128xi32, #tpu.memory_space<vmem>> -> memref<128xi32, #tpu.memory_space<vmem>>
      %dma_wait3A_544 = arith.constant 0 : i32
      %dma_wait3A_545 = tpu.memref_slice %arg3[%dma_wait3A_544] : memref<323584xi32, #tpu.memory_space<hbm>> -> memref<128xi32, #tpu.memory_space<hbm>>
      %dma_wait3A_546 = arith.constant 0 : i32
      %dma_wait3A_547 = tpu.memref_slice %arg8[%dma_wait3A_540, %dma_wait3A_546] : memref<4x128xi32, #tpu.memory_space<vmem>> -> memref<1x128xi32, #tpu.memory_space<vmem>>
      %dma_wait3A_548 = tpu.memref_squeeze %dma_wait3A_547 : memref<1x128xi32, #tpu.memory_space<vmem>> -> memref<128xi32, #tpu.memory_space<vmem>>
      %dma_wait3A_549 = arith.constant 0 : i32
      %dma_wait3A_550 = tpu.memref_slice %arg3[%dma_wait3A_549] : memref<323584xi32, #tpu.memory_space<hbm>> -> memref<128xi32, #tpu.memory_space<hbm>>
      tpu.wait_dma2 semaphore(%arg13 : memref<!tpu.dma_semaphore, #tpu.memory_space<semaphore_mem>>) src(%dma_wait3A_550 : memref<128xi32, #tpu.memory_space<hbm>>) dst(%dma_wait3A_548 : memref<128xi32, #tpu.memory_space<vmem>>)
      %dma_wait3A_551 = arith.constant 0 : i32
      %dma_wait3A_552 = arith.constant 1 : i32
      %dma_wait3A_553 = arith.constant 0 : i32
      %dma_wait3A_554 = arith.constant 0 : i32
      %dma_wait3A_555 = tpu.memref_slice %arg9[%dma_wait3A_552, %dma_wait3A_553, %dma_wait3A_554] : memref<2x128x128xf32, #tpu.memory_space<vmem>> -> memref<1x128x128xf32, #tpu.memory_space<vmem>>
      %dma_wait3A_556 = tpu.memref_squeeze %dma_wait3A_555 : memref<1x128x128xf32, #tpu.memory_space<vmem>> -> memref<128x128xf32, #tpu.memory_space<vmem>>
      %dma_wait3A_557 = arith.constant 0 : i32
      %dma_wait3A_558 = tpu.memref_slice %arg7[%dma_wait3A_551, %dma_wait3A_557] : memref<4x128xi32, #tpu.memory_space<vmem>> -> memref<1x128xi32, #tpu.memory_space<vmem>>
      %dma_wait3A_559 = tpu.memref_squeeze %dma_wait3A_558 : memref<1x128xi32, #tpu.memory_space<vmem>> -> memref<128xi32, #tpu.memory_space<vmem>>
      %dma_wait3A_560 = arith.constant 0 : i32
      %dma_wait3A_561 = arith.constant 0 : i32
      %dma_wait3A_562 = tpu.memref_slice %arg4[%dma_wait3A_560, %dma_wait3A_561] : memref<10000x128xf32, #tpu.memory_space<hbm>> -> memref<10000x128xf32, #tpu.memory_space<hbm>>
      tpu.wait_indirect_dma semaphore(%arg16 : memref<!tpu.dma_semaphore, #tpu.memory_space<semaphore_mem>>) src(%dma_wait3A_562 : memref<10000x128xf32, #tpu.memory_space<hbm>>) dst(%dma_wait3A_556 : memref<128x128xf32, #tpu.memory_space<vmem>>)
      %dma_start3A_563 = arith.constant 2 : i32
      %dma_start3A_564 = arith.constant 0 : i32
      %dma_start3A_565 = arith.constant 0 : i32
      %dma_start3A_566 = arith.constant 0 : i32
      %dma_start3A_567 = tpu.memref_slice %arg9[%dma_start3A_564, %dma_start3A_565, %dma_start3A_566] : memref<2x128x128xf32, #tpu.memory_space<vmem>> -> memref<1x128x128xf32, #tpu.memory_space<vmem>>
      %dma_start3A_568 = tpu.memref_squeeze %dma_start3A_567 : memref<1x128x128xf32, #tpu.memory_space<vmem>> -> memref<128x128xf32, #tpu.memory_space<vmem>>
      %dma_start3A_569 = arith.constant 0 : i32
      %dma_start3A_570 = tpu.memref_slice %arg7[%dma_start3A_563, %dma_start3A_569] : memref<4x128xi32, #tpu.memory_space<vmem>> -> memref<1x128xi32, #tpu.memory_space<vmem>>
      %dma_start3A_571 = tpu.memref_squeeze %dma_start3A_570 : memref<1x128xi32, #tpu.memory_space<vmem>> -> memref<128xi32, #tpu.memory_space<vmem>>
      %dma_start3A_572 = arith.constant 0 : i32
      %dma_start3A_573 = arith.constant 0 : i32
      %dma_start3A_574 = tpu.memref_slice %arg4[%dma_start3A_572, %dma_start3A_573] : memref<10000x128xf32, #tpu.memory_space<hbm>> -> memref<10000x128xf32, #tpu.memory_space<hbm>>
      tpu.enqueue_indirect_dma source(%dma_start3A_574 : memref<10000x128xf32, #tpu.memory_space<hbm>>) target(%dma_start3A_568 : memref<128x128xf32, #tpu.memory_space<vmem>>) offsets(%dma_start3A_571 : memref<128xi32, #tpu.memory_space<vmem>>) semaphore(%arg15 : memref<!tpu.dma_semaphore, #tpu.memory_space<semaphore_mem>>)
      %add3A_575 = arith.constant 3 : i32
      %add3A_576 = arith.addi %add3A_528, %add3A_575 : i32
      %mul3A_577 = arith.constant 128 : i32
      %mul3A_578 = arith.muli %add3A_576, %mul3A_577 : i32
      %add3A_579 = arith.addi %mul3A_4, %mul3A_578 : i32
      %dma_start3A_580 = arith.constant 0 : i32
      %dma_start3A_581 = arith.constant 0 : i32
      %dma_start3A_582 = tpu.memref_slice %arg7[%dma_start3A_580, %dma_start3A_581] : memref<4x128xi32, #tpu.memory_space<vmem>> -> memref<1x128xi32, #tpu.memory_space<vmem>>
      %dma_start3A_583 = tpu.memref_squeeze %dma_start3A_582 : memref<1x128xi32, #tpu.memory_space<vmem>> -> memref<128xi32, #tpu.memory_space<vmem>>
      %dma_start3A_584 = tpu.memref_slice %arg2[%add3A_579] : memref<323584xi32, #tpu.memory_space<hbm>> -> memref<128xi32, #tpu.memory_space<hbm>>
      %dma_start3A_585 = arith.constant 0 : i32
      %dma_start3A_586 = tpu.memref_slice %arg7[%dma_start3A_580, %dma_start3A_585] : memref<4x128xi32, #tpu.memory_space<vmem>> -> memref<1x128xi32, #tpu.memory_space<vmem>>
      %dma_start3A_587 = tpu.memref_squeeze %dma_start3A_586 : memref<1x128xi32, #tpu.memory_space<vmem>> -> memref<128xi32, #tpu.memory_space<vmem>>
      %dma_start3A_588 = tpu.memref_slice %arg2[%add3A_579] : memref<323584xi32, #tpu.memory_space<hbm>> -> memref<128xi32, #tpu.memory_space<hbm>>
      tpu.enqueue_dma source(%dma_start3A_588 : memref<128xi32, #tpu.memory_space<hbm>>) target(%dma_start3A_587 : memref<128xi32, #tpu.memory_space<vmem>>) target_semaphore(%arg11 : memref<!tpu.dma_semaphore, #tpu.memory_space<semaphore_mem>>)
      %add3A_589 = arith.constant 3 : i32
      %add3A_590 = arith.addi %add3A_528, %add3A_589 : i32
      %mul3A_591 = arith.constant 128 : i32
      %mul3A_592 = arith.muli %add3A_590, %mul3A_591 : i32
      %add3A_593 = arith.addi %mul3A_4, %mul3A_592 : i32
      %dma_start3A_594 = arith.constant 0 : i32
      %dma_start3A_595 = arith.constant 0 : i32
      %dma_start3A_596 = tpu.memref_slice %arg8[%dma_start3A_594, %dma_start3A_595] : memref<4x128xi32, #tpu.memory_space<vmem>> -> memref<1x128xi32, #tpu.memory_space<vmem>>
      %dma_start3A_597 = tpu.memref_squeeze %dma_start3A_596 : memref<1x128xi32, #tpu.memory_space<vmem>> -> memref<128xi32, #tpu.memory_space<vmem>>
      %dma_start3A_598 = tpu.memref_slice %arg3[%add3A_593] : memref<323584xi32, #tpu.memory_space<hbm>> -> memref<128xi32, #tpu.memory_space<hbm>>
      %dma_start3A_599 = arith.constant 0 : i32
      %dma_start3A_600 = tpu.memref_slice %arg8[%dma_start3A_594, %dma_start3A_599] : memref<4x128xi32, #tpu.memory_space<vmem>> -> memref<1x128xi32, #tpu.memory_space<vmem>>
      %dma_start3A_601 = tpu.memref_squeeze %dma_start3A_600 : memref<1x128xi32, #tpu.memory_space<vmem>> -> memref<128xi32, #tpu.memory_space<vmem>>
      %dma_start3A_602 = tpu.memref_slice %arg3[%add3A_593] : memref<323584xi32, #tpu.memory_space<hbm>> -> memref<128xi32, #tpu.memory_space<hbm>>
      tpu.enqueue_dma source(%dma_start3A_602 : memref<128xi32, #tpu.memory_space<hbm>>) target(%dma_start3A_601 : memref<128xi32, #tpu.memory_space<vmem>>) target_semaphore(%arg11 : memref<!tpu.dma_semaphore, #tpu.memory_space<semaphore_mem>>)
      %run_scoped3A_603 = arith.constant 1 : i32
      %run_scoped3A_604 = arith.constant 1 : i32
      "tpu.region"() ({
        %run_scoped3A_839 = tpu.sem_alloc : memref<!tpu.dma_semaphore, #tpu.memory_space<semaphore_mem>>
        %dma_start3A_840 = arith.constant 0 : i32
        %dma_start3A_841 = arith.constant 0 : i32
        %dma_start3A_842 = tpu.memref_slice %arg9[%run_scoped3A_603, %dma_start3A_840, %dma_start3A_841] : memref<2x128x128xf32, #tpu.memory_space<vmem>> -> memref<1x128x128xf32, #tpu.memory_space<vmem>>
        %dma_start3A_843 = tpu.memref_squeeze %dma_start3A_842 : memref<1x128x128xf32, #tpu.memory_space<vmem>> -> memref<128x128xf32, #tpu.memory_space<vmem>>
        %dma_start3A_844 = arith.constant 0 : i32
        %dma_start3A_845 = tpu.memref_slice %arg8[%run_scoped3A_604, %dma_start3A_844] : memref<4x128xi32, #tpu.memory_space<vmem>> -> memref<1x128xi32, #tpu.memory_space<vmem>>
        %dma_start3A_846 = tpu.memref_squeeze %dma_start3A_845 : memref<1x128xi32, #tpu.memory_space<vmem>> -> memref<128xi32, #tpu.memory_space<vmem>>
        %dma_start3A_847 = arith.constant 0 : i32
        %dma_start3A_848 = arith.constant 0 : i32
        %dma_start3A_849 = tpu.memref_slice %arg10[%dma_start3A_847, %dma_start3A_848] : memref<10240x128xf32, #tpu.memory_space<vmem_shared>> -> memref<10240x128xf32, #tpu.memory_space<vmem_shared>>
        tpu.enqueue_indirect_dma source(%dma_start3A_843 : memref<128x128xf32, #tpu.memory_space<vmem>>) target(%dma_start3A_849 : memref<10240x128xf32, #tpu.memory_space<vmem_shared>>) offsets(%dma_start3A_846 : memref<128xi32, #tpu.memory_space<vmem>>) semaphore(%run_scoped3A_839 : memref<!tpu.dma_semaphore, #tpu.memory_space<semaphore_mem>>) {add = true}
        %dma_wait3A_850 = arith.constant 0 : i32
        %dma_wait3A_851 = arith.constant 0 : i32
        %dma_wait3A_852 = tpu.memref_slice %arg9[%run_scoped3A_603, %dma_wait3A_850, %dma_wait3A_851] : memref<2x128x128xf32, #tpu.memory_space<vmem>> -> memref<1x128x128xf32, #tpu.memory_space<vmem>>
        %dma_wait3A_853 = tpu.memref_squeeze %dma_wait3A_852 : memref<1x128x128xf32, #tpu.memory_space<vmem>> -> memref<128x128xf32, #tpu.memory_space<vmem>>
        %dma_wait3A_854 = arith.constant 0 : i32
        %dma_wait3A_855 = tpu.memref_slice %arg8[%run_scoped3A_604, %dma_wait3A_854] : memref<4x128xi32, #tpu.memory_space<vmem>> -> memref<1x128xi32, #tpu.memory_space<vmem>>
        %dma_wait3A_856 = tpu.memref_squeeze %dma_wait3A_855 : memref<1x128xi32, #tpu.memory_space<vmem>> -> memref<128xi32, #tpu.memory_space<vmem>>
        %dma_wait3A_857 = arith.constant 0 : i32
        %dma_wait3A_858 = arith.constant 0 : i32
        %dma_wait3A_859 = tpu.memref_slice %arg10[%dma_wait3A_857, %dma_wait3A_858] : memref<10240x128xf32, #tpu.memory_space<vmem_shared>> -> memref<10240x128xf32, #tpu.memory_space<vmem_shared>>
        tpu.wait_indirect_dma semaphore(%run_scoped3A_839 : memref<!tpu.dma_semaphore, #tpu.memory_space<semaphore_mem>>) src(%dma_wait3A_853 : memref<128x128xf32, #tpu.memory_space<vmem>>) dst(%dma_wait3A_859 : memref<10240x128xf32, #tpu.memory_space<vmem_shared>>)
        tpu.yield
      }) : () -> ()
      %add3A_605 = arith.constant 1 : i32
      %add3A_606 = arith.addi %add3A_526, %add3A_605 : i32
      %dma_wait3A_607 = arith.constant 3 : i32
      %dma_wait3A_608 = arith.constant 0 : i32
      %dma_wait3A_609 = tpu.memref_slice %arg7[%dma_wait3A_607, %dma_wait3A_608] : memref<4x128xi32, #tpu.memory_space<vmem>> -> memref<1x128xi32, #tpu.memory_space<vmem>>
      %dma_wait3A_610 = tpu.memref_squeeze %dma_wait3A_609 : memref<1x128xi32, #tpu.memory_space<vmem>> -> memref<128xi32, #tpu.memory_space<vmem>>
      %dma_wait3A_611 = arith.constant 0 : i32
      %dma_wait3A_612 = tpu.memref_slice %arg2[%dma_wait3A_611] : memref<323584xi32, #tpu.memory_space<hbm>> -> memref<128xi32, #tpu.memory_space<hbm>>
      %dma_wait3A_613 = arith.constant 0 : i32
      %dma_wait3A_614 = tpu.memref_slice %arg7[%dma_wait3A_607, %dma_wait3A_613] : memref<4x128xi32, #tpu.memory_space<vmem>> -> memref<1x128xi32, #tpu.memory_space<vmem>>
      %dma_wait3A_615 = tpu.memref_squeeze %dma_wait3A_614 : memref<1x128xi32, #tpu.memory_space<vmem>> -> memref<128xi32, #tpu.memory_space<vmem>>
      %dma_wait3A_616 = arith.constant 0 : i32
      %dma_wait3A_617 = tpu.memref_slice %arg2[%dma_wait3A_616] : memref<323584xi32, #tpu.memory_space<hbm>> -> memref<128xi32, #tpu.memory_space<hbm>>
      tpu.wait_dma2 semaphore(%arg14 : memref<!tpu.dma_semaphore, #tpu.memory_space<semaphore_mem>>) src(%dma_wait3A_617 : memref<128xi32, #tpu.memory_space<hbm>>) dst(%dma_wait3A_615 : memref<128xi32, #tpu.memory_space<vmem>>)
      %dma_wait3A_618 = arith.constant 3 : i32
      %dma_wait3A_619 = arith.constant 0 : i32
      %dma_wait3A_620 = tpu.memref_slice %arg8[%dma_wait3A_618, %dma_wait3A_619] : memref<4x128xi32, #tpu.memory_space<vmem>> -> memref<1x128xi32, #tpu.memory_space<vmem>>
      %dma_wait3A_621 = tpu.memref_squeeze %dma_wait3A_620 : memref<1x128xi32, #tpu.memory_space<vmem>> -> memref<128xi32, #tpu.memory_space<vmem>>
      %dma_wait3A_622 = arith.constant 0 : i32
      %dma_wait3A_623 = tpu.memref_slice %arg3[%dma_wait3A_622] : memref<323584xi32, #tpu.memory_space<hbm>> -> memref<128xi32, #tpu.memory_space<hbm>>
      %dma_wait3A_624 = arith.constant 0 : i32
      %dma_wait3A_625 = tpu.memref_slice %arg8[%dma_wait3A_618, %dma_wait3A_624] : memref<4x128xi32, #tpu.memory_space<vmem>> -> memref<1x128xi32, #tpu.memory_space<vmem>>
      %dma_wait3A_626 = tpu.memref_squeeze %dma_wait3A_625 : memref<1x128xi32, #tpu.memory_space<vmem>> -> memref<128xi32, #tpu.memory_space<vmem>>
      %dma_wait3A_627 = arith.constant 0 : i32
      %dma_wait3A_628 = tpu.memref_slice %arg3[%dma_wait3A_627] : memref<323584xi32, #tpu.memory_space<hbm>> -> memref<128xi32, #tpu.memory_space<hbm>>
      tpu.wait_dma2 semaphore(%arg14 : memref<!tpu.dma_semaphore, #tpu.memory_space<semaphore_mem>>) src(%dma_wait3A_628 : memref<128xi32, #tpu.memory_space<hbm>>) dst(%dma_wait3A_626 : memref<128xi32, #tpu.memory_space<vmem>>)
      %dma_wait3A_629 = arith.constant 0 : i32
      %dma_wait3A_630 = arith.constant 0 : i32
      %dma_wait3A_631 = arith.constant 0 : i32
      %dma_wait3A_632 = arith.constant 0 : i32
      %dma_wait3A_633 = tpu.memref_slice %arg9[%dma_wait3A_630, %dma_wait3A_631, %dma_wait3A_632] : memref<2x128x128xf32, #tpu.memory_space<vmem>> -> memref<1x128x128xf32, #tpu.memory_space<vmem>>
      %dma_wait3A_634 = tpu.memref_squeeze %dma_wait3A_633 : memref<1x128x128xf32, #tpu.memory_space<vmem>> -> memref<128x128xf32, #tpu.memory_space<vmem>>
      %dma_wait3A_635 = arith.constant 0 : i32
      %dma_wait3A_636 = tpu.memref_slice %arg7[%dma_wait3A_629, %dma_wait3A_635] : memref<4x128xi32, #tpu.memory_space<vmem>> -> memref<1x128xi32, #tpu.memory_space<vmem>>
      %dma_wait3A_637 = tpu.memref_squeeze %dma_wait3A_636 : memref<1x128xi32, #tpu.memory_space<vmem>> -> memref<128xi32, #tpu.memory_space<vmem>>
      %dma_wait3A_638 = arith.constant 0 : i32
      %dma_wait3A_639 = arith.constant 0 : i32
      %dma_wait3A_640 = tpu.memref_slice %arg4[%dma_wait3A_638, %dma_wait3A_639] : memref<10000x128xf32, #tpu.memory_space<hbm>> -> memref<10000x128xf32, #tpu.memory_space<hbm>>
      tpu.wait_indirect_dma semaphore(%arg15 : memref<!tpu.dma_semaphore, #tpu.memory_space<semaphore_mem>>) src(%dma_wait3A_640 : memref<10000x128xf32, #tpu.memory_space<hbm>>) dst(%dma_wait3A_634 : memref<128x128xf32, #tpu.memory_space<vmem>>)
      %dma_start3A_641 = arith.constant 3 : i32
      %dma_start3A_642 = arith.constant 1 : i32
      %dma_start3A_643 = arith.constant 0 : i32
      %dma_start3A_644 = arith.constant 0 : i32
      %dma_start3A_645 = tpu.memref_slice %arg9[%dma_start3A_642, %dma_start3A_643, %dma_start3A_644] : memref<2x128x128xf32, #tpu.memory_space<vmem>> -> memref<1x128x128xf32, #tpu.memory_space<vmem>>
      %dma_start3A_646 = tpu.memref_squeeze %dma_start3A_645 : memref<1x128x128xf32, #tpu.memory_space<vmem>> -> memref<128x128xf32, #tpu.memory_space<vmem>>
      %dma_start3A_647 = arith.constant 0 : i32
      %dma_start3A_648 = tpu.memref_slice %arg7[%dma_start3A_641, %dma_start3A_647] : memref<4x128xi32, #tpu.memory_space<vmem>> -> memref<1x128xi32, #tpu.memory_space<vmem>>
      %dma_start3A_649 = tpu.memref_squeeze %dma_start3A_648 : memref<1x128xi32, #tpu.memory_space<vmem>> -> memref<128xi32, #tpu.memory_space<vmem>>
      %dma_start3A_650 = arith.constant 0 : i32
      %dma_start3A_651 = arith.constant 0 : i32
      %dma_start3A_652 = tpu.memref_slice %arg4[%dma_start3A_650, %dma_start3A_651] : memref<10000x128xf32, #tpu.memory_space<hbm>> -> memref<10000x128xf32, #tpu.memory_space<hbm>>
      tpu.enqueue_indirect_dma source(%dma_start3A_652 : memref<10000x128xf32, #tpu.memory_space<hbm>>) target(%dma_start3A_646 : memref<128x128xf32, #tpu.memory_space<vmem>>) offsets(%dma_start3A_649 : memref<128xi32, #tpu.memory_space<vmem>>) semaphore(%arg16 : memref<!tpu.dma_semaphore, #tpu.memory_space<semaphore_mem>>)
      %add3A_653 = arith.constant 3 : i32
      %add3A_654 = arith.addi %add3A_606, %add3A_653 : i32
      %mul3A_655 = arith.constant 128 : i32
      %mul3A_656 = arith.muli %add3A_654, %mul3A_655 : i32
      %add3A_657 = arith.addi %mul3A_4, %mul3A_656 : i32
      %dma_start3A_658 = arith.constant 1 : i32
      %dma_start3A_659 = arith.constant 0 : i32
      %dma_start3A_660 = tpu.memref_slice %arg7[%dma_start3A_658, %dma_start3A_659] : memref<4x128xi32, #tpu.memory_space<vmem>> -> memref<1x128xi32, #tpu.memory_space<vmem>>
      %dma_start3A_661 = tpu.memref_squeeze %dma_start3A_660 : memref<1x128xi32, #tpu.memory_space<vmem>> -> memref<128xi32, #tpu.memory_space<vmem>>
      %dma_start3A_662 = tpu.memref_slice %arg2[%add3A_657] : memref<323584xi32, #tpu.memory_space<hbm>> -> memref<128xi32, #tpu.memory_space<hbm>>
      %dma_start3A_663 = arith.constant 0 : i32
      %dma_start3A_664 = tpu.memref_slice %arg7[%dma_start3A_658, %dma_start3A_663] : memref<4x128xi32, #tpu.memory_space<vmem>> -> memref<1x128xi32, #tpu.memory_space<vmem>>
      %dma_start3A_665 = tpu.memref_squeeze %dma_start3A_664 : memref<1x128xi32, #tpu.memory_space<vmem>> -> memref<128xi32, #tpu.memory_space<vmem>>
      %dma_start3A_666 = tpu.memref_slice %arg2[%add3A_657] : memref<323584xi32, #tpu.memory_space<hbm>> -> memref<128xi32, #tpu.memory_space<hbm>>
      tpu.enqueue_dma source(%dma_start3A_666 : memref<128xi32, #tpu.memory_space<hbm>>) target(%dma_start3A_665 : memref<128xi32, #tpu.memory_space<vmem>>) target_semaphore(%arg12 : memref<!tpu.dma_semaphore, #tpu.memory_space<semaphore_mem>>)
      %add3A_667 = arith.constant 3 : i32
      %add3A_668 = arith.addi %add3A_606, %add3A_667 : i32
      %mul3A_669 = arith.constant 128 : i32
      %mul3A_670 = arith.muli %add3A_668, %mul3A_669 : i32
      %add3A_671 = arith.addi %mul3A_4, %mul3A_670 : i32
      %dma_start3A_672 = arith.constant 1 : i32
      %dma_start3A_673 = arith.constant 0 : i32
      %dma_start3A_674 = tpu.memref_slice %arg8[%dma_start3A_672, %dma_start3A_673] : memref<4x128xi32, #tpu.memory_space<vmem>> -> memref<1x128xi32, #tpu.memory_space<vmem>>
      %dma_start3A_675 = tpu.memref_squeeze %dma_start3A_674 : memref<1x128xi32, #tpu.memory_space<vmem>> -> memref<128xi32, #tpu.memory_space<vmem>>
      %dma_start3A_676 = tpu.memref_slice %arg3[%add3A_671] : memref<323584xi32, #tpu.memory_space<hbm>> -> memref<128xi32, #tpu.memory_space<hbm>>
      %dma_start3A_677 = arith.constant 0 : i32
      %dma_start3A_678 = tpu.memref_slice %arg8[%dma_start3A_672, %dma_start3A_677] : memref<4x128xi32, #tpu.memory_space<vmem>> -> memref<1x128xi32, #tpu.memory_space<vmem>>
      %dma_start3A_679 = tpu.memref_squeeze %dma_start3A_678 : memref<1x128xi32, #tpu.memory_space<vmem>> -> memref<128xi32, #tpu.memory_space<vmem>>
      %dma_start3A_680 = tpu.memref_slice %arg3[%add3A_671] : memref<323584xi32, #tpu.memory_space<hbm>> -> memref<128xi32, #tpu.memory_space<hbm>>
      tpu.enqueue_dma source(%dma_start3A_680 : memref<128xi32, #tpu.memory_space<hbm>>) target(%dma_start3A_679 : memref<128xi32, #tpu.memory_space<vmem>>) target_semaphore(%arg12 : memref<!tpu.dma_semaphore, #tpu.memory_space<semaphore_mem>>)
      %run_scoped3A_681 = arith.constant 0 : i32
      %run_scoped3A_682 = arith.constant 2 : i32
      "tpu.region"() ({
        %run_scoped3A_839 = tpu.sem_alloc : memref<!tpu.dma_semaphore, #tpu.memory_space<semaphore_mem>>
        %dma_start3A_840 = arith.constant 0 : i32
        %dma_start3A_841 = arith.constant 0 : i32
        %dma_start3A_842 = tpu.memref_slice %arg9[%run_scoped3A_681, %dma_start3A_840, %dma_start3A_841] : memref<2x128x128xf32, #tpu.memory_space<vmem>> -> memref<1x128x128xf32, #tpu.memory_space<vmem>>
        %dma_start3A_843 = tpu.memref_squeeze %dma_start3A_842 : memref<1x128x128xf32, #tpu.memory_space<vmem>> -> memref<128x128xf32, #tpu.memory_space<vmem>>
        %dma_start3A_844 = arith.constant 0 : i32
        %dma_start3A_845 = tpu.memref_slice %arg8[%run_scoped3A_682, %dma_start3A_844] : memref<4x128xi32, #tpu.memory_space<vmem>> -> memref<1x128xi32, #tpu.memory_space<vmem>>
        %dma_start3A_846 = tpu.memref_squeeze %dma_start3A_845 : memref<1x128xi32, #tpu.memory_space<vmem>> -> memref<128xi32, #tpu.memory_space<vmem>>
        %dma_start3A_847 = arith.constant 0 : i32
        %dma_start3A_848 = arith.constant 0 : i32
        %dma_start3A_849 = tpu.memref_slice %arg10[%dma_start3A_847, %dma_start3A_848] : memref<10240x128xf32, #tpu.memory_space<vmem_shared>> -> memref<10240x128xf32, #tpu.memory_space<vmem_shared>>
        tpu.enqueue_indirect_dma source(%dma_start3A_843 : memref<128x128xf32, #tpu.memory_space<vmem>>) target(%dma_start3A_849 : memref<10240x128xf32, #tpu.memory_space<vmem_shared>>) offsets(%dma_start3A_846 : memref<128xi32, #tpu.memory_space<vmem>>) semaphore(%run_scoped3A_839 : memref<!tpu.dma_semaphore, #tpu.memory_space<semaphore_mem>>) {add = true}
        %dma_wait3A_850 = arith.constant 0 : i32
        %dma_wait3A_851 = arith.constant 0 : i32
        %dma_wait3A_852 = tpu.memref_slice %arg9[%run_scoped3A_681, %dma_wait3A_850, %dma_wait3A_851] : memref<2x128x128xf32, #tpu.memory_space<vmem>> -> memref<1x128x128xf32, #tpu.memory_space<vmem>>
        %dma_wait3A_853 = tpu.memref_squeeze %dma_wait3A_852 : memref<1x128x128xf32, #tpu.memory_space<vmem>> -> memref<128x128xf32, #tpu.memory_space<vmem>>
        %dma_wait3A_854 = arith.constant 0 : i32
        %dma_wait3A_855 = tpu.memref_slice %arg8[%run_scoped3A_682, %dma_wait3A_854] : memref<4x128xi32, #tpu.memory_space<vmem>> -> memref<1x128xi32, #tpu.memory_space<vmem>>
        %dma_wait3A_856 = tpu.memref_squeeze %dma_wait3A_855 : memref<1x128xi32, #tpu.memory_space<vmem>> -> memref<128xi32, #tpu.memory_space<vmem>>
        %dma_wait3A_857 = arith.constant 0 : i32
        %dma_wait3A_858 = arith.constant 0 : i32
        %dma_wait3A_859 = tpu.memref_slice %arg10[%dma_wait3A_857, %dma_wait3A_858] : memref<10240x128xf32, #tpu.memory_space<vmem_shared>> -> memref<10240x128xf32, #tpu.memory_space<vmem_shared>>
        tpu.wait_indirect_dma semaphore(%run_scoped3A_839 : memref<!tpu.dma_semaphore, #tpu.memory_space<semaphore_mem>>) src(%dma_wait3A_853 : memref<128x128xf32, #tpu.memory_space<vmem>>) dst(%dma_wait3A_859 : memref<10240x128xf32, #tpu.memory_space<vmem_shared>>)
        tpu.yield
      }) : () -> ()
      %add3A_683 = arith.constant 2 : i32
      %add3A_684 = arith.addi %add3A_526, %add3A_683 : i32
      %dma_wait3A_685 = arith.constant 0 : i32
      %dma_wait3A_686 = arith.constant 0 : i32
      %dma_wait3A_687 = tpu.memref_slice %arg7[%dma_wait3A_685, %dma_wait3A_686] : memref<4x128xi32, #tpu.memory_space<vmem>> -> memref<1x128xi32, #tpu.memory_space<vmem>>
      %dma_wait3A_688 = tpu.memref_squeeze %dma_wait3A_687 : memref<1x128xi32, #tpu.memory_space<vmem>> -> memref<128xi32, #tpu.memory_space<vmem>>
      %dma_wait3A_689 = arith.constant 0 : i32
      %dma_wait3A_690 = tpu.memref_slice %arg2[%dma_wait3A_689] : memref<323584xi32, #tpu.memory_space<hbm>> -> memref<128xi32, #tpu.memory_space<hbm>>
      %dma_wait3A_691 = arith.constant 0 : i32
      %dma_wait3A_692 = tpu.memref_slice %arg7[%dma_wait3A_685, %dma_wait3A_691] : memref<4x128xi32, #tpu.memory_space<vmem>> -> memref<1x128xi32, #tpu.memory_space<vmem>>
      %dma_wait3A_693 = tpu.memref_squeeze %dma_wait3A_692 : memref<1x128xi32, #tpu.memory_space<vmem>> -> memref<128xi32, #tpu.memory_space<vmem>>
      %dma_wait3A_694 = arith.constant 0 : i32
      %dma_wait3A_695 = tpu.memref_slice %arg2[%dma_wait3A_694] : memref<323584xi32, #tpu.memory_space<hbm>> -> memref<128xi32, #tpu.memory_space<hbm>>
      tpu.wait_dma2 semaphore(%arg11 : memref<!tpu.dma_semaphore, #tpu.memory_space<semaphore_mem>>) src(%dma_wait3A_695 : memref<128xi32, #tpu.memory_space<hbm>>) dst(%dma_wait3A_693 : memref<128xi32, #tpu.memory_space<vmem>>)
      %dma_wait3A_696 = arith.constant 0 : i32
      %dma_wait3A_697 = arith.constant 0 : i32
      %dma_wait3A_698 = tpu.memref_slice %arg8[%dma_wait3A_696, %dma_wait3A_697] : memref<4x128xi32, #tpu.memory_space<vmem>> -> memref<1x128xi32, #tpu.memory_space<vmem>>
      %dma_wait3A_699 = tpu.memref_squeeze %dma_wait3A_698 : memref<1x128xi32, #tpu.memory_space<vmem>> -> memref<128xi32, #tpu.memory_space<vmem>>
      %dma_wait3A_700 = arith.constant 0 : i32
      %dma_wait3A_701 = tpu.memref_slice %arg3[%dma_wait3A_700] : memref<323584xi32, #tpu.memory_space<hbm>> -> memref<128xi32, #tpu.memory_space<hbm>>
      %dma_wait3A_702 = arith.constant 0 : i32
      %dma_wait3A_703 = tpu.memref_slice %arg8[%dma_wait3A_696, %dma_wait3A_702] : memref<4x128xi32, #tpu.memory_space<vmem>> -> memref<1x128xi32, #tpu.memory_space<vmem>>
      %dma_wait3A_704 = tpu.memref_squeeze %dma_wait3A_703 : memref<1x128xi32, #tpu.memory_space<vmem>> -> memref<128xi32, #tpu.memory_space<vmem>>
      %dma_wait3A_705 = arith.constant 0 : i32
      %dma_wait3A_706 = tpu.memref_slice %arg3[%dma_wait3A_705] : memref<323584xi32, #tpu.memory_space<hbm>> -> memref<128xi32, #tpu.memory_space<hbm>>
      tpu.wait_dma2 semaphore(%arg11 : memref<!tpu.dma_semaphore, #tpu.memory_space<semaphore_mem>>) src(%dma_wait3A_706 : memref<128xi32, #tpu.memory_space<hbm>>) dst(%dma_wait3A_704 : memref<128xi32, #tpu.memory_space<vmem>>)
      %dma_wait3A_707 = arith.constant 0 : i32
      %dma_wait3A_708 = arith.constant 1 : i32
      %dma_wait3A_709 = arith.constant 0 : i32
      %dma_wait3A_710 = arith.constant 0 : i32
      %dma_wait3A_711 = tpu.memref_slice %arg9[%dma_wait3A_708, %dma_wait3A_709, %dma_wait3A_710] : memref<2x128x128xf32, #tpu.memory_space<vmem>> -> memref<1x128x128xf32, #tpu.memory_space<vmem>>
      %dma_wait3A_712 = tpu.memref_squeeze %dma_wait3A_711 : memref<1x128x128xf32, #tpu.memory_space<vmem>> -> memref<128x128xf32, #tpu.memory_space<vmem>>
      %dma_wait3A_713 = arith.constant 0 : i32
      %dma_wait3A_714 = tpu.memref_slice %arg7[%dma_wait3A_707, %dma_wait3A_713] : memref<4x128xi32, #tpu.memory_space<vmem>> -> memref<1x128xi32, #tpu.memory_space<vmem>>
      %dma_wait3A_715 = tpu.memref_squeeze %dma_wait3A_714 : memref<1x128xi32, #tpu.memory_space<vmem>> -> memref<128xi32, #tpu.memory_space<vmem>>
      %dma_wait3A_716 = arith.constant 0 : i32
      %dma_wait3A_717 = arith.constant 0 : i32
      %dma_wait3A_718 = tpu.memref_slice %arg4[%dma_wait3A_716, %dma_wait3A_717] : memref<10000x128xf32, #tpu.memory_space<hbm>> -> memref<10000x128xf32, #tpu.memory_space<hbm>>
      tpu.wait_indirect_dma semaphore(%arg16 : memref<!tpu.dma_semaphore, #tpu.memory_space<semaphore_mem>>) src(%dma_wait3A_718 : memref<10000x128xf32, #tpu.memory_space<hbm>>) dst(%dma_wait3A_712 : memref<128x128xf32, #tpu.memory_space<vmem>>)
      %dma_start3A_719 = arith.constant 0 : i32
      %dma_start3A_720 = arith.constant 0 : i32
      %dma_start3A_721 = arith.constant 0 : i32
      %dma_start3A_722 = arith.constant 0 : i32
      %dma_start3A_723 = tpu.memref_slice %arg9[%dma_start3A_720, %dma_start3A_721, %dma_start3A_722] : memref<2x128x128xf32, #tpu.memory_space<vmem>> -> memref<1x128x128xf32, #tpu.memory_space<vmem>>
      %dma_start3A_724 = tpu.memref_squeeze %dma_start3A_723 : memref<1x128x128xf32, #tpu.memory_space<vmem>> -> memref<128x128xf32, #tpu.memory_space<vmem>>
      %dma_start3A_725 = arith.constant 0 : i32
      %dma_start3A_726 = tpu.memref_slice %arg7[%dma_start3A_719, %dma_start3A_725] : memref<4x128xi32, #tpu.memory_space<vmem>> -> memref<1x128xi32, #tpu.memory_space<vmem>>
      %dma_start3A_727 = tpu.memref_squeeze %dma_start3A_726 : memref<1x128xi32, #tpu.memory_space<vmem>> -> memref<128xi32, #tpu.memory_space<vmem>>
      %dma_start3A_728 = arith.constant 0 : i32
      %dma_start3A_729 = arith.constant 0 : i32
      %dma_start3A_730 = tpu.memref_slice %arg4[%dma_start3A_728, %dma_start3A_729] : memref<10000x128xf32, #tpu.memory_space<hbm>> -> memref<10000x128xf32, #tpu.memory_space<hbm>>
      tpu.enqueue_indirect_dma source(%dma_start3A_730 : memref<10000x128xf32, #tpu.memory_space<hbm>>) target(%dma_start3A_724 : memref<128x128xf32, #tpu.memory_space<vmem>>) offsets(%dma_start3A_727 : memref<128xi32, #tpu.memory_space<vmem>>) semaphore(%arg15 : memref<!tpu.dma_semaphore, #tpu.memory_space<semaphore_mem>>)
      %add3A_731 = arith.constant 3 : i32
      %add3A_732 = arith.addi %add3A_684, %add3A_731 : i32
      %mul3A_733 = arith.constant 128 : i32
      %mul3A_734 = arith.muli %add3A_732, %mul3A_733 : i32
      %add3A_735 = arith.addi %mul3A_4, %mul3A_734 : i32
      %dma_start3A_736 = arith.constant 2 : i32
      %dma_start3A_737 = arith.constant 0 : i32
      %dma_start3A_738 = tpu.memref_slice %arg7[%dma_start3A_736, %dma_start3A_737] : memref<4x128xi32, #tpu.memory_space<vmem>> -> memref<1x128xi32, #tpu.memory_space<vmem>>
      %dma_start3A_739 = tpu.memref_squeeze %dma_start3A_738 : memref<1x128xi32, #tpu.memory_space<vmem>> -> memref<128xi32, #tpu.memory_space<vmem>>
      %dma_start3A_740 = tpu.memref_slice %arg2[%add3A_735] : memref<323584xi32, #tpu.memory_space<hbm>> -> memref<128xi32, #tpu.memory_space<hbm>>
      %dma_start3A_741 = arith.constant 0 : i32
      %dma_start3A_742 = tpu.memref_slice %arg7[%dma_start3A_736, %dma_start3A_741] : memref<4x128xi32, #tpu.memory_space<vmem>> -> memref<1x128xi32, #tpu.memory_space<vmem>>
      %dma_start3A_743 = tpu.memref_squeeze %dma_start3A_742 : memref<1x128xi32, #tpu.memory_space<vmem>> -> memref<128xi32, #tpu.memory_space<vmem>>
      %dma_start3A_744 = tpu.memref_slice %arg2[%add3A_735] : memref<323584xi32, #tpu.memory_space<hbm>> -> memref<128xi32, #tpu.memory_space<hbm>>
      tpu.enqueue_dma source(%dma_start3A_744 : memref<128xi32, #tpu.memory_space<hbm>>) target(%dma_start3A_743 : memref<128xi32, #tpu.memory_space<vmem>>) target_semaphore(%arg13 : memref<!tpu.dma_semaphore, #tpu.memory_space<semaphore_mem>>)
      %add3A_745 = arith.constant 3 : i32
      %add3A_746 = arith.addi %add3A_684, %add3A_745 : i32
      %mul3A_747 = arith.constant 128 : i32
      %mul3A_748 = arith.muli %add3A_746, %mul3A_747 : i32
      %add3A_749 = arith.addi %mul3A_4, %mul3A_748 : i32
      %dma_start3A_750 = arith.constant 2 : i32
      %dma_start3A_751 = arith.constant 0 : i32
      %dma_start3A_752 = tpu.memref_slice %arg8[%dma_start3A_750, %dma_start3A_751] : memref<4x128xi32, #tpu.memory_space<vmem>> -> memref<1x128xi32, #tpu.memory_space<vmem>>
      %dma_start3A_753 = tpu.memref_squeeze %dma_start3A_752 : memref<1x128xi32, #tpu.memory_space<vmem>> -> memref<128xi32, #tpu.memory_space<vmem>>
      %dma_start3A_754 = tpu.memref_slice %arg3[%add3A_749] : memref<323584xi32, #tpu.memory_space<hbm>> -> memref<128xi32, #tpu.memory_space<hbm>>
      %dma_start3A_755 = arith.constant 0 : i32
      %dma_start3A_756 = tpu.memref_slice %arg8[%dma_start3A_750, %dma_start3A_755] : memref<4x128xi32, #tpu.memory_space<vmem>> -> memref<1x128xi32, #tpu.memory_space<vmem>>
      %dma_start3A_757 = tpu.memref_squeeze %dma_start3A_756 : memref<1x128xi32, #tpu.memory_space<vmem>> -> memref<128xi32, #tpu.memory_space<vmem>>
      %dma_start3A_758 = tpu.memref_slice %arg3[%add3A_749] : memref<323584xi32, #tpu.memory_space<hbm>> -> memref<128xi32, #tpu.memory_space<hbm>>
      tpu.enqueue_dma source(%dma_start3A_758 : memref<128xi32, #tpu.memory_space<hbm>>) target(%dma_start3A_757 : memref<128xi32, #tpu.memory_space<vmem>>) target_semaphore(%arg13 : memref<!tpu.dma_semaphore, #tpu.memory_space<semaphore_mem>>)
      %run_scoped3A_759 = arith.constant 1 : i32
      %run_scoped3A_760 = arith.constant 3 : i32
      "tpu.region"() ({
        %run_scoped3A_839 = tpu.sem_alloc : memref<!tpu.dma_semaphore, #tpu.memory_space<semaphore_mem>>
        %dma_start3A_840 = arith.constant 0 : i32
        %dma_start3A_841 = arith.constant 0 : i32
        %dma_start3A_842 = tpu.memref_slice %arg9[%run_scoped3A_759, %dma_start3A_840, %dma_start3A_841] : memref<2x128x128xf32, #tpu.memory_space<vmem>> -> memref<1x128x128xf32, #tpu.memory_space<vmem>>
        %dma_start3A_843 = tpu.memref_squeeze %dma_start3A_842 : memref<1x128x128xf32, #tpu.memory_space<vmem>> -> memref<128x128xf32, #tpu.memory_space<vmem>>
        %dma_start3A_844 = arith.constant 0 : i32
        %dma_start3A_845 = tpu.memref_slice %arg8[%run_scoped3A_760, %dma_start3A_844] : memref<4x128xi32, #tpu.memory_space<vmem>> -> memref<1x128xi32, #tpu.memory_space<vmem>>
        %dma_start3A_846 = tpu.memref_squeeze %dma_start3A_845 : memref<1x128xi32, #tpu.memory_space<vmem>> -> memref<128xi32, #tpu.memory_space<vmem>>
        %dma_start3A_847 = arith.constant 0 : i32
        %dma_start3A_848 = arith.constant 0 : i32
        %dma_start3A_849 = tpu.memref_slice %arg10[%dma_start3A_847, %dma_start3A_848] : memref<10240x128xf32, #tpu.memory_space<vmem_shared>> -> memref<10240x128xf32, #tpu.memory_space<vmem_shared>>
        tpu.enqueue_indirect_dma source(%dma_start3A_843 : memref<128x128xf32, #tpu.memory_space<vmem>>) target(%dma_start3A_849 : memref<10240x128xf32, #tpu.memory_space<vmem_shared>>) offsets(%dma_start3A_846 : memref<128xi32, #tpu.memory_space<vmem>>) semaphore(%run_scoped3A_839 : memref<!tpu.dma_semaphore, #tpu.memory_space<semaphore_mem>>) {add = true}
        %dma_wait3A_850 = arith.constant 0 : i32
        %dma_wait3A_851 = arith.constant 0 : i32
        %dma_wait3A_852 = tpu.memref_slice %arg9[%run_scoped3A_759, %dma_wait3A_850, %dma_wait3A_851] : memref<2x128x128xf32, #tpu.memory_space<vmem>> -> memref<1x128x128xf32, #tpu.memory_space<vmem>>
        %dma_wait3A_853 = tpu.memref_squeeze %dma_wait3A_852 : memref<1x128x128xf32, #tpu.memory_space<vmem>> -> memref<128x128xf32, #tpu.memory_space<vmem>>
        %dma_wait3A_854 = arith.constant 0 : i32
        %dma_wait3A_855 = tpu.memref_slice %arg8[%run_scoped3A_760, %dma_wait3A_854] : memref<4x128xi32, #tpu.memory_space<vmem>> -> memref<1x128xi32, #tpu.memory_space<vmem>>
        %dma_wait3A_856 = tpu.memref_squeeze %dma_wait3A_855 : memref<1x128xi32, #tpu.memory_space<vmem>> -> memref<128xi32, #tpu.memory_space<vmem>>
        %dma_wait3A_857 = arith.constant 0 : i32
        %dma_wait3A_858 = arith.constant 0 : i32
        %dma_wait3A_859 = tpu.memref_slice %arg10[%dma_wait3A_857, %dma_wait3A_858] : memref<10240x128xf32, #tpu.memory_space<vmem_shared>> -> memref<10240x128xf32, #tpu.memory_space<vmem_shared>>
        tpu.wait_indirect_dma semaphore(%run_scoped3A_839 : memref<!tpu.dma_semaphore, #tpu.memory_space<semaphore_mem>>) src(%dma_wait3A_853 : memref<128x128xf32, #tpu.memory_space<vmem>>) dst(%dma_wait3A_859 : memref<10240x128xf32, #tpu.memory_space<vmem_shared>>)
        tpu.yield
      }) : () -> ()
      %add3A_761 = arith.constant 3 : i32
      %add3A_762 = arith.addi %add3A_526, %add3A_761 : i32
      %dma_wait3A_763 = arith.constant 1 : i32
      %dma_wait3A_764 = arith.constant 0 : i32
      %dma_wait3A_765 = tpu.memref_slice %arg7[%dma_wait3A_763, %dma_wait3A_764] : memref<4x128xi32, #tpu.memory_space<vmem>> -> memref<1x128xi32, #tpu.memory_space<vmem>>
      %dma_wait3A_766 = tpu.memref_squeeze %dma_wait3A_765 : memref<1x128xi32, #tpu.memory_space<vmem>> -> memref<128xi32, #tpu.memory_space<vmem>>
      %dma_wait3A_767 = arith.constant 0 : i32
      %dma_wait3A_768 = tpu.memref_slice %arg2[%dma_wait3A_767] : memref<323584xi32, #tpu.memory_space<hbm>> -> memref<128xi32, #tpu.memory_space<hbm>>
      %dma_wait3A_769 = arith.constant 0 : i32
      %dma_wait3A_770 = tpu.memref_slice %arg7[%dma_wait3A_763, %dma_wait3A_769] : memref<4x128xi32, #tpu.memory_space<vmem>> -> memref<1x128xi32, #tpu.memory_space<vmem>>
      %dma_wait3A_771 = tpu.memref_squeeze %dma_wait3A_770 : memref<1x128xi32, #tpu.memory_space<vmem>> -> memref<128xi32, #tpu.memory_space<vmem>>
      %dma_wait3A_772 = arith.constant 0 : i32
      %dma_wait3A_773 = tpu.memref_slice %arg2[%dma_wait3A_772] : memref<323584xi32, #tpu.memory_space<hbm>> -> memref<128xi32, #tpu.memory_space<hbm>>
      tpu.wait_dma2 semaphore(%arg12 : memref<!tpu.dma_semaphore, #tpu.memory_space<semaphore_mem>>) src(%dma_wait3A_773 : memref<128xi32, #tpu.memory_space<hbm>>) dst(%dma_wait3A_771 : memref<128xi32, #tpu.memory_space<vmem>>)
      %dma_wait3A_774 = arith.constant 1 : i32
      %dma_wait3A_775 = arith.constant 0 : i32
      %dma_wait3A_776 = tpu.memref_slice %arg8[%dma_wait3A_774, %dma_wait3A_775] : memref<4x128xi32, #tpu.memory_space<vmem>> -> memref<1x128xi32, #tpu.memory_space<vmem>>
      %dma_wait3A_777 = tpu.memref_squeeze %dma_wait3A_776 : memref<1x128xi32, #tpu.memory_space<vmem>> -> memref<128xi32, #tpu.memory_space<vmem>>
      %dma_wait3A_778 = arith.constant 0 : i32
      %dma_wait3A_779 = tpu.memref_slice %arg3[%dma_wait3A_778] : memref<323584xi32, #tpu.memory_space<hbm>> -> memref<128xi32, #tpu.memory_space<hbm>>
      %dma_wait3A_780 = arith.constant 0 : i32
      %dma_wait3A_781 = tpu.memref_slice %arg8[%dma_wait3A_774, %dma_wait3A_780] : memref<4x128xi32, #tpu.memory_space<vmem>> -> memref<1x128xi32, #tpu.memory_space<vmem>>
      %dma_wait3A_782 = tpu.memref_squeeze %dma_wait3A_781 : memref<1x128xi32, #tpu.memory_space<vmem>> -> memref<128xi32, #tpu.memory_space<vmem>>
      %dma_wait3A_783 = arith.constant 0 : i32
      %dma_wait3A_784 = tpu.memref_slice %arg3[%dma_wait3A_783] : memref<323584xi32, #tpu.memory_space<hbm>> -> memref<128xi32, #tpu.memory_space<hbm>>
      tpu.wait_dma2 semaphore(%arg12 : memref<!tpu.dma_semaphore, #tpu.memory_space<semaphore_mem>>) src(%dma_wait3A_784 : memref<128xi32, #tpu.memory_space<hbm>>) dst(%dma_wait3A_782 : memref<128xi32, #tpu.memory_space<vmem>>)
      %dma_wait3A_785 = arith.constant 0 : i32
      %dma_wait3A_786 = arith.constant 0 : i32
      %dma_wait3A_787 = arith.constant 0 : i32
      %dma_wait3A_788 = arith.constant 0 : i32
      %dma_wait3A_789 = tpu.memref_slice %arg9[%dma_wait3A_786, %dma_wait3A_787, %dma_wait3A_788] : memref<2x128x128xf32, #tpu.memory_space<vmem>> -> memref<1x128x128xf32, #tpu.memory_space<vmem>>
      %dma_wait3A_790 = tpu.memref_squeeze %dma_wait3A_789 : memref<1x128x128xf32, #tpu.memory_space<vmem>> -> memref<128x128xf32, #tpu.memory_space<vmem>>
      %dma_wait3A_791 = arith.constant 0 : i32
      %dma_wait3A_792 = tpu.memref_slice %arg7[%dma_wait3A_785, %dma_wait3A_791] : memref<4x128xi32, #tpu.memory_space<vmem>> -> memref<1x128xi32, #tpu.memory_space<vmem>>
      %dma_wait3A_793 = tpu.memref_squeeze %dma_wait3A_792 : memref<1x128xi32, #tpu.memory_space<vmem>> -> memref<128xi32, #tpu.memory_space<vmem>>
      %dma_wait3A_794 = arith.constant 0 : i32
      %dma_wait3A_795 = arith.constant 0 : i32
      %dma_wait3A_796 = tpu.memref_slice %arg4[%dma_wait3A_794, %dma_wait3A_795] : memref<10000x128xf32, #tpu.memory_space<hbm>> -> memref<10000x128xf32, #tpu.memory_space<hbm>>
      tpu.wait_indirect_dma semaphore(%arg15 : memref<!tpu.dma_semaphore, #tpu.memory_space<semaphore_mem>>) src(%dma_wait3A_796 : memref<10000x128xf32, #tpu.memory_space<hbm>>) dst(%dma_wait3A_790 : memref<128x128xf32, #tpu.memory_space<vmem>>)
      %dma_start3A_797 = arith.constant 1 : i32
      %dma_start3A_798 = arith.constant 1 : i32
      %dma_start3A_799 = arith.constant 0 : i32
      %dma_start3A_800 = arith.constant 0 : i32
      %dma_start3A_801 = tpu.memref_slice %arg9[%dma_start3A_798, %dma_start3A_799, %dma_start3A_800] : memref<2x128x128xf32, #tpu.memory_space<vmem>> -> memref<1x128x128xf32, #tpu.memory_space<vmem>>
      %dma_start3A_802 = tpu.memref_squeeze %dma_start3A_801 : memref<1x128x128xf32, #tpu.memory_space<vmem>> -> memref<128x128xf32, #tpu.memory_space<vmem>>
      %dma_start3A_803 = arith.constant 0 : i32
      %dma_start3A_804 = tpu.memref_slice %arg7[%dma_start3A_797, %dma_start3A_803] : memref<4x128xi32, #tpu.memory_space<vmem>> -> memref<1x128xi32, #tpu.memory_space<vmem>>
      %dma_start3A_805 = tpu.memref_squeeze %dma_start3A_804 : memref<1x128xi32, #tpu.memory_space<vmem>> -> memref<128xi32, #tpu.memory_space<vmem>>
      %dma_start3A_806 = arith.constant 0 : i32
      %dma_start3A_807 = arith.constant 0 : i32
      %dma_start3A_808 = tpu.memref_slice %arg4[%dma_start3A_806, %dma_start3A_807] : memref<10000x128xf32, #tpu.memory_space<hbm>> -> memref<10000x128xf32, #tpu.memory_space<hbm>>
      tpu.enqueue_indirect_dma source(%dma_start3A_808 : memref<10000x128xf32, #tpu.memory_space<hbm>>) target(%dma_start3A_802 : memref<128x128xf32, #tpu.memory_space<vmem>>) offsets(%dma_start3A_805 : memref<128xi32, #tpu.memory_space<vmem>>) semaphore(%arg16 : memref<!tpu.dma_semaphore, #tpu.memory_space<semaphore_mem>>)
      %add3A_809 = arith.constant 3 : i32
      %add3A_810 = arith.addi %add3A_762, %add3A_809 : i32
      %mul3A_811 = arith.constant 128 : i32
      %mul3A_812 = arith.muli %add3A_810, %mul3A_811 : i32
      %add3A_813 = arith.addi %mul3A_4, %mul3A_812 : i32
      %dma_start3A_814 = arith.constant 3 : i32
      %dma_start3A_815 = arith.constant 0 : i32
      %dma_start3A_816 = tpu.memref_slice %arg7[%dma_start3A_814, %dma_start3A_815] : memref<4x128xi32, #tpu.memory_space<vmem>> -> memref<1x128xi32, #tpu.memory_space<vmem>>
      %dma_start3A_817 = tpu.memref_squeeze %dma_start3A_816 : memref<1x128xi32, #tpu.memory_space<vmem>> -> memref<128xi32, #tpu.memory_space<vmem>>
      %dma_start3A_818 = tpu.memref_slice %arg2[%add3A_813] : memref<323584xi32, #tpu.memory_space<hbm>> -> memref<128xi32, #tpu.memory_space<hbm>>
      %dma_start3A_819 = arith.constant 0 : i32
      %dma_start3A_820 = tpu.memref_slice %arg7[%dma_start3A_814, %dma_start3A_819] : memref<4x128xi32, #tpu.memory_space<vmem>> -> memref<1x128xi32, #tpu.memory_space<vmem>>
      %dma_start3A_821 = tpu.memref_squeeze %dma_start3A_820 : memref<1x128xi32, #tpu.memory_space<vmem>> -> memref<128xi32, #tpu.memory_space<vmem>>
      %dma_start3A_822 = tpu.memref_slice %arg2[%add3A_813] : memref<323584xi32, #tpu.memory_space<hbm>> -> memref<128xi32, #tpu.memory_space<hbm>>
      tpu.enqueue_dma source(%dma_start3A_822 : memref<128xi32, #tpu.memory_space<hbm>>) target(%dma_start3A_821 : memref<128xi32, #tpu.memory_space<vmem>>) target_semaphore(%arg14 : memref<!tpu.dma_semaphore, #tpu.memory_space<semaphore_mem>>)
      %add3A_823 = arith.constant 3 : i32
      %add3A_824 = arith.addi %add3A_762, %add3A_823 : i32
      %mul3A_825 = arith.constant 128 : i32
      %mul3A_826 = arith.muli %add3A_824, %mul3A_825 : i32
      %add3A_827 = arith.addi %mul3A_4, %mul3A_826 : i32
      %dma_start3A_828 = arith.constant 3 : i32
      %dma_start3A_829 = arith.constant 0 : i32
      %dma_start3A_830 = tpu.memref_slice %arg8[%dma_start3A_828, %dma_start3A_829] : memref<4x128xi32, #tpu.memory_space<vmem>> -> memref<1x128xi32, #tpu.memory_space<vmem>>
      %dma_start3A_831 = tpu.memref_squeeze %dma_start3A_830 : memref<1x128xi32, #tpu.memory_space<vmem>> -> memref<128xi32, #tpu.memory_space<vmem>>
      %dma_start3A_832 = tpu.memref_slice %arg3[%add3A_827] : memref<323584xi32, #tpu.memory_space<hbm>> -> memref<128xi32, #tpu.memory_space<hbm>>
      %dma_start3A_833 = arith.constant 0 : i32
      %dma_start3A_834 = tpu.memref_slice %arg8[%dma_start3A_828, %dma_start3A_833] : memref<4x128xi32, #tpu.memory_space<vmem>> -> memref<1x128xi32, #tpu.memory_space<vmem>>
      %dma_start3A_835 = tpu.memref_squeeze %dma_start3A_834 : memref<1x128xi32, #tpu.memory_space<vmem>> -> memref<128xi32, #tpu.memory_space<vmem>>
      %dma_start3A_836 = tpu.memref_slice %arg3[%add3A_827] : memref<323584xi32, #tpu.memory_space<hbm>> -> memref<128xi32, #tpu.memory_space<hbm>>
      tpu.enqueue_dma source(%dma_start3A_836 : memref<128xi32, #tpu.memory_space<hbm>>) target(%dma_start3A_835 : memref<128xi32, #tpu.memory_space<vmem>>) target_semaphore(%arg14 : memref<!tpu.dma_semaphore, #tpu.memory_space<semaphore_mem>>)
      %run_scoped3A_837 = arith.constant 0 : i32
      %run_scoped3A_838 = arith.constant 0 : i32
      "tpu.region"() ({
        %run_scoped3A_839 = tpu.sem_alloc : memref<!tpu.dma_semaphore, #tpu.memory_space<semaphore_mem>>
        %dma_start3A_840 = arith.constant 0 : i32
        %dma_start3A_841 = arith.constant 0 : i32
        %dma_start3A_842 = tpu.memref_slice %arg9[%run_scoped3A_837, %dma_start3A_840, %dma_start3A_841] : memref<2x128x128xf32, #tpu.memory_space<vmem>> -> memref<1x128x128xf32, #tpu.memory_space<vmem>>
        %dma_start3A_843 = tpu.memref_squeeze %dma_start3A_842 : memref<1x128x128xf32, #tpu.memory_space<vmem>> -> memref<128x128xf32, #tpu.memory_space<vmem>>
        %dma_start3A_844 = arith.constant 0 : i32
        %dma_start3A_845 = tpu.memref_slice %arg8[%run_scoped3A_838, %dma_start3A_844] : memref<4x128xi32, #tpu.memory_space<vmem>> -> memref<1x128xi32, #tpu.memory_space<vmem>>
        %dma_start3A_846 = tpu.memref_squeeze %dma_start3A_845 : memref<1x128xi32, #tpu.memory_space<vmem>> -> memref<128xi32, #tpu.memory_space<vmem>>
        %dma_start3A_847 = arith.constant 0 : i32
        %dma_start3A_848 = arith.constant 0 : i32
        %dma_start3A_849 = tpu.memref_slice %arg10[%dma_start3A_847, %dma_start3A_848] : memref<10240x128xf32, #tpu.memory_space<vmem_shared>> -> memref<10240x128xf32, #tpu.memory_space<vmem_shared>>
        tpu.enqueue_indirect_dma source(%dma_start3A_843 : memref<128x128xf32, #tpu.memory_space<vmem>>) target(%dma_start3A_849 : memref<10240x128xf32, #tpu.memory_space<vmem_shared>>) offsets(%dma_start3A_846 : memref<128xi32, #tpu.memory_space<vmem>>) semaphore(%run_scoped3A_839 : memref<!tpu.dma_semaphore, #tpu.memory_space<semaphore_mem>>) {add = true}
        %dma_wait3A_850 = arith.constant 0 : i32
        %dma_wait3A_851 = arith.constant 0 : i32
        %dma_wait3A_852 = tpu.memref_slice %arg9[%run_scoped3A_837, %dma_wait3A_850, %dma_wait3A_851] : memref<2x128x128xf32, #tpu.memory_space<vmem>> -> memref<1x128x128xf32, #tpu.memory_space<vmem>>
        %dma_wait3A_853 = tpu.memref_squeeze %dma_wait3A_852 : memref<1x128x128xf32, #tpu.memory_space<vmem>> -> memref<128x128xf32, #tpu.memory_space<vmem>>
        %dma_wait3A_854 = arith.constant 0 : i32
        %dma_wait3A_855 = tpu.memref_slice %arg8[%run_scoped3A_838, %dma_wait3A_854] : memref<4x128xi32, #tpu.memory_space<vmem>> -> memref<1x128xi32, #tpu.memory_space<vmem>>
        %dma_wait3A_856 = tpu.memref_squeeze %dma_wait3A_855 : memref<1x128xi32, #tpu.memory_space<vmem>> -> memref<128xi32, #tpu.memory_space<vmem>>
        %dma_wait3A_857 = arith.constant 0 : i32
        %dma_wait3A_858 = arith.constant 0 : i32
        %dma_wait3A_859 = tpu.memref_slice %arg10[%dma_wait3A_857, %dma_wait3A_858] : memref<10240x128xf32, #tpu.memory_space<vmem_shared>> -> memref<10240x128xf32, #tpu.memory_space<vmem_shared>>
        tpu.wait_indirect_dma semaphore(%run_scoped3A_839 : memref<!tpu.dma_semaphore, #tpu.memory_space<semaphore_mem>>) src(%dma_wait3A_853 : memref<128x128xf32, #tpu.memory_space<vmem>>) dst(%dma_wait3A_859 : memref<10240x128xf32, #tpu.memory_space<vmem_shared>>)
        tpu.yield
      }) : () -> ()
    }
    %scan3A_196 = arith.constant 18 : i32
    %dma_wait3A_197 = arith.constant 2 : i32
    %dma_wait3A_198 = arith.constant 0 : i32
    %dma_wait3A_199 = tpu.memref_slice %arg7[%dma_wait3A_197, %dma_wait3A_198] : memref<4x128xi32, #tpu.memory_space<vmem>> -> memref<1x128xi32, #tpu.memory_space<vmem>>
    %dma_wait3A_200 = tpu.memref_squeeze %dma_wait3A_199 : memref<1x128xi32, #tpu.memory_space<vmem>> -> memref<128xi32, #tpu.memory_space<vmem>>
    %dma_wait3A_201 = arith.constant 0 : i32
    %dma_wait3A_202 = tpu.memref_slice %arg2[%dma_wait3A_201] : memref<323584xi32, #tpu.memory_space<hbm>> -> memref<128xi32, #tpu.memory_space<hbm>>
    %dma_wait3A_203 = arith.constant 0 : i32
    %dma_wait3A_204 = tpu.memref_slice %arg7[%dma_wait3A_197, %dma_wait3A_203] : memref<4x128xi32, #tpu.memory_space<vmem>> -> memref<1x128xi32, #tpu.memory_space<vmem>>
    %dma_wait3A_205 = tpu.memref_squeeze %dma_wait3A_204 : memref<1x128xi32, #tpu.memory_space<vmem>> -> memref<128xi32, #tpu.memory_space<vmem>>
    %dma_wait3A_206 = arith.constant 0 : i32
    %dma_wait3A_207 = tpu.memref_slice %arg2[%dma_wait3A_206] : memref<323584xi32, #tpu.memory_space<hbm>> -> memref<128xi32, #tpu.memory_space<hbm>>
    tpu.wait_dma2 semaphore(%arg13 : memref<!tpu.dma_semaphore, #tpu.memory_space<semaphore_mem>>) src(%dma_wait3A_207 : memref<128xi32, #tpu.memory_space<hbm>>) dst(%dma_wait3A_205 : memref<128xi32, #tpu.memory_space<vmem>>)
    %dma_wait3A_208 = arith.constant 2 : i32
    %dma_wait3A_209 = arith.constant 0 : i32
    %dma_wait3A_210 = tpu.memref_slice %arg8[%dma_wait3A_208, %dma_wait3A_209] : memref<4x128xi32, #tpu.memory_space<vmem>> -> memref<1x128xi32, #tpu.memory_space<vmem>>
    %dma_wait3A_211 = tpu.memref_squeeze %dma_wait3A_210 : memref<1x128xi32, #tpu.memory_space<vmem>> -> memref<128xi32, #tpu.memory_space<vmem>>
    %dma_wait3A_212 = arith.constant 0 : i32
    %dma_wait3A_213 = tpu.memref_slice %arg3[%dma_wait3A_212] : memref<323584xi32, #tpu.memory_space<hbm>> -> memref<128xi32, #tpu.memory_space<hbm>>
    %dma_wait3A_214 = arith.constant 0 : i32
    %dma_wait3A_215 = tpu.memref_slice %arg8[%dma_wait3A_208, %dma_wait3A_214] : memref<4x128xi32, #tpu.memory_space<vmem>> -> memref<1x128xi32, #tpu.memory_space<vmem>>
    %dma_wait3A_216 = tpu.memref_squeeze %dma_wait3A_215 : memref<1x128xi32, #tpu.memory_space<vmem>> -> memref<128xi32, #tpu.memory_space<vmem>>
    %dma_wait3A_217 = arith.constant 0 : i32
    %dma_wait3A_218 = tpu.memref_slice %arg3[%dma_wait3A_217] : memref<323584xi32, #tpu.memory_space<hbm>> -> memref<128xi32, #tpu.memory_space<hbm>>
    tpu.wait_dma2 semaphore(%arg13 : memref<!tpu.dma_semaphore, #tpu.memory_space<semaphore_mem>>) src(%dma_wait3A_218 : memref<128xi32, #tpu.memory_space<hbm>>) dst(%dma_wait3A_216 : memref<128xi32, #tpu.memory_space<vmem>>)
    %dma_wait3A_219 = arith.constant 0 : i32
    %dma_wait3A_220 = arith.constant 1 : i32
    %dma_wait3A_221 = arith.constant 0 : i32
    %dma_wait3A_222 = arith.constant 0 : i32
    %dma_wait3A_223 = tpu.memref_slice %arg9[%dma_wait3A_220, %dma_wait3A_221, %dma_wait3A_222] : memref<2x128x128xf32, #tpu.memory_space<vmem>> -> memref<1x128x128xf32, #tpu.memory_space<vmem>>
    %dma_wait3A_224 = tpu.memref_squeeze %dma_wait3A_223 : memref<1x128x128xf32, #tpu.memory_space<vmem>> -> memref<128x128xf32, #tpu.memory_space<vmem>>
    %dma_wait3A_225 = arith.constant 0 : i32
    %dma_wait3A_226 = tpu.memref_slice %arg7[%dma_wait3A_219, %dma_wait3A_225] : memref<4x128xi32, #tpu.memory_space<vmem>> -> memref<1x128xi32, #tpu.memory_space<vmem>>
    %dma_wait3A_227 = tpu.memref_squeeze %dma_wait3A_226 : memref<1x128xi32, #tpu.memory_space<vmem>> -> memref<128xi32, #tpu.memory_space<vmem>>
    %dma_wait3A_228 = arith.constant 0 : i32
    %dma_wait3A_229 = arith.constant 0 : i32
    %dma_wait3A_230 = tpu.memref_slice %arg4[%dma_wait3A_228, %dma_wait3A_229] : memref<10000x128xf32, #tpu.memory_space<hbm>> -> memref<10000x128xf32, #tpu.memory_space<hbm>>
    tpu.wait_indirect_dma semaphore(%arg16 : memref<!tpu.dma_semaphore, #tpu.memory_space<semaphore_mem>>) src(%dma_wait3A_230 : memref<10000x128xf32, #tpu.memory_space<hbm>>) dst(%dma_wait3A_224 : memref<128x128xf32, #tpu.memory_space<vmem>>)
    %dma_start3A_231 = arith.constant 2 : i32
    %dma_start3A_232 = arith.constant 0 : i32
    %dma_start3A_233 = arith.constant 0 : i32
    %dma_start3A_234 = arith.constant 0 : i32
    %dma_start3A_235 = tpu.memref_slice %arg9[%dma_start3A_232, %dma_start3A_233, %dma_start3A_234] : memref<2x128x128xf32, #tpu.memory_space<vmem>> -> memref<1x128x128xf32, #tpu.memory_space<vmem>>
    %dma_start3A_236 = tpu.memref_squeeze %dma_start3A_235 : memref<1x128x128xf32, #tpu.memory_space<vmem>> -> memref<128x128xf32, #tpu.memory_space<vmem>>
    %dma_start3A_237 = arith.constant 0 : i32
    %dma_start3A_238 = tpu.memref_slice %arg7[%dma_start3A_231, %dma_start3A_237] : memref<4x128xi32, #tpu.memory_space<vmem>> -> memref<1x128xi32, #tpu.memory_space<vmem>>
    %dma_start3A_239 = tpu.memref_squeeze %dma_start3A_238 : memref<1x128xi32, #tpu.memory_space<vmem>> -> memref<128xi32, #tpu.memory_space<vmem>>
    %dma_start3A_240 = arith.constant 0 : i32
    %dma_start3A_241 = arith.constant 0 : i32
    %dma_start3A_242 = tpu.memref_slice %arg4[%dma_start3A_240, %dma_start3A_241] : memref<10000x128xf32, #tpu.memory_space<hbm>> -> memref<10000x128xf32, #tpu.memory_space<hbm>>
    tpu.enqueue_indirect_dma source(%dma_start3A_242 : memref<10000x128xf32, #tpu.memory_space<hbm>>) target(%dma_start3A_236 : memref<128x128xf32, #tpu.memory_space<vmem>>) offsets(%dma_start3A_239 : memref<128xi32, #tpu.memory_space<vmem>>) semaphore(%arg15 : memref<!tpu.dma_semaphore, #tpu.memory_space<semaphore_mem>>)
    %add3A_243 = arith.constant 9728 : i32
    %add3A_244 = arith.addi %mul3A_4, %add3A_243 : i32
    %dma_start3A_245 = arith.constant 0 : i32
    %dma_start3A_246 = arith.constant 0 : i32
    %dma_start3A_247 = tpu.memref_slice %arg7[%dma_start3A_245, %dma_start3A_246] : memref<4x128xi32, #tpu.memory_space<vmem>> -> memref<1x128xi32, #tpu.memory_space<vmem>>
    %dma_start3A_248 = tpu.memref_squeeze %dma_start3A_247 : memref<1x128xi32, #tpu.memory_space<vmem>> -> memref<128xi32, #tpu.memory_space<vmem>>
    %dma_start3A_249 = tpu.memref_slice %arg2[%add3A_244] : memref<323584xi32, #tpu.memory_space<hbm>> -> memref<128xi32, #tpu.memory_space<hbm>>
    %dma_start3A_250 = arith.constant 0 : i32
    %dma_start3A_251 = tpu.memref_slice %arg7[%dma_start3A_245, %dma_start3A_250] : memref<4x128xi32, #tpu.memory_space<vmem>> -> memref<1x128xi32, #tpu.memory_space<vmem>>
    %dma_start3A_252 = tpu.memref_squeeze %dma_start3A_251 : memref<1x128xi32, #tpu.memory_space<vmem>> -> memref<128xi32, #tpu.memory_space<vmem>>
    %dma_start3A_253 = tpu.memref_slice %arg2[%add3A_244] : memref<323584xi32, #tpu.memory_space<hbm>> -> memref<128xi32, #tpu.memory_space<hbm>>
    tpu.enqueue_dma source(%dma_start3A_253 : memref<128xi32, #tpu.memory_space<hbm>>) target(%dma_start3A_252 : memref<128xi32, #tpu.memory_space<vmem>>) target_semaphore(%arg11 : memref<!tpu.dma_semaphore, #tpu.memory_space<semaphore_mem>>)
    %add3A_254 = arith.constant 9728 : i32
    %add3A_255 = arith.addi %mul3A_4, %add3A_254 : i32
    %dma_start3A_256 = arith.constant 0 : i32
    %dma_start3A_257 = arith.constant 0 : i32
    %dma_start3A_258 = tpu.memref_slice %arg8[%dma_start3A_256, %dma_start3A_257] : memref<4x128xi32, #tpu.memory_space<vmem>> -> memref<1x128xi32, #tpu.memory_space<vmem>>
    %dma_start3A_259 = tpu.memref_squeeze %dma_start3A_258 : memref<1x128xi32, #tpu.memory_space<vmem>> -> memref<128xi32, #tpu.memory_space<vmem>>
    %dma_start3A_260 = tpu.memref_slice %arg3[%add3A_255] : memref<323584xi32, #tpu.memory_space<hbm>> -> memref<128xi32, #tpu.memory_space<hbm>>
    %dma_start3A_261 = arith.constant 0 : i32
    %dma_start3A_262 = tpu.memref_slice %arg8[%dma_start3A_256, %dma_start3A_261] : memref<4x128xi32, #tpu.memory_space<vmem>> -> memref<1x128xi32, #tpu.memory_space<vmem>>
    %dma_start3A_263 = tpu.memref_squeeze %dma_start3A_262 : memref<1x128xi32, #tpu.memory_space<vmem>> -> memref<128xi32, #tpu.memory_space<vmem>>
    %dma_start3A_264 = tpu.memref_slice %arg3[%add3A_255] : memref<323584xi32, #tpu.memory_space<hbm>> -> memref<128xi32, #tpu.memory_space<hbm>>
    tpu.enqueue_dma source(%dma_start3A_264 : memref<128xi32, #tpu.memory_space<hbm>>) target(%dma_start3A_263 : memref<128xi32, #tpu.memory_space<vmem>>) target_semaphore(%arg11 : memref<!tpu.dma_semaphore, #tpu.memory_space<semaphore_mem>>)
    %run_scoped3A_265 = arith.constant 1 : i32
    %run_scoped3A_266 = arith.constant 1 : i32
    "tpu.region"() ({
      %run_scoped3A_522 = tpu.sem_alloc : memref<!tpu.dma_semaphore, #tpu.memory_space<semaphore_mem>>
      %dma_start3A_523 = arith.constant 0 : i32
      %dma_start3A_524 = arith.constant 0 : i32
      %dma_start3A_525 = tpu.memref_slice %arg9[%run_scoped3A_265, %dma_start3A_523, %dma_start3A_524] : memref<2x128x128xf32, #tpu.memory_space<vmem>> -> memref<1x128x128xf32, #tpu.memory_space<vmem>>
      %dma_start3A_526 = tpu.memref_squeeze %dma_start3A_525 : memref<1x128x128xf32, #tpu.memory_space<vmem>> -> memref<128x128xf32, #tpu.memory_space<vmem>>
      %dma_start3A_527 = arith.constant 0 : i32
      %dma_start3A_528 = tpu.memref_slice %arg8[%run_scoped3A_266, %dma_start3A_527] : memref<4x128xi32, #tpu.memory_space<vmem>> -> memref<1x128xi32, #tpu.memory_space<vmem>>
      %dma_start3A_529 = tpu.memref_squeeze %dma_start3A_528 : memref<1x128xi32, #tpu.memory_space<vmem>> -> memref<128xi32, #tpu.memory_space<vmem>>
      %dma_start3A_530 = arith.constant 0 : i32
      %dma_start3A_531 = arith.constant 0 : i32
      %dma_start3A_532 = tpu.memref_slice %arg10[%dma_start3A_530, %dma_start3A_531] : memref<10240x128xf32, #tpu.memory_space<vmem_shared>> -> memref<10240x128xf32, #tpu.memory_space<vmem_shared>>
      tpu.enqueue_indirect_dma source(%dma_start3A_526 : memref<128x128xf32, #tpu.memory_space<vmem>>) target(%dma_start3A_532 : memref<10240x128xf32, #tpu.memory_space<vmem_shared>>) offsets(%dma_start3A_529 : memref<128xi32, #tpu.memory_space<vmem>>) semaphore(%run_scoped3A_522 : memref<!tpu.dma_semaphore, #tpu.memory_space<semaphore_mem>>) {add = true}
      %dma_wait3A_533 = arith.constant 0 : i32
      %dma_wait3A_534 = arith.constant 0 : i32
      %dma_wait3A_535 = tpu.memref_slice %arg9[%run_scoped3A_265, %dma_wait3A_533, %dma_wait3A_534] : memref<2x128x128xf32, #tpu.memory_space<vmem>> -> memref<1x128x128xf32, #tpu.memory_space<vmem>>
      %dma_wait3A_536 = tpu.memref_squeeze %dma_wait3A_535 : memref<1x128x128xf32, #tpu.memory_space<vmem>> -> memref<128x128xf32, #tpu.memory_space<vmem>>
      %dma_wait3A_537 = arith.constant 0 : i32
      %dma_wait3A_538 = tpu.memref_slice %arg8[%run_scoped3A_266, %dma_wait3A_537] : memref<4x128xi32, #tpu.memory_space<vmem>> -> memref<1x128xi32, #tpu.memory_space<vmem>>
      %dma_wait3A_539 = tpu.memref_squeeze %dma_wait3A_538 : memref<1x128xi32, #tpu.memory_space<vmem>> -> memref<128xi32, #tpu.memory_space<vmem>>
      %dma_wait3A_540 = arith.constant 0 : i32
      %dma_wait3A_541 = arith.constant 0 : i32
      %dma_wait3A_542 = tpu.memref_slice %arg10[%dma_wait3A_540, %dma_wait3A_541] : memref<10240x128xf32, #tpu.memory_space<vmem_shared>> -> memref<10240x128xf32, #tpu.memory_space<vmem_shared>>
      tpu.wait_indirect_dma semaphore(%run_scoped3A_522 : memref<!tpu.dma_semaphore, #tpu.memory_space<semaphore_mem>>) src(%dma_wait3A_536 : memref<128x128xf32, #tpu.memory_space<vmem>>) dst(%dma_wait3A_542 : memref<10240x128xf32, #tpu.memory_space<vmem_shared>>)
      tpu.yield
    }) : () -> ()
    %dma_wait3A_267 = arith.constant 3 : i32
    %dma_wait3A_268 = arith.constant 0 : i32
    %dma_wait3A_269 = tpu.memref_slice %arg7[%dma_wait3A_267, %dma_wait3A_268] : memref<4x128xi32, #tpu.memory_space<vmem>> -> memref<1x128xi32, #tpu.memory_space<vmem>>
    %dma_wait3A_270 = tpu.memref_squeeze %dma_wait3A_269 : memref<1x128xi32, #tpu.memory_space<vmem>> -> memref<128xi32, #tpu.memory_space<vmem>>
    %dma_wait3A_271 = arith.constant 0 : i32
    %dma_wait3A_272 = tpu.memref_slice %arg2[%dma_wait3A_271] : memref<323584xi32, #tpu.memory_space<hbm>> -> memref<128xi32, #tpu.memory_space<hbm>>
    %dma_wait3A_273 = arith.constant 0 : i32
    %dma_wait3A_274 = tpu.memref_slice %arg7[%dma_wait3A_267, %dma_wait3A_273] : memref<4x128xi32, #tpu.memory_space<vmem>> -> memref<1x128xi32, #tpu.memory_space<vmem>>
    %dma_wait3A_275 = tpu.memref_squeeze %dma_wait3A_274 : memref<1x128xi32, #tpu.memory_space<vmem>> -> memref<128xi32, #tpu.memory_space<vmem>>
    %dma_wait3A_276 = arith.constant 0 : i32
    %dma_wait3A_277 = tpu.memref_slice %arg2[%dma_wait3A_276] : memref<323584xi32, #tpu.memory_space<hbm>> -> memref<128xi32, #tpu.memory_space<hbm>>
    tpu.wait_dma2 semaphore(%arg14 : memref<!tpu.dma_semaphore, #tpu.memory_space<semaphore_mem>>) src(%dma_wait3A_277 : memref<128xi32, #tpu.memory_space<hbm>>) dst(%dma_wait3A_275 : memref<128xi32, #tpu.memory_space<vmem>>)
    %dma_wait3A_278 = arith.constant 3 : i32
    %dma_wait3A_279 = arith.constant 0 : i32
    %dma_wait3A_280 = tpu.memref_slice %arg8[%dma_wait3A_278, %dma_wait3A_279] : memref<4x128xi32, #tpu.memory_space<vmem>> -> memref<1x128xi32, #tpu.memory_space<vmem>>
    %dma_wait3A_281 = tpu.memref_squeeze %dma_wait3A_280 : memref<1x128xi32, #tpu.memory_space<vmem>> -> memref<128xi32, #tpu.memory_space<vmem>>
    %dma_wait3A_282 = arith.constant 0 : i32
    %dma_wait3A_283 = tpu.memref_slice %arg3[%dma_wait3A_282] : memref<323584xi32, #tpu.memory_space<hbm>> -> memref<128xi32, #tpu.memory_space<hbm>>
    %dma_wait3A_284 = arith.constant 0 : i32
    %dma_wait3A_285 = tpu.memref_slice %arg8[%dma_wait3A_278, %dma_wait3A_284] : memref<4x128xi32, #tpu.memory_space<vmem>> -> memref<1x128xi32, #tpu.memory_space<vmem>>
    %dma_wait3A_286 = tpu.memref_squeeze %dma_wait3A_285 : memref<1x128xi32, #tpu.memory_space<vmem>> -> memref<128xi32, #tpu.memory_space<vmem>>
    %dma_wait3A_287 = arith.constant 0 : i32
    %dma_wait3A_288 = tpu.memref_slice %arg3[%dma_wait3A_287] : memref<323584xi32, #tpu.memory_space<hbm>> -> memref<128xi32, #tpu.memory_space<hbm>>
    tpu.wait_dma2 semaphore(%arg14 : memref<!tpu.dma_semaphore, #tpu.memory_space<semaphore_mem>>) src(%dma_wait3A_288 : memref<128xi32, #tpu.memory_space<hbm>>) dst(%dma_wait3A_286 : memref<128xi32, #tpu.memory_space<vmem>>)
    %dma_wait3A_289 = arith.constant 0 : i32
    %dma_wait3A_290 = arith.constant 0 : i32
    %dma_wait3A_291 = arith.constant 0 : i32
    %dma_wait3A_292 = arith.constant 0 : i32
    %dma_wait3A_293 = tpu.memref_slice %arg9[%dma_wait3A_290, %dma_wait3A_291, %dma_wait3A_292] : memref<2x128x128xf32, #tpu.memory_space<vmem>> -> memref<1x128x128xf32, #tpu.memory_space<vmem>>
    %dma_wait3A_294 = tpu.memref_squeeze %dma_wait3A_293 : memref<1x128x128xf32, #tpu.memory_space<vmem>> -> memref<128x128xf32, #tpu.memory_space<vmem>>
    %dma_wait3A_295 = arith.constant 0 : i32
    %dma_wait3A_296 = tpu.memref_slice %arg7[%dma_wait3A_289, %dma_wait3A_295] : memref<4x128xi32, #tpu.memory_space<vmem>> -> memref<1x128xi32, #tpu.memory_space<vmem>>
    %dma_wait3A_297 = tpu.memref_squeeze %dma_wait3A_296 : memref<1x128xi32, #tpu.memory_space<vmem>> -> memref<128xi32, #tpu.memory_space<vmem>>
    %dma_wait3A_298 = arith.constant 0 : i32
    %dma_wait3A_299 = arith.constant 0 : i32
    %dma_wait3A_300 = tpu.memref_slice %arg4[%dma_wait3A_298, %dma_wait3A_299] : memref<10000x128xf32, #tpu.memory_space<hbm>> -> memref<10000x128xf32, #tpu.memory_space<hbm>>
    tpu.wait_indirect_dma semaphore(%arg15 : memref<!tpu.dma_semaphore, #tpu.memory_space<semaphore_mem>>) src(%dma_wait3A_300 : memref<10000x128xf32, #tpu.memory_space<hbm>>) dst(%dma_wait3A_294 : memref<128x128xf32, #tpu.memory_space<vmem>>)
    %dma_start3A_301 = arith.constant 3 : i32
    %dma_start3A_302 = arith.constant 1 : i32
    %dma_start3A_303 = arith.constant 0 : i32
    %dma_start3A_304 = arith.constant 0 : i32
    %dma_start3A_305 = tpu.memref_slice %arg9[%dma_start3A_302, %dma_start3A_303, %dma_start3A_304] : memref<2x128x128xf32, #tpu.memory_space<vmem>> -> memref<1x128x128xf32, #tpu.memory_space<vmem>>
    %dma_start3A_306 = tpu.memref_squeeze %dma_start3A_305 : memref<1x128x128xf32, #tpu.memory_space<vmem>> -> memref<128x128xf32, #tpu.memory_space<vmem>>
    %dma_start3A_307 = arith.constant 0 : i32
    %dma_start3A_308 = tpu.memref_slice %arg7[%dma_start3A_301, %dma_start3A_307] : memref<4x128xi32, #tpu.memory_space<vmem>> -> memref<1x128xi32, #tpu.memory_space<vmem>>
    %dma_start3A_309 = tpu.memref_squeeze %dma_start3A_308 : memref<1x128xi32, #tpu.memory_space<vmem>> -> memref<128xi32, #tpu.memory_space<vmem>>
    %dma_start3A_310 = arith.constant 0 : i32
    %dma_start3A_311 = arith.constant 0 : i32
    %dma_start3A_312 = tpu.memref_slice %arg4[%dma_start3A_310, %dma_start3A_311] : memref<10000x128xf32, #tpu.memory_space<hbm>> -> memref<10000x128xf32, #tpu.memory_space<hbm>>
    tpu.enqueue_indirect_dma source(%dma_start3A_312 : memref<10000x128xf32, #tpu.memory_space<hbm>>) target(%dma_start3A_306 : memref<128x128xf32, #tpu.memory_space<vmem>>) offsets(%dma_start3A_309 : memref<128xi32, #tpu.memory_space<vmem>>) semaphore(%arg16 : memref<!tpu.dma_semaphore, #tpu.memory_space<semaphore_mem>>)
    %add3A_313 = arith.constant 9856 : i32
    %add3A_314 = arith.addi %mul3A_4, %add3A_313 : i32
    %dma_start3A_315 = arith.constant 1 : i32
    %dma_start3A_316 = arith.constant 0 : i32
    %dma_start3A_317 = tpu.memref_slice %arg7[%dma_start3A_315, %dma_start3A_316] : memref<4x128xi32, #tpu.memory_space<vmem>> -> memref<1x128xi32, #tpu.memory_space<vmem>>
    %dma_start3A_318 = tpu.memref_squeeze %dma_start3A_317 : memref<1x128xi32, #tpu.memory_space<vmem>> -> memref<128xi32, #tpu.memory_space<vmem>>
    %dma_start3A_319 = tpu.memref_slice %arg2[%add3A_314] : memref<323584xi32, #tpu.memory_space<hbm>> -> memref<128xi32, #tpu.memory_space<hbm>>
    %dma_start3A_320 = arith.constant 0 : i32
    %dma_start3A_321 = tpu.memref_slice %arg7[%dma_start3A_315, %dma_start3A_320] : memref<4x128xi32, #tpu.memory_space<vmem>> -> memref<1x128xi32, #tpu.memory_space<vmem>>
    %dma_start3A_322 = tpu.memref_squeeze %dma_start3A_321 : memref<1x128xi32, #tpu.memory_space<vmem>> -> memref<128xi32, #tpu.memory_space<vmem>>
    %dma_start3A_323 = tpu.memref_slice %arg2[%add3A_314] : memref<323584xi32, #tpu.memory_space<hbm>> -> memref<128xi32, #tpu.memory_space<hbm>>
    tpu.enqueue_dma source(%dma_start3A_323 : memref<128xi32, #tpu.memory_space<hbm>>) target(%dma_start3A_322 : memref<128xi32, #tpu.memory_space<vmem>>) target_semaphore(%arg12 : memref<!tpu.dma_semaphore, #tpu.memory_space<semaphore_mem>>)
    %add3A_324 = arith.constant 9856 : i32
    %add3A_325 = arith.addi %mul3A_4, %add3A_324 : i32
    %dma_start3A_326 = arith.constant 1 : i32
    %dma_start3A_327 = arith.constant 0 : i32
    %dma_start3A_328 = tpu.memref_slice %arg8[%dma_start3A_326, %dma_start3A_327] : memref<4x128xi32, #tpu.memory_space<vmem>> -> memref<1x128xi32, #tpu.memory_space<vmem>>
    %dma_start3A_329 = tpu.memref_squeeze %dma_start3A_328 : memref<1x128xi32, #tpu.memory_space<vmem>> -> memref<128xi32, #tpu.memory_space<vmem>>
    %dma_start3A_330 = tpu.memref_slice %arg3[%add3A_325] : memref<323584xi32, #tpu.memory_space<hbm>> -> memref<128xi32, #tpu.memory_space<hbm>>
    %dma_start3A_331 = arith.constant 0 : i32
    %dma_start3A_332 = tpu.memref_slice %arg8[%dma_start3A_326, %dma_start3A_331] : memref<4x128xi32, #tpu.memory_space<vmem>> -> memref<1x128xi32, #tpu.memory_space<vmem>>
    %dma_start3A_333 = tpu.memref_squeeze %dma_start3A_332 : memref<1x128xi32, #tpu.memory_space<vmem>> -> memref<128xi32, #tpu.memory_space<vmem>>
    %dma_start3A_334 = tpu.memref_slice %arg3[%add3A_325] : memref<323584xi32, #tpu.memory_space<hbm>> -> memref<128xi32, #tpu.memory_space<hbm>>
    tpu.enqueue_dma source(%dma_start3A_334 : memref<128xi32, #tpu.memory_space<hbm>>) target(%dma_start3A_333 : memref<128xi32, #tpu.memory_space<vmem>>) target_semaphore(%arg12 : memref<!tpu.dma_semaphore, #tpu.memory_space<semaphore_mem>>)
    %run_scoped3A_335 = arith.constant 0 : i32
    %run_scoped3A_336 = arith.constant 2 : i32
    "tpu.region"() ({
      %run_scoped3A_522 = tpu.sem_alloc : memref<!tpu.dma_semaphore, #tpu.memory_space<semaphore_mem>>
      %dma_start3A_523 = arith.constant 0 : i32
      %dma_start3A_524 = arith.constant 0 : i32
      %dma_start3A_525 = tpu.memref_slice %arg9[%run_scoped3A_335, %dma_start3A_523, %dma_start3A_524] : memref<2x128x128xf32, #tpu.memory_space<vmem>> -> memref<1x128x128xf32, #tpu.memory_space<vmem>>
      %dma_start3A_526 = tpu.memref_squeeze %dma_start3A_525 : memref<1x128x128xf32, #tpu.memory_space<vmem>> -> memref<128x128xf32, #tpu.memory_space<vmem>>
      %dma_start3A_527 = arith.constant 0 : i32
      %dma_start3A_528 = tpu.memref_slice %arg8[%run_scoped3A_336, %dma_start3A_527] : memref<4x128xi32, #tpu.memory_space<vmem>> -> memref<1x128xi32, #tpu.memory_space<vmem>>
      %dma_start3A_529 = tpu.memref_squeeze %dma_start3A_528 : memref<1x128xi32, #tpu.memory_space<vmem>> -> memref<128xi32, #tpu.memory_space<vmem>>
      %dma_start3A_530 = arith.constant 0 : i32
      %dma_start3A_531 = arith.constant 0 : i32
      %dma_start3A_532 = tpu.memref_slice %arg10[%dma_start3A_530, %dma_start3A_531] : memref<10240x128xf32, #tpu.memory_space<vmem_shared>> -> memref<10240x128xf32, #tpu.memory_space<vmem_shared>>
      tpu.enqueue_indirect_dma source(%dma_start3A_526 : memref<128x128xf32, #tpu.memory_space<vmem>>) target(%dma_start3A_532 : memref<10240x128xf32, #tpu.memory_space<vmem_shared>>) offsets(%dma_start3A_529 : memref<128xi32, #tpu.memory_space<vmem>>) semaphore(%run_scoped3A_522 : memref<!tpu.dma_semaphore, #tpu.memory_space<semaphore_mem>>) {add = true}
      %dma_wait3A_533 = arith.constant 0 : i32
      %dma_wait3A_534 = arith.constant 0 : i32
      %dma_wait3A_535 = tpu.memref_slice %arg9[%run_scoped3A_335, %dma_wait3A_533, %dma_wait3A_534] : memref<2x128x128xf32, #tpu.memory_space<vmem>> -> memref<1x128x128xf32, #tpu.memory_space<vmem>>
      %dma_wait3A_536 = tpu.memref_squeeze %dma_wait3A_535 : memref<1x128x128xf32, #tpu.memory_space<vmem>> -> memref<128x128xf32, #tpu.memory_space<vmem>>
      %dma_wait3A_537 = arith.constant 0 : i32
      %dma_wait3A_538 = tpu.memref_slice %arg8[%run_scoped3A_336, %dma_wait3A_537] : memref<4x128xi32, #tpu.memory_space<vmem>> -> memref<1x128xi32, #tpu.memory_space<vmem>>
      %dma_wait3A_539 = tpu.memref_squeeze %dma_wait3A_538 : memref<1x128xi32, #tpu.memory_space<vmem>> -> memref<128xi32, #tpu.memory_space<vmem>>
      %dma_wait3A_540 = arith.constant 0 : i32
      %dma_wait3A_541 = arith.constant 0 : i32
      %dma_wait3A_542 = tpu.memref_slice %arg10[%dma_wait3A_540, %dma_wait3A_541] : memref<10240x128xf32, #tpu.memory_space<vmem_shared>> -> memref<10240x128xf32, #tpu.memory_space<vmem_shared>>
      tpu.wait_indirect_dma semaphore(%run_scoped3A_522 : memref<!tpu.dma_semaphore, #tpu.memory_space<semaphore_mem>>) src(%dma_wait3A_536 : memref<128x128xf32, #tpu.memory_space<vmem>>) dst(%dma_wait3A_542 : memref<10240x128xf32, #tpu.memory_space<vmem_shared>>)
      tpu.yield
    }) : () -> ()
    %dma_wait3A_337 = arith.constant 0 : i32
    %dma_wait3A_338 = arith.constant 0 : i32
    %dma_wait3A_339 = tpu.memref_slice %arg7[%dma_wait3A_337, %dma_wait3A_338] : memref<4x128xi32, #tpu.memory_space<vmem>> -> memref<1x128xi32, #tpu.memory_space<vmem>>
    %dma_wait3A_340 = tpu.memref_squeeze %dma_wait3A_339 : memref<1x128xi32, #tpu.memory_space<vmem>> -> memref<128xi32, #tpu.memory_space<vmem>>
    %dma_wait3A_341 = arith.constant 0 : i32
    %dma_wait3A_342 = tpu.memref_slice %arg2[%dma_wait3A_341] : memref<323584xi32, #tpu.memory_space<hbm>> -> memref<128xi32, #tpu.memory_space<hbm>>
    %dma_wait3A_343 = arith.constant 0 : i32
    %dma_wait3A_344 = tpu.memref_slice %arg7[%dma_wait3A_337, %dma_wait3A_343] : memref<4x128xi32, #tpu.memory_space<vmem>> -> memref<1x128xi32, #tpu.memory_space<vmem>>
    %dma_wait3A_345 = tpu.memref_squeeze %dma_wait3A_344 : memref<1x128xi32, #tpu.memory_space<vmem>> -> memref<128xi32, #tpu.memory_space<vmem>>
    %dma_wait3A_346 = arith.constant 0 : i32
    %dma_wait3A_347 = tpu.memref_slice %arg2[%dma_wait3A_346] : memref<323584xi32, #tpu.memory_space<hbm>> -> memref<128xi32, #tpu.memory_space<hbm>>
    tpu.wait_dma2 semaphore(%arg11 : memref<!tpu.dma_semaphore, #tpu.memory_space<semaphore_mem>>) src(%dma_wait3A_347 : memref<128xi32, #tpu.memory_space<hbm>>) dst(%dma_wait3A_345 : memref<128xi32, #tpu.memory_space<vmem>>)
    %dma_wait3A_348 = arith.constant 0 : i32
    %dma_wait3A_349 = arith.constant 0 : i32
    %dma_wait3A_350 = tpu.memref_slice %arg8[%dma_wait3A_348, %dma_wait3A_349] : memref<4x128xi32, #tpu.memory_space<vmem>> -> memref<1x128xi32, #tpu.memory_space<vmem>>
    %dma_wait3A_351 = tpu.memref_squeeze %dma_wait3A_350 : memref<1x128xi32, #tpu.memory_space<vmem>> -> memref<128xi32, #tpu.memory_space<vmem>>
    %dma_wait3A_352 = arith.constant 0 : i32
    %dma_wait3A_353 = tpu.memref_slice %arg3[%dma_wait3A_352] : memref<323584xi32, #tpu.memory_space<hbm>> -> memref<128xi32, #tpu.memory_space<hbm>>
    %dma_wait3A_354 = arith.constant 0 : i32
    %dma_wait3A_355 = tpu.memref_slice %arg8[%dma_wait3A_348, %dma_wait3A_354] : memref<4x128xi32, #tpu.memory_space<vmem>> -> memref<1x128xi32, #tpu.memory_space<vmem>>
    %dma_wait3A_356 = tpu.memref_squeeze %dma_wait3A_355 : memref<1x128xi32, #tpu.memory_space<vmem>> -> memref<128xi32, #tpu.memory_space<vmem>>
    %dma_wait3A_357 = arith.constant 0 : i32
    %dma_wait3A_358 = tpu.memref_slice %arg3[%dma_wait3A_357] : memref<323584xi32, #tpu.memory_space<hbm>> -> memref<128xi32, #tpu.memory_space<hbm>>
    tpu.wait_dma2 semaphore(%arg11 : memref<!tpu.dma_semaphore, #tpu.memory_space<semaphore_mem>>) src(%dma_wait3A_358 : memref<128xi32, #tpu.memory_space<hbm>>) dst(%dma_wait3A_356 : memref<128xi32, #tpu.memory_space<vmem>>)
    %dma_wait3A_359 = arith.constant 0 : i32
    %dma_wait3A_360 = arith.constant 1 : i32
    %dma_wait3A_361 = arith.constant 0 : i32
    %dma_wait3A_362 = arith.constant 0 : i32
    %dma_wait3A_363 = tpu.memref_slice %arg9[%dma_wait3A_360, %dma_wait3A_361, %dma_wait3A_362] : memref<2x128x128xf32, #tpu.memory_space<vmem>> -> memref<1x128x128xf32, #tpu.memory_space<vmem>>
    %dma_wait3A_364 = tpu.memref_squeeze %dma_wait3A_363 : memref<1x128x128xf32, #tpu.memory_space<vmem>> -> memref<128x128xf32, #tpu.memory_space<vmem>>
    %dma_wait3A_365 = arith.constant 0 : i32
    %dma_wait3A_366 = tpu.memref_slice %arg7[%dma_wait3A_359, %dma_wait3A_365] : memref<4x128xi32, #tpu.memory_space<vmem>> -> memref<1x128xi32, #tpu.memory_space<vmem>>
    %dma_wait3A_367 = tpu.memref_squeeze %dma_wait3A_366 : memref<1x128xi32, #tpu.memory_space<vmem>> -> memref<128xi32, #tpu.memory_space<vmem>>
    %dma_wait3A_368 = arith.constant 0 : i32
    %dma_wait3A_369 = arith.constant 0 : i32
    %dma_wait3A_370 = tpu.memref_slice %arg4[%dma_wait3A_368, %dma_wait3A_369] : memref<10000x128xf32, #tpu.memory_space<hbm>> -> memref<10000x128xf32, #tpu.memory_space<hbm>>
    tpu.wait_indirect_dma semaphore(%arg16 : memref<!tpu.dma_semaphore, #tpu.memory_space<semaphore_mem>>) src(%dma_wait3A_370 : memref<10000x128xf32, #tpu.memory_space<hbm>>) dst(%dma_wait3A_364 : memref<128x128xf32, #tpu.memory_space<vmem>>)
    %dma_start3A_371 = arith.constant 0 : i32
    %dma_start3A_372 = arith.constant 0 : i32
    %dma_start3A_373 = arith.constant 0 : i32
    %dma_start3A_374 = arith.constant 0 : i32
    %dma_start3A_375 = tpu.memref_slice %arg9[%dma_start3A_372, %dma_start3A_373, %dma_start3A_374] : memref<2x128x128xf32, #tpu.memory_space<vmem>> -> memref<1x128x128xf32, #tpu.memory_space<vmem>>
    %dma_start3A_376 = tpu.memref_squeeze %dma_start3A_375 : memref<1x128x128xf32, #tpu.memory_space<vmem>> -> memref<128x128xf32, #tpu.memory_space<vmem>>
    %dma_start3A_377 = arith.constant 0 : i32
    %dma_start3A_378 = tpu.memref_slice %arg7[%dma_start3A_371, %dma_start3A_377] : memref<4x128xi32, #tpu.memory_space<vmem>> -> memref<1x128xi32, #tpu.memory_space<vmem>>
    %dma_start3A_379 = tpu.memref_squeeze %dma_start3A_378 : memref<1x128xi32, #tpu.memory_space<vmem>> -> memref<128xi32, #tpu.memory_space<vmem>>
    %dma_start3A_380 = arith.constant 0 : i32
    %dma_start3A_381 = arith.constant 0 : i32
    %dma_start3A_382 = tpu.memref_slice %arg4[%dma_start3A_380, %dma_start3A_381] : memref<10000x128xf32, #tpu.memory_space<hbm>> -> memref<10000x128xf32, #tpu.memory_space<hbm>>
    tpu.enqueue_indirect_dma source(%dma_start3A_382 : memref<10000x128xf32, #tpu.memory_space<hbm>>) target(%dma_start3A_376 : memref<128x128xf32, #tpu.memory_space<vmem>>) offsets(%dma_start3A_379 : memref<128xi32, #tpu.memory_space<vmem>>) semaphore(%arg15 : memref<!tpu.dma_semaphore, #tpu.memory_space<semaphore_mem>>)
    %add3A_383 = arith.constant 9984 : i32
    %add3A_384 = arith.addi %mul3A_4, %add3A_383 : i32
    %dma_start3A_385 = arith.constant 2 : i32
    %dma_start3A_386 = arith.constant 0 : i32
    %dma_start3A_387 = tpu.memref_slice %arg7[%dma_start3A_385, %dma_start3A_386] : memref<4x128xi32, #tpu.memory_space<vmem>> -> memref<1x128xi32, #tpu.memory_space<vmem>>
    %dma_start3A_388 = tpu.memref_squeeze %dma_start3A_387 : memref<1x128xi32, #tpu.memory_space<vmem>> -> memref<128xi32, #tpu.memory_space<vmem>>
    %dma_start3A_389 = tpu.memref_slice %arg2[%add3A_384] : memref<323584xi32, #tpu.memory_space<hbm>> -> memref<128xi32, #tpu.memory_space<hbm>>
    %dma_start3A_390 = arith.constant 0 : i32
    %dma_start3A_391 = tpu.memref_slice %arg7[%dma_start3A_385, %dma_start3A_390] : memref<4x128xi32, #tpu.memory_space<vmem>> -> memref<1x128xi32, #tpu.memory_space<vmem>>
    %dma_start3A_392 = tpu.memref_squeeze %dma_start3A_391 : memref<1x128xi32, #tpu.memory_space<vmem>> -> memref<128xi32, #tpu.memory_space<vmem>>
    %dma_start3A_393 = tpu.memref_slice %arg2[%add3A_384] : memref<323584xi32, #tpu.memory_space<hbm>> -> memref<128xi32, #tpu.memory_space<hbm>>
    tpu.enqueue_dma source(%dma_start3A_393 : memref<128xi32, #tpu.memory_space<hbm>>) target(%dma_start3A_392 : memref<128xi32, #tpu.memory_space<vmem>>) target_semaphore(%arg13 : memref<!tpu.dma_semaphore, #tpu.memory_space<semaphore_mem>>)
    %add3A_394 = arith.constant 9984 : i32
    %add3A_395 = arith.addi %mul3A_4, %add3A_394 : i32
    %dma_start3A_396 = arith.constant 2 : i32
    %dma_start3A_397 = arith.constant 0 : i32
    %dma_start3A_398 = tpu.memref_slice %arg8[%dma_start3A_396, %dma_start3A_397] : memref<4x128xi32, #tpu.memory_space<vmem>> -> memref<1x128xi32, #tpu.memory_space<vmem>>
    %dma_start3A_399 = tpu.memref_squeeze %dma_start3A_398 : memref<1x128xi32, #tpu.memory_space<vmem>> -> memref<128xi32, #tpu.memory_space<vmem>>
    %dma_start3A_400 = tpu.memref_slice %arg3[%add3A_395] : memref<323584xi32, #tpu.memory_space<hbm>> -> memref<128xi32, #tpu.memory_space<hbm>>
    %dma_start3A_401 = arith.constant 0 : i32
    %dma_start3A_402 = tpu.memref_slice %arg8[%dma_start3A_396, %dma_start3A_401] : memref<4x128xi32, #tpu.memory_space<vmem>> -> memref<1x128xi32, #tpu.memory_space<vmem>>
    %dma_start3A_403 = tpu.memref_squeeze %dma_start3A_402 : memref<1x128xi32, #tpu.memory_space<vmem>> -> memref<128xi32, #tpu.memory_space<vmem>>
    %dma_start3A_404 = tpu.memref_slice %arg3[%add3A_395] : memref<323584xi32, #tpu.memory_space<hbm>> -> memref<128xi32, #tpu.memory_space<hbm>>
    tpu.enqueue_dma source(%dma_start3A_404 : memref<128xi32, #tpu.memory_space<hbm>>) target(%dma_start3A_403 : memref<128xi32, #tpu.memory_space<vmem>>) target_semaphore(%arg13 : memref<!tpu.dma_semaphore, #tpu.memory_space<semaphore_mem>>)
    %run_scoped3A_405 = arith.constant 1 : i32
    %run_scoped3A_406 = arith.constant 3 : i32
    "tpu.region"() ({
      %run_scoped3A_522 = tpu.sem_alloc : memref<!tpu.dma_semaphore, #tpu.memory_space<semaphore_mem>>
      %dma_start3A_523 = arith.constant 0 : i32
      %dma_start3A_524 = arith.constant 0 : i32
      %dma_start3A_525 = tpu.memref_slice %arg9[%run_scoped3A_405, %dma_start3A_523, %dma_start3A_524] : memref<2x128x128xf32, #tpu.memory_space<vmem>> -> memref<1x128x128xf32, #tpu.memory_space<vmem>>
      %dma_start3A_526 = tpu.memref_squeeze %dma_start3A_525 : memref<1x128x128xf32, #tpu.memory_space<vmem>> -> memref<128x128xf32, #tpu.memory_space<vmem>>
      %dma_start3A_527 = arith.constant 0 : i32
      %dma_start3A_528 = tpu.memref_slice %arg8[%run_scoped3A_406, %dma_start3A_527] : memref<4x128xi32, #tpu.memory_space<vmem>> -> memref<1x128xi32, #tpu.memory_space<vmem>>
      %dma_start3A_529 = tpu.memref_squeeze %dma_start3A_528 : memref<1x128xi32, #tpu.memory_space<vmem>> -> memref<128xi32, #tpu.memory_space<vmem>>
      %dma_start3A_530 = arith.constant 0 : i32
      %dma_start3A_531 = arith.constant 0 : i32
      %dma_start3A_532 = tpu.memref_slice %arg10[%dma_start3A_530, %dma_start3A_531] : memref<10240x128xf32, #tpu.memory_space<vmem_shared>> -> memref<10240x128xf32, #tpu.memory_space<vmem_shared>>
      tpu.enqueue_indirect_dma source(%dma_start3A_526 : memref<128x128xf32, #tpu.memory_space<vmem>>) target(%dma_start3A_532 : memref<10240x128xf32, #tpu.memory_space<vmem_shared>>) offsets(%dma_start3A_529 : memref<128xi32, #tpu.memory_space<vmem>>) semaphore(%run_scoped3A_522 : memref<!tpu.dma_semaphore, #tpu.memory_space<semaphore_mem>>) {add = true}
      %dma_wait3A_533 = arith.constant 0 : i32
      %dma_wait3A_534 = arith.constant 0 : i32
      %dma_wait3A_535 = tpu.memref_slice %arg9[%run_scoped3A_405, %dma_wait3A_533, %dma_wait3A_534] : memref<2x128x128xf32, #tpu.memory_space<vmem>> -> memref<1x128x128xf32, #tpu.memory_space<vmem>>
      %dma_wait3A_536 = tpu.memref_squeeze %dma_wait3A_535 : memref<1x128x128xf32, #tpu.memory_space<vmem>> -> memref<128x128xf32, #tpu.memory_space<vmem>>
      %dma_wait3A_537 = arith.constant 0 : i32
      %dma_wait3A_538 = tpu.memref_slice %arg8[%run_scoped3A_406, %dma_wait3A_537] : memref<4x128xi32, #tpu.memory_space<vmem>> -> memref<1x128xi32, #tpu.memory_space<vmem>>
      %dma_wait3A_539 = tpu.memref_squeeze %dma_wait3A_538 : memref<1x128xi32, #tpu.memory_space<vmem>> -> memref<128xi32, #tpu.memory_space<vmem>>
      %dma_wait3A_540 = arith.constant 0 : i32
      %dma_wait3A_541 = arith.constant 0 : i32
      %dma_wait3A_542 = tpu.memref_slice %arg10[%dma_wait3A_540, %dma_wait3A_541] : memref<10240x128xf32, #tpu.memory_space<vmem_shared>> -> memref<10240x128xf32, #tpu.memory_space<vmem_shared>>
      tpu.wait_indirect_dma semaphore(%run_scoped3A_522 : memref<!tpu.dma_semaphore, #tpu.memory_space<semaphore_mem>>) src(%dma_wait3A_536 : memref<128x128xf32, #tpu.memory_space<vmem>>) dst(%dma_wait3A_542 : memref<10240x128xf32, #tpu.memory_space<vmem_shared>>)
      tpu.yield
    }) : () -> ()
    %dma_wait3A_407 = arith.constant 1 : i32
    %dma_wait3A_408 = arith.constant 0 : i32
    %dma_wait3A_409 = tpu.memref_slice %arg7[%dma_wait3A_407, %dma_wait3A_408] : memref<4x128xi32, #tpu.memory_space<vmem>> -> memref<1x128xi32, #tpu.memory_space<vmem>>
    %dma_wait3A_410 = tpu.memref_squeeze %dma_wait3A_409 : memref<1x128xi32, #tpu.memory_space<vmem>> -> memref<128xi32, #tpu.memory_space<vmem>>
    %dma_wait3A_411 = arith.constant 0 : i32
    %dma_wait3A_412 = tpu.memref_slice %arg2[%dma_wait3A_411] : memref<323584xi32, #tpu.memory_space<hbm>> -> memref<128xi32, #tpu.memory_space<hbm>>
    %dma_wait3A_413 = arith.constant 0 : i32
    %dma_wait3A_414 = tpu.memref_slice %arg7[%dma_wait3A_407, %dma_wait3A_413] : memref<4x128xi32, #tpu.memory_space<vmem>> -> memref<1x128xi32, #tpu.memory_space<vmem>>
    %dma_wait3A_415 = tpu.memref_squeeze %dma_wait3A_414 : memref<1x128xi32, #tpu.memory_space<vmem>> -> memref<128xi32, #tpu.memory_space<vmem>>
    %dma_wait3A_416 = arith.constant 0 : i32
    %dma_wait3A_417 = tpu.memref_slice %arg2[%dma_wait3A_416] : memref<323584xi32, #tpu.memory_space<hbm>> -> memref<128xi32, #tpu.memory_space<hbm>>
    tpu.wait_dma2 semaphore(%arg12 : memref<!tpu.dma_semaphore, #tpu.memory_space<semaphore_mem>>) src(%dma_wait3A_417 : memref<128xi32, #tpu.memory_space<hbm>>) dst(%dma_wait3A_415 : memref<128xi32, #tpu.memory_space<vmem>>)
    %dma_wait3A_418 = arith.constant 1 : i32
    %dma_wait3A_419 = arith.constant 0 : i32
    %dma_wait3A_420 = tpu.memref_slice %arg8[%dma_wait3A_418, %dma_wait3A_419] : memref<4x128xi32, #tpu.memory_space<vmem>> -> memref<1x128xi32, #tpu.memory_space<vmem>>
    %dma_wait3A_421 = tpu.memref_squeeze %dma_wait3A_420 : memref<1x128xi32, #tpu.memory_space<vmem>> -> memref<128xi32, #tpu.memory_space<vmem>>
    %dma_wait3A_422 = arith.constant 0 : i32
    %dma_wait3A_423 = tpu.memref_slice %arg3[%dma_wait3A_422] : memref<323584xi32, #tpu.memory_space<hbm>> -> memref<128xi32, #tpu.memory_space<hbm>>
    %dma_wait3A_424 = arith.constant 0 : i32
    %dma_wait3A_425 = tpu.memref_slice %arg8[%dma_wait3A_418, %dma_wait3A_424] : memref<4x128xi32, #tpu.memory_space<vmem>> -> memref<1x128xi32, #tpu.memory_space<vmem>>
    %dma_wait3A_426 = tpu.memref_squeeze %dma_wait3A_425 : memref<1x128xi32, #tpu.memory_space<vmem>> -> memref<128xi32, #tpu.memory_space<vmem>>
    %dma_wait3A_427 = arith.constant 0 : i32
    %dma_wait3A_428 = tpu.memref_slice %arg3[%dma_wait3A_427] : memref<323584xi32, #tpu.memory_space<hbm>> -> memref<128xi32, #tpu.memory_space<hbm>>
    tpu.wait_dma2 semaphore(%arg12 : memref<!tpu.dma_semaphore, #tpu.memory_space<semaphore_mem>>) src(%dma_wait3A_428 : memref<128xi32, #tpu.memory_space<hbm>>) dst(%dma_wait3A_426 : memref<128xi32, #tpu.memory_space<vmem>>)
    %dma_wait3A_429 = arith.constant 0 : i32
    %dma_wait3A_430 = arith.constant 0 : i32
    %dma_wait3A_431 = arith.constant 0 : i32
    %dma_wait3A_432 = arith.constant 0 : i32
    %dma_wait3A_433 = tpu.memref_slice %arg9[%dma_wait3A_430, %dma_wait3A_431, %dma_wait3A_432] : memref<2x128x128xf32, #tpu.memory_space<vmem>> -> memref<1x128x128xf32, #tpu.memory_space<vmem>>
    %dma_wait3A_434 = tpu.memref_squeeze %dma_wait3A_433 : memref<1x128x128xf32, #tpu.memory_space<vmem>> -> memref<128x128xf32, #tpu.memory_space<vmem>>
    %dma_wait3A_435 = arith.constant 0 : i32
    %dma_wait3A_436 = tpu.memref_slice %arg7[%dma_wait3A_429, %dma_wait3A_435] : memref<4x128xi32, #tpu.memory_space<vmem>> -> memref<1x128xi32, #tpu.memory_space<vmem>>
    %dma_wait3A_437 = tpu.memref_squeeze %dma_wait3A_436 : memref<1x128xi32, #tpu.memory_space<vmem>> -> memref<128xi32, #tpu.memory_space<vmem>>
    %dma_wait3A_438 = arith.constant 0 : i32
    %dma_wait3A_439 = arith.constant 0 : i32
    %dma_wait3A_440 = tpu.memref_slice %arg4[%dma_wait3A_438, %dma_wait3A_439] : memref<10000x128xf32, #tpu.memory_space<hbm>> -> memref<10000x128xf32, #tpu.memory_space<hbm>>
    tpu.wait_indirect_dma semaphore(%arg15 : memref<!tpu.dma_semaphore, #tpu.memory_space<semaphore_mem>>) src(%dma_wait3A_440 : memref<10000x128xf32, #tpu.memory_space<hbm>>) dst(%dma_wait3A_434 : memref<128x128xf32, #tpu.memory_space<vmem>>)
    %dma_start3A_441 = arith.constant 1 : i32
    %dma_start3A_442 = arith.constant 1 : i32
    %dma_start3A_443 = arith.constant 0 : i32
    %dma_start3A_444 = arith.constant 0 : i32
    %dma_start3A_445 = tpu.memref_slice %arg9[%dma_start3A_442, %dma_start3A_443, %dma_start3A_444] : memref<2x128x128xf32, #tpu.memory_space<vmem>> -> memref<1x128x128xf32, #tpu.memory_space<vmem>>
    %dma_start3A_446 = tpu.memref_squeeze %dma_start3A_445 : memref<1x128x128xf32, #tpu.memory_space<vmem>> -> memref<128x128xf32, #tpu.memory_space<vmem>>
    %dma_start3A_447 = arith.constant 0 : i32
    %dma_start3A_448 = tpu.memref_slice %arg7[%dma_start3A_441, %dma_start3A_447] : memref<4x128xi32, #tpu.memory_space<vmem>> -> memref<1x128xi32, #tpu.memory_space<vmem>>
    %dma_start3A_449 = tpu.memref_squeeze %dma_start3A_448 : memref<1x128xi32, #tpu.memory_space<vmem>> -> memref<128xi32, #tpu.memory_space<vmem>>
    %dma_start3A_450 = arith.constant 0 : i32
    %dma_start3A_451 = arith.constant 0 : i32
    %dma_start3A_452 = tpu.memref_slice %arg4[%dma_start3A_450, %dma_start3A_451] : memref<10000x128xf32, #tpu.memory_space<hbm>> -> memref<10000x128xf32, #tpu.memory_space<hbm>>
    tpu.enqueue_indirect_dma source(%dma_start3A_452 : memref<10000x128xf32, #tpu.memory_space<hbm>>) target(%dma_start3A_446 : memref<128x128xf32, #tpu.memory_space<vmem>>) offsets(%dma_start3A_449 : memref<128xi32, #tpu.memory_space<vmem>>) semaphore(%arg16 : memref<!tpu.dma_semaphore, #tpu.memory_space<semaphore_mem>>)
    %run_scoped3A_453 = arith.constant 0 : i32
    %run_scoped3A_454 = arith.constant 0 : i32
    "tpu.region"() ({
      %run_scoped3A_522 = tpu.sem_alloc : memref<!tpu.dma_semaphore, #tpu.memory_space<semaphore_mem>>
      %dma_start3A_523 = arith.constant 0 : i32
      %dma_start3A_524 = arith.constant 0 : i32
      %dma_start3A_525 = tpu.memref_slice %arg9[%run_scoped3A_453, %dma_start3A_523, %dma_start3A_524] : memref<2x128x128xf32, #tpu.memory_space<vmem>> -> memref<1x128x128xf32, #tpu.memory_space<vmem>>
      %dma_start3A_526 = tpu.memref_squeeze %dma_start3A_525 : memref<1x128x128xf32, #tpu.memory_space<vmem>> -> memref<128x128xf32, #tpu.memory_space<vmem>>
      %dma_start3A_527 = arith.constant 0 : i32
      %dma_start3A_528 = tpu.memref_slice %arg8[%run_scoped3A_454, %dma_start3A_527] : memref<4x128xi32, #tpu.memory_space<vmem>> -> memref<1x128xi32, #tpu.memory_space<vmem>>
      %dma_start3A_529 = tpu.memref_squeeze %dma_start3A_528 : memref<1x128xi32, #tpu.memory_space<vmem>> -> memref<128xi32, #tpu.memory_space<vmem>>
      %dma_start3A_530 = arith.constant 0 : i32
      %dma_start3A_531 = arith.constant 0 : i32
      %dma_start3A_532 = tpu.memref_slice %arg10[%dma_start3A_530, %dma_start3A_531] : memref<10240x128xf32, #tpu.memory_space<vmem_shared>> -> memref<10240x128xf32, #tpu.memory_space<vmem_shared>>
      tpu.enqueue_indirect_dma source(%dma_start3A_526 : memref<128x128xf32, #tpu.memory_space<vmem>>) target(%dma_start3A_532 : memref<10240x128xf32, #tpu.memory_space<vmem_shared>>) offsets(%dma_start3A_529 : memref<128xi32, #tpu.memory_space<vmem>>) semaphore(%run_scoped3A_522 : memref<!tpu.dma_semaphore, #tpu.memory_space<semaphore_mem>>) {add = true}
      %dma_wait3A_533 = arith.constant 0 : i32
      %dma_wait3A_534 = arith.constant 0 : i32
      %dma_wait3A_535 = tpu.memref_slice %arg9[%run_scoped3A_453, %dma_wait3A_533, %dma_wait3A_534] : memref<2x128x128xf32, #tpu.memory_space<vmem>> -> memref<1x128x128xf32, #tpu.memory_space<vmem>>
      %dma_wait3A_536 = tpu.memref_squeeze %dma_wait3A_535 : memref<1x128x128xf32, #tpu.memory_space<vmem>> -> memref<128x128xf32, #tpu.memory_space<vmem>>
      %dma_wait3A_537 = arith.constant 0 : i32
      %dma_wait3A_538 = tpu.memref_slice %arg8[%run_scoped3A_454, %dma_wait3A_537] : memref<4x128xi32, #tpu.memory_space<vmem>> -> memref<1x128xi32, #tpu.memory_space<vmem>>
      %dma_wait3A_539 = tpu.memref_squeeze %dma_wait3A_538 : memref<1x128xi32, #tpu.memory_space<vmem>> -> memref<128xi32, #tpu.memory_space<vmem>>
      %dma_wait3A_540 = arith.constant 0 : i32
      %dma_wait3A_541 = arith.constant 0 : i32
      %dma_wait3A_542 = tpu.memref_slice %arg10[%dma_wait3A_540, %dma_wait3A_541] : memref<10240x128xf32, #tpu.memory_space<vmem_shared>> -> memref<10240x128xf32, #tpu.memory_space<vmem_shared>>
      tpu.wait_indirect_dma semaphore(%run_scoped3A_522 : memref<!tpu.dma_semaphore, #tpu.memory_space<semaphore_mem>>) src(%dma_wait3A_536 : memref<128x128xf32, #tpu.memory_space<vmem>>) dst(%dma_wait3A_542 : memref<10240x128xf32, #tpu.memory_space<vmem_shared>>)
      tpu.yield
    }) : () -> ()
    %dma_wait3A_455 = arith.constant 2 : i32
    %dma_wait3A_456 = arith.constant 0 : i32
    %dma_wait3A_457 = tpu.memref_slice %arg7[%dma_wait3A_455, %dma_wait3A_456] : memref<4x128xi32, #tpu.memory_space<vmem>> -> memref<1x128xi32, #tpu.memory_space<vmem>>
    %dma_wait3A_458 = tpu.memref_squeeze %dma_wait3A_457 : memref<1x128xi32, #tpu.memory_space<vmem>> -> memref<128xi32, #tpu.memory_space<vmem>>
    %dma_wait3A_459 = arith.constant 0 : i32
    %dma_wait3A_460 = tpu.memref_slice %arg2[%dma_wait3A_459] : memref<323584xi32, #tpu.memory_space<hbm>> -> memref<128xi32, #tpu.memory_space<hbm>>
    %dma_wait3A_461 = arith.constant 0 : i32
    %dma_wait3A_462 = tpu.memref_slice %arg7[%dma_wait3A_455, %dma_wait3A_461] : memref<4x128xi32, #tpu.memory_space<vmem>> -> memref<1x128xi32, #tpu.memory_space<vmem>>
    %dma_wait3A_463 = tpu.memref_squeeze %dma_wait3A_462 : memref<1x128xi32, #tpu.memory_space<vmem>> -> memref<128xi32, #tpu.memory_space<vmem>>
    %dma_wait3A_464 = arith.constant 0 : i32
    %dma_wait3A_465 = tpu.memref_slice %arg2[%dma_wait3A_464] : memref<323584xi32, #tpu.memory_space<hbm>> -> memref<128xi32, #tpu.memory_space<hbm>>
    tpu.wait_dma2 semaphore(%arg13 : memref<!tpu.dma_semaphore, #tpu.memory_space<semaphore_mem>>) src(%dma_wait3A_465 : memref<128xi32, #tpu.memory_space<hbm>>) dst(%dma_wait3A_463 : memref<128xi32, #tpu.memory_space<vmem>>)
    %dma_wait3A_466 = arith.constant 2 : i32
    %dma_wait3A_467 = arith.constant 0 : i32
    %dma_wait3A_468 = tpu.memref_slice %arg8[%dma_wait3A_466, %dma_wait3A_467] : memref<4x128xi32, #tpu.memory_space<vmem>> -> memref<1x128xi32, #tpu.memory_space<vmem>>
    %dma_wait3A_469 = tpu.memref_squeeze %dma_wait3A_468 : memref<1x128xi32, #tpu.memory_space<vmem>> -> memref<128xi32, #tpu.memory_space<vmem>>
    %dma_wait3A_470 = arith.constant 0 : i32
    %dma_wait3A_471 = tpu.memref_slice %arg3[%dma_wait3A_470] : memref<323584xi32, #tpu.memory_space<hbm>> -> memref<128xi32, #tpu.memory_space<hbm>>
    %dma_wait3A_472 = arith.constant 0 : i32
    %dma_wait3A_473 = tpu.memref_slice %arg8[%dma_wait3A_466, %dma_wait3A_472] : memref<4x128xi32, #tpu.memory_space<vmem>> -> memref<1x128xi32, #tpu.memory_space<vmem>>
    %dma_wait3A_474 = tpu.memref_squeeze %dma_wait3A_473 : memref<1x128xi32, #tpu.memory_space<vmem>> -> memref<128xi32, #tpu.memory_space<vmem>>
    %dma_wait3A_475 = arith.constant 0 : i32
    %dma_wait3A_476 = tpu.memref_slice %arg3[%dma_wait3A_475] : memref<323584xi32, #tpu.memory_space<hbm>> -> memref<128xi32, #tpu.memory_space<hbm>>
    tpu.wait_dma2 semaphore(%arg13 : memref<!tpu.dma_semaphore, #tpu.memory_space<semaphore_mem>>) src(%dma_wait3A_476 : memref<128xi32, #tpu.memory_space<hbm>>) dst(%dma_wait3A_474 : memref<128xi32, #tpu.memory_space<vmem>>)
    %dma_wait3A_477 = arith.constant 0 : i32
    %dma_wait3A_478 = arith.constant 1 : i32
    %dma_wait3A_479 = arith.constant 0 : i32
    %dma_wait3A_480 = arith.constant 0 : i32
    %dma_wait3A_481 = tpu.memref_slice %arg9[%dma_wait3A_478, %dma_wait3A_479, %dma_wait3A_480] : memref<2x128x128xf32, #tpu.memory_space<vmem>> -> memref<1x128x128xf32, #tpu.memory_space<vmem>>
    %dma_wait3A_482 = tpu.memref_squeeze %dma_wait3A_481 : memref<1x128x128xf32, #tpu.memory_space<vmem>> -> memref<128x128xf32, #tpu.memory_space<vmem>>
    %dma_wait3A_483 = arith.constant 0 : i32
    %dma_wait3A_484 = tpu.memref_slice %arg7[%dma_wait3A_477, %dma_wait3A_483] : memref<4x128xi32, #tpu.memory_space<vmem>> -> memref<1x128xi32, #tpu.memory_space<vmem>>
    %dma_wait3A_485 = tpu.memref_squeeze %dma_wait3A_484 : memref<1x128xi32, #tpu.memory_space<vmem>> -> memref<128xi32, #tpu.memory_space<vmem>>
    %dma_wait3A_486 = arith.constant 0 : i32
    %dma_wait3A_487 = arith.constant 0 : i32
    %dma_wait3A_488 = tpu.memref_slice %arg4[%dma_wait3A_486, %dma_wait3A_487] : memref<10000x128xf32, #tpu.memory_space<hbm>> -> memref<10000x128xf32, #tpu.memory_space<hbm>>
    tpu.wait_indirect_dma semaphore(%arg16 : memref<!tpu.dma_semaphore, #tpu.memory_space<semaphore_mem>>) src(%dma_wait3A_488 : memref<10000x128xf32, #tpu.memory_space<hbm>>) dst(%dma_wait3A_482 : memref<128x128xf32, #tpu.memory_space<vmem>>)
    %dma_start3A_489 = arith.constant 2 : i32
    %dma_start3A_490 = arith.constant 0 : i32
    %dma_start3A_491 = arith.constant 0 : i32
    %dma_start3A_492 = arith.constant 0 : i32
    %dma_start3A_493 = tpu.memref_slice %arg9[%dma_start3A_490, %dma_start3A_491, %dma_start3A_492] : memref<2x128x128xf32, #tpu.memory_space<vmem>> -> memref<1x128x128xf32, #tpu.memory_space<vmem>>
    %dma_start3A_494 = tpu.memref_squeeze %dma_start3A_493 : memref<1x128x128xf32, #tpu.memory_space<vmem>> -> memref<128x128xf32, #tpu.memory_space<vmem>>
    %dma_start3A_495 = arith.constant 0 : i32
    %dma_start3A_496 = tpu.memref_slice %arg7[%dma_start3A_489, %dma_start3A_495] : memref<4x128xi32, #tpu.memory_space<vmem>> -> memref<1x128xi32, #tpu.memory_space<vmem>>
    %dma_start3A_497 = tpu.memref_squeeze %dma_start3A_496 : memref<1x128xi32, #tpu.memory_space<vmem>> -> memref<128xi32, #tpu.memory_space<vmem>>
    %dma_start3A_498 = arith.constant 0 : i32
    %dma_start3A_499 = arith.constant 0 : i32
    %dma_start3A_500 = tpu.memref_slice %arg4[%dma_start3A_498, %dma_start3A_499] : memref<10000x128xf32, #tpu.memory_space<hbm>> -> memref<10000x128xf32, #tpu.memory_space<hbm>>
    tpu.enqueue_indirect_dma source(%dma_start3A_500 : memref<10000x128xf32, #tpu.memory_space<hbm>>) target(%dma_start3A_494 : memref<128x128xf32, #tpu.memory_space<vmem>>) offsets(%dma_start3A_497 : memref<128xi32, #tpu.memory_space<vmem>>) semaphore(%arg15 : memref<!tpu.dma_semaphore, #tpu.memory_space<semaphore_mem>>)
    %run_scoped3A_501 = arith.constant 1 : i32
    %run_scoped3A_502 = arith.constant 1 : i32
    "tpu.region"() ({
      %run_scoped3A_522 = tpu.sem_alloc : memref<!tpu.dma_semaphore, #tpu.memory_space<semaphore_mem>>
      %dma_start3A_523 = arith.constant 0 : i32
      %dma_start3A_524 = arith.constant 0 : i32
      %dma_start3A_525 = tpu.memref_slice %arg9[%run_scoped3A_501, %dma_start3A_523, %dma_start3A_524] : memref<2x128x128xf32, #tpu.memory_space<vmem>> -> memref<1x128x128xf32, #tpu.memory_space<vmem>>
      %dma_start3A_526 = tpu.memref_squeeze %dma_start3A_525 : memref<1x128x128xf32, #tpu.memory_space<vmem>> -> memref<128x128xf32, #tpu.memory_space<vmem>>
      %dma_start3A_527 = arith.constant 0 : i32
      %dma_start3A_528 = tpu.memref_slice %arg8[%run_scoped3A_502, %dma_start3A_527] : memref<4x128xi32, #tpu.memory_space<vmem>> -> memref<1x128xi32, #tpu.memory_space<vmem>>
      %dma_start3A_529 = tpu.memref_squeeze %dma_start3A_528 : memref<1x128xi32, #tpu.memory_space<vmem>> -> memref<128xi32, #tpu.memory_space<vmem>>
      %dma_start3A_530 = arith.constant 0 : i32
      %dma_start3A_531 = arith.constant 0 : i32
      %dma_start3A_532 = tpu.memref_slice %arg10[%dma_start3A_530, %dma_start3A_531] : memref<10240x128xf32, #tpu.memory_space<vmem_shared>> -> memref<10240x128xf32, #tpu.memory_space<vmem_shared>>
      tpu.enqueue_indirect_dma source(%dma_start3A_526 : memref<128x128xf32, #tpu.memory_space<vmem>>) target(%dma_start3A_532 : memref<10240x128xf32, #tpu.memory_space<vmem_shared>>) offsets(%dma_start3A_529 : memref<128xi32, #tpu.memory_space<vmem>>) semaphore(%run_scoped3A_522 : memref<!tpu.dma_semaphore, #tpu.memory_space<semaphore_mem>>) {add = true}
      %dma_wait3A_533 = arith.constant 0 : i32
      %dma_wait3A_534 = arith.constant 0 : i32
      %dma_wait3A_535 = tpu.memref_slice %arg9[%run_scoped3A_501, %dma_wait3A_533, %dma_wait3A_534] : memref<2x128x128xf32, #tpu.memory_space<vmem>> -> memref<1x128x128xf32, #tpu.memory_space<vmem>>
      %dma_wait3A_536 = tpu.memref_squeeze %dma_wait3A_535 : memref<1x128x128xf32, #tpu.memory_space<vmem>> -> memref<128x128xf32, #tpu.memory_space<vmem>>
      %dma_wait3A_537 = arith.constant 0 : i32
      %dma_wait3A_538 = tpu.memref_slice %arg8[%run_scoped3A_502, %dma_wait3A_537] : memref<4x128xi32, #tpu.memory_space<vmem>> -> memref<1x128xi32, #tpu.memory_space<vmem>>
      %dma_wait3A_539 = tpu.memref_squeeze %dma_wait3A_538 : memref<1x128xi32, #tpu.memory_space<vmem>> -> memref<128xi32, #tpu.memory_space<vmem>>
      %dma_wait3A_540 = arith.constant 0 : i32
      %dma_wait3A_541 = arith.constant 0 : i32
      %dma_wait3A_542 = tpu.memref_slice %arg10[%dma_wait3A_540, %dma_wait3A_541] : memref<10240x128xf32, #tpu.memory_space<vmem_shared>> -> memref<10240x128xf32, #tpu.memory_space<vmem_shared>>
      tpu.wait_indirect_dma semaphore(%run_scoped3A_522 : memref<!tpu.dma_semaphore, #tpu.memory_space<semaphore_mem>>) src(%dma_wait3A_536 : memref<128x128xf32, #tpu.memory_space<vmem>>) dst(%dma_wait3A_542 : memref<10240x128xf32, #tpu.memory_space<vmem_shared>>)
      tpu.yield
    }) : () -> ()
    %dma_wait3A_503 = arith.constant 0 : i32
    %dma_wait3A_504 = arith.constant 0 : i32
    %dma_wait3A_505 = arith.constant 0 : i32
    %dma_wait3A_506 = arith.constant 0 : i32
    %dma_wait3A_507 = tpu.memref_slice %arg9[%dma_wait3A_504, %dma_wait3A_505, %dma_wait3A_506] : memref<2x128x128xf32, #tpu.memory_space<vmem>> -> memref<1x128x128xf32, #tpu.memory_space<vmem>>
    %dma_wait3A_508 = tpu.memref_squeeze %dma_wait3A_507 : memref<1x128x128xf32, #tpu.memory_space<vmem>> -> memref<128x128xf32, #tpu.memory_space<vmem>>
    %dma_wait3A_509 = arith.constant 0 : i32
    %dma_wait3A_510 = tpu.memref_slice %arg7[%dma_wait3A_503, %dma_wait3A_509] : memref<4x128xi32, #tpu.memory_space<vmem>> -> memref<1x128xi32, #tpu.memory_space<vmem>>
    %dma_wait3A_511 = tpu.memref_squeeze %dma_wait3A_510 : memref<1x128xi32, #tpu.memory_space<vmem>> -> memref<128xi32, #tpu.memory_space<vmem>>
    %dma_wait3A_512 = arith.constant 0 : i32
    %dma_wait3A_513 = arith.constant 0 : i32
    %dma_wait3A_514 = tpu.memref_slice %arg4[%dma_wait3A_512, %dma_wait3A_513] : memref<10000x128xf32, #tpu.memory_space<hbm>> -> memref<10000x128xf32, #tpu.memory_space<hbm>>
    tpu.wait_indirect_dma semaphore(%arg15 : memref<!tpu.dma_semaphore, #tpu.memory_space<semaphore_mem>>) src(%dma_wait3A_514 : memref<10000x128xf32, #tpu.memory_space<hbm>>) dst(%dma_wait3A_508 : memref<128x128xf32, #tpu.memory_space<vmem>>)
    %run_scoped3A_515 = arith.constant 0 : i32
    %run_scoped3A_516 = arith.constant 2 : i32
    "tpu.region"() ({
      %run_scoped3A_522 = tpu.sem_alloc : memref<!tpu.dma_semaphore, #tpu.memory_space<semaphore_mem>>
      %dma_start3A_523 = arith.constant 0 : i32
      %dma_start3A_524 = arith.constant 0 : i32
      %dma_start3A_525 = tpu.memref_slice %arg9[%run_scoped3A_515, %dma_start3A_523, %dma_start3A_524] : memref<2x128x128xf32, #tpu.memory_space<vmem>> -> memref<1x128x128xf32, #tpu.memory_space<vmem>>
      %dma_start3A_526 = tpu.memref_squeeze %dma_start3A_525 : memref<1x128x128xf32, #tpu.memory_space<vmem>> -> memref<128x128xf32, #tpu.memory_space<vmem>>
      %dma_start3A_527 = arith.constant 0 : i32
      %dma_start3A_528 = tpu.memref_slice %arg8[%run_scoped3A_516, %dma_start3A_527] : memref<4x128xi32, #tpu.memory_space<vmem>> -> memref<1x128xi32, #tpu.memory_space<vmem>>
      %dma_start3A_529 = tpu.memref_squeeze %dma_start3A_528 : memref<1x128xi32, #tpu.memory_space<vmem>> -> memref<128xi32, #tpu.memory_space<vmem>>
      %dma_start3A_530 = arith.constant 0 : i32
      %dma_start3A_531 = arith.constant 0 : i32
      %dma_start3A_532 = tpu.memref_slice %arg10[%dma_start3A_530, %dma_start3A_531] : memref<10240x128xf32, #tpu.memory_space<vmem_shared>> -> memref<10240x128xf32, #tpu.memory_space<vmem_shared>>
      tpu.enqueue_indirect_dma source(%dma_start3A_526 : memref<128x128xf32, #tpu.memory_space<vmem>>) target(%dma_start3A_532 : memref<10240x128xf32, #tpu.memory_space<vmem_shared>>) offsets(%dma_start3A_529 : memref<128xi32, #tpu.memory_space<vmem>>) semaphore(%run_scoped3A_522 : memref<!tpu.dma_semaphore, #tpu.memory_space<semaphore_mem>>) {add = true}
      %dma_wait3A_533 = arith.constant 0 : i32
      %dma_wait3A_534 = arith.constant 0 : i32
      %dma_wait3A_535 = tpu.memref_slice %arg9[%run_scoped3A_515, %dma_wait3A_533, %dma_wait3A_534] : memref<2x128x128xf32, #tpu.memory_space<vmem>> -> memref<1x128x128xf32, #tpu.memory_space<vmem>>
      %dma_wait3A_536 = tpu.memref_squeeze %dma_wait3A_535 : memref<1x128x128xf32, #tpu.memory_space<vmem>> -> memref<128x128xf32, #tpu.memory_space<vmem>>
      %dma_wait3A_537 = arith.constant 0 : i32
      %dma_wait3A_538 = tpu.memref_slice %arg8[%run_scoped3A_516, %dma_wait3A_537] : memref<4x128xi32, #tpu.memory_space<vmem>> -> memref<1x128xi32, #tpu.memory_space<vmem>>
      %dma_wait3A_539 = tpu.memref_squeeze %dma_wait3A_538 : memref<1x128xi32, #tpu.memory_space<vmem>> -> memref<128xi32, #tpu.memory_space<vmem>>
      %dma_wait3A_540 = arith.constant 0 : i32
      %dma_wait3A_541 = arith.constant 0 : i32
      %dma_wait3A_542 = tpu.memref_slice %arg10[%dma_wait3A_540, %dma_wait3A_541] : memref<10240x128xf32, #tpu.memory_space<vmem_shared>> -> memref<10240x128xf32, #tpu.memory_space<vmem_shared>>
      tpu.wait_indirect_dma semaphore(%run_scoped3A_522 : memref<!tpu.dma_semaphore, #tpu.memory_space<semaphore_mem>>) src(%dma_wait3A_536 : memref<128x128xf32, #tpu.memory_space<vmem>>) dst(%dma_wait3A_542 : memref<10240x128xf32, #tpu.memory_space<vmem_shared>>)
      tpu.yield
    }) : () -> ()
    %barrier3A_517 = arith.constant 0 : index
    tpu.barrier barrier_id(%barrier3A_517)
    %mul3A_518 = arith.constant 640 : i32
    %mul3A_519 = arith.muli %arg1, %mul3A_518 : i32
    %mul3A_520 = arith.constant 640 : i32
    %mul3A_521 = arith.muli %arg1, %mul3A_520 : i32
    "tpu.region"() ({
      %run_scoped3A_522 = tpu.sem_alloc : memref<!tpu.dma_semaphore, #tpu.memory_space<semaphore_mem>>
      %dma_start3A_523 = arith.constant 0 : i32
      %dma_start3A_524 = tpu.memref_slice %arg6[%arg0, %mul3A_521, %dma_start3A_523] : memref<2x10240x128xf32, #tpu.memory_space<hbm>> -> memref<1x640x128xf32, #tpu.memory_space<hbm>>
      %dma_start3A_525 = tpu.memref_squeeze %dma_start3A_524 : memref<1x640x128xf32, #tpu.memory_space<hbm>> -> memref<640x128xf32, #tpu.memory_space<hbm>>
      %dma_start3A_526 = arith.constant 0 : i32
      %dma_start3A_527 = tpu.memref_slice %arg10[%mul3A_519, %dma_start3A_526] : memref<10240x128xf32, #tpu.memory_space<vmem_shared>> -> memref<640x128xf32, #tpu.memory_space<vmem_shared>>
      tpu.enqueue_dma source(%dma_start3A_527 : memref<640x128xf32, #tpu.memory_space<vmem_shared>>) target(%dma_start3A_525 : memref<640x128xf32, #tpu.memory_space<hbm>>) target_semaphore(%run_scoped3A_522 : memref<!tpu.dma_semaphore, #tpu.memory_space<semaphore_mem>>)
      %dma_wait3A_528 = arith.constant 0 : i32
      %dma_wait3A_529 = tpu.memref_slice %arg6[%arg0, %mul3A_521, %dma_wait3A_528] : memref<2x10240x128xf32, #tpu.memory_space<hbm>> -> memref<1x640x128xf32, #tpu.memory_space<hbm>>
      %dma_wait3A_530 = tpu.memref_squeeze %dma_wait3A_529 : memref<1x640x128xf32, #tpu.memory_space<hbm>> -> memref<640x128xf32, #tpu.memory_space<hbm>>
      %dma_wait3A_531 = arith.constant 0 : i32
      %dma_wait3A_532 = tpu.memref_slice %arg10[%mul3A_519, %dma_wait3A_531] : memref<10240x128xf32, #tpu.memory_space<vmem_shared>> -> memref<640x128xf32, #tpu.memory_space<vmem_shared>>
      tpu.wait_dma2 semaphore(%run_scoped3A_522 : memref<!tpu.dma_semaphore, #tpu.memory_space<semaphore_mem>>) src(%dma_wait3A_532 : memref<640x128xf32, #tpu.memory_space<vmem_shared>>) dst(%dma_wait3A_530 : memref<640x128xf32, #tpu.memory_space<hbm>>)
      tpu.yield
    }) : () -> ()
    return
  }
}

module attributes {stable_mosaic.version = 14 : i64} {
  func.func @body(%arg0: memref<2x80x128xf32, #tpu.memory_space<vmem>>, %arg1: memref<80x128xf32, #tpu.memory_space<vmem>>) attributes {dimension_semantics = [], scalar_prefetch = 0 : i64, scratch_operands = 0 : i64, tpu.core_type = #tpu.core_type<tc>} {
    %get3A = arith.constant 0 : index
    %get3A_0 = arith.constant 0 : index
    %get3A_1 = arith.constant 0 : index
    %get3A_2 = vector.load %arg0[%get3A, %get3A_0, %get3A_1] : memref<2x80x128xf32, #tpu.memory_space<vmem>>, vector<2x80x128xf32>
    %slice3A = vector.extract_strided_slice %get3A_2 {offsets = [0, 0, 0], sizes = [1, 80, 128], strides = [1, 1, 1]} : vector<2x80x128xf32> to vector<1x80x128xf32>
    %squeeze3A = vector.shape_cast %slice3A : vector<1x80x128xf32> to vector<80x128xf32>
    %slice3A_3 = vector.extract_strided_slice %get3A_2 {offsets = [1, 0, 0], sizes = [1, 80, 128], strides = [1, 1, 1]} : vector<2x80x128xf32> to vector<1x80x128xf32>
    %squeeze3A_4 = vector.shape_cast %slice3A_3 : vector<1x80x128xf32> to vector<80x128xf32>
    %add3A = arith.addf %squeeze3A, %squeeze3A_4 : vector<80x128xf32>
    %add3A_5 = arith.constant 1.000000e+00 : f32
    %add3A_6 = vector.broadcast %add3A_5 : f32 to vector<80x128xf32>
    %add3A_7 = arith.addf %add3A, %add3A_6 : vector<80x128xf32>
    %rsqrt3A = math.rsqrt %add3A_7 : vector<80x128xf32>
    %swap3A = arith.constant 0 : index
    %swap3A_8 = arith.constant 0 : index
    %swap3A_9 = vector.load %arg1[%swap3A, %swap3A_8] : memref<80x128xf32, #tpu.memory_space<vmem>>, vector<80x128xf32>
    tpu.vector_store %arg1[%swap3A, %swap3A_8], %rsqrt3A {strides = array<i32>} : memref<80x128xf32, #tpu.memory_space<vmem>>, vector<80x128xf32>,
    return
  }
}

module attributes {stable_mosaic.version = 14 : i64} {
  func.func @body(%arg0: i32, %arg1: memref<1000x128xf32, #tpu.memory_space<vmem>>, %arg2: memref<128x128xf32, #tpu.memory_space<vmem>>, %arg3: memref<1000x1xf32, #tpu.memory_space<vmem>>, %arg4: memref<1000x128xf32, #tpu.memory_space<vmem>>) attributes {dimension_semantics = [#tpu.dimension_semantics<arbitrary>], iteration_bounds = array<i64: 10>, scalar_prefetch = 0 : i64, scratch_operands = 0 : i64, tpu.core_type = #tpu.core_type<tc>, window_params = [{transform_indices = @transform_0, window_bounds = array<i64: 1000, 128>}, {pipeline_mode = #tpu.pipeline_mode<synchronous>, transform_indices = @transform_1, window_bounds = array<i64: 128, 128>}, {transform_indices = @transform_2, window_bounds = array<i64: 1000, 1>}, {transform_indices = @transform_3, window_bounds = array<i64: 1000, 128>}]} {
    %get3A = arith.constant 0 : index
    %get3A_0 = arith.constant 0 : index
    %get3A_1 = vector.load %arg1[%get3A, %get3A_0] : memref<1000x128xf32, #tpu.memory_space<vmem>>, vector<1000x128xf32>
    %get3A_2 = arith.constant 0 : index
    %get3A_3 = arith.constant 0 : index
    %get3A_4 = vector.load %arg2[%get3A_2, %get3A_3] : memref<128x128xf32, #tpu.memory_space<vmem>>, vector<128x128xf32>
    %dot_general3A = arith.constant dense<0.000000e+00> : vector<1000x128xf32>
    %dot_general3A_5 = tpu.matmul %get3A_1, %get3A_4, %dot_general3A {dimension_numbers = #tpu.dot_dimension_numbers<[1], [0], [0], [1], [0, 0, 1, 1], [], []>, transpose_lhs_hint = false} : vector<1000x128xf32>, vector<128x128xf32>, vector<1000x128xf32> -> vector<1000x128xf32>
    %get3A_6 = arith.constant 0 : index
    %get3A_7 = arith.constant 0 : index
    %get3A_8 = vector.load %arg3[%get3A_6, %get3A_7] : memref<1000x1xf32, #tpu.memory_space<vmem>>, vector<1000x1xf32>
    %mul3A = vector.broadcast %get3A_8 : vector<1000x1xf32> to vector<1000x128xf32>
    %mul3A_9 = arith.mulf %dot_general3A_5, %mul3A : vector<1000x128xf32>
    %swap3A = arith.constant 0 : index
    %swap3A_10 = arith.constant 0 : index
    %swap3A_11 = vector.load %arg4[%swap3A, %swap3A_10] : memref<1000x128xf32, #tpu.memory_space<vmem>>, vector<1000x128xf32>
    tpu.vector_store %arg4[%swap3A, %swap3A_10], %mul3A_9 {strides = array<i32>} : memref<1000x128xf32, #tpu.memory_space<vmem>>, vector<1000x128xf32>,
    return
  }
  func.func @transform_0(%arg0: i32) -> (i32, i32) {
    %c0_i32 = arith.constant 0 : i32
    %c0_i32_0 = arith.constant 0 : i32
    return %arg0, %c0_i32 : i32, i32
  }
  func.func @transform_1(%arg0: i32) -> (i32, i32) {
    %c0_i32 = arith.constant 0 : i32
    %c0_i32_0 = arith.constant 0 : i32
    %c0_i32_1 = arith.constant 0 : i32
    return %c0_i32, %c0_i32_0 : i32, i32
  }
  func.func @transform_2(%arg0: i32) -> (i32, i32) {
    %c0_i32 = arith.constant 0 : i32
    %c0_i32_0 = arith.constant 0 : i32
    return %arg0, %c0_i32 : i32, i32
  }
  func.func @transform_3(%arg0: i32) -> (i32, i32) {
    %c0_i32 = arith.constant 0 : i32
    %c0_i32_0 = arith.constant 0 : i32
    return %arg0, %c0_i32 : i32, i32
  }
}

module attributes {stable_mosaic.version = 14 : i64} {
  func.func @body(%arg0: i32, %arg1: memref<2x1000x128xf32, #tpu.memory_space<vmem>>, %arg2: memref<1000x128xf32, #tpu.memory_space<vmem>>, %arg3: memref<1000x1xf32, #tpu.memory_space<vmem>>, %arg4: memref<1x128xf32, #tpu.memory_space<vmem>>, %arg5: memref<128x128xf32, #tpu.memory_space<vmem>>, %arg6: memref<1x128xf32, #tpu.memory_space<vmem>>, %arg7: memref<1000x128xf32, #tpu.memory_space<vmem>>) attributes {dimension_semantics = [#tpu.dimension_semantics<arbitrary>], iteration_bounds = array<i64: 10>, scalar_prefetch = 0 : i64, scratch_operands = 0 : i64, tpu.core_type = #tpu.core_type<tc>, window_params = [{transform_indices = @transform_0, window_bounds = array<i64: 2, 1000, 128>}, {transform_indices = @transform_1, window_bounds = array<i64: 1000, 128>}, {transform_indices = @transform_2, window_bounds = array<i64: 1000, 1>}, {pipeline_mode = #tpu.pipeline_mode<synchronous>, transform_indices = @transform_3, window_bounds = array<i64: 1, 128>}, {pipeline_mode = #tpu.pipeline_mode<synchronous>, transform_indices = @transform_4, window_bounds = array<i64: 128, 128>}, {pipeline_mode = #tpu.pipeline_mode<synchronous>, transform_indices = @transform_5, window_bounds = array<i64: 1, 128>}, {transform_indices = @transform_6, window_bounds = array<i64: 1000, 128>}]} {
    %get3A = arith.constant 0 : index
    %get3A_0 = arith.constant 0 : index
    %get3A_1 = arith.constant 0 : index
    %get3A_2 = vector.load %arg1[%get3A, %get3A_0, %get3A_1] : memref<2x1000x128xf32, #tpu.memory_space<vmem>>, vector<2x1000x128xf32>
    %slice3A = vector.extract_strided_slice %get3A_2 {offsets = [0, 0, 0], sizes = [1, 1000, 128], strides = [1, 1, 1]} : vector<2x1000x128xf32> to vector<1x1000x128xf32>
    %squeeze3A = vector.shape_cast %slice3A : vector<1x1000x128xf32> to vector<1000x128xf32>
    %slice3A_3 = vector.extract_strided_slice %get3A_2 {offsets = [1, 0, 0], sizes = [1, 1000, 128], strides = [1, 1, 1]} : vector<2x1000x128xf32> to vector<1x1000x128xf32>
    %squeeze3A_4 = vector.shape_cast %slice3A_3 : vector<1x1000x128xf32> to vector<1000x128xf32>
    %add3A = arith.addf %squeeze3A, %squeeze3A_4 : vector<1000x128xf32>
    %get3A_5 = arith.constant 0 : index
    %get3A_6 = arith.constant 0 : index
    %get3A_7 = vector.load %arg2[%get3A_5, %get3A_6] : memref<1000x128xf32, #tpu.memory_space<vmem>>, vector<1000x128xf32>
    %add3A_8 = arith.addf %add3A, %get3A_7 : vector<1000x128xf32>
    %get3A_9 = arith.constant 0 : index
    %get3A_10 = arith.constant 0 : index
    %get3A_11 = vector.load %arg3[%get3A_9, %get3A_10] : memref<1000x1xf32, #tpu.memory_space<vmem>>, vector<1000x1xf32>
    %mul3A = vector.broadcast %get3A_11 : vector<1000x1xf32> to vector<1000x128xf32>
    %mul3A_12 = arith.mulf %add3A_8, %mul3A : vector<1000x128xf32>
    %get3A_13 = arith.constant 0 : index
    %get3A_14 = arith.constant 0 : index
    %get3A_15 = vector.load %arg4[%get3A_13, %get3A_14] : memref<1x128xf32, #tpu.memory_space<vmem>>, vector<1x128xf32>
    %add3A_16 = vector.broadcast %get3A_15 : vector<1x128xf32> to vector<1000x128xf32>
    %add3A_17 = arith.addf %mul3A_12, %add3A_16 : vector<1000x128xf32>
    %get3A_18 = arith.constant 0 : index
    %get3A_19 = arith.constant 0 : index
    %get3A_20 = vector.load %arg5[%get3A_18, %get3A_19] : memref<128x128xf32, #tpu.memory_space<vmem>>, vector<128x128xf32>
    %dot_general3A = arith.constant dense<0.000000e+00> : vector<1000x128xf32>
    %dot_general3A_21 = tpu.matmul %add3A_17, %get3A_20, %dot_general3A {dimension_numbers = #tpu.dot_dimension_numbers<[1], [0], [0], [1], [0, 0, 1, 1], [], []>, transpose_lhs_hint = false} : vector<1000x128xf32>, vector<128x128xf32>, vector<1000x128xf32> -> vector<1000x128xf32>
    %get3A_22 = arith.constant 0 : index
    %get3A_23 = arith.constant 0 : index
    %get3A_24 = vector.load %arg6[%get3A_22, %get3A_23] : memref<1x128xf32, #tpu.memory_space<vmem>>, vector<1x128xf32>
    %add3A_25 = vector.broadcast %get3A_24 : vector<1x128xf32> to vector<1000x128xf32>
    %add3A_26 = arith.addf %dot_general3A_21, %add3A_25 : vector<1000x128xf32>
    %swap3A = arith.constant 0 : index
    %swap3A_27 = arith.constant 0 : index
    %swap3A_28 = vector.load %arg7[%swap3A, %swap3A_27] : memref<1000x128xf32, #tpu.memory_space<vmem>>, vector<1000x128xf32>
    tpu.vector_store %arg7[%swap3A, %swap3A_27], %add3A_26 {strides = array<i32>} : memref<1000x128xf32, #tpu.memory_space<vmem>>, vector<1000x128xf32>,
    return
  }
  func.func @transform_0(%arg0: i32) -> (i32, i32, i32) {
    %c0_i32 = arith.constant 0 : i32
    %c0_i32_0 = arith.constant 0 : i32
    %c0_i32_1 = arith.constant 0 : i32
    return %c0_i32, %arg0, %c0_i32_0 : i32, i32, i32
  }
  func.func @transform_1(%arg0: i32) -> (i32, i32) {
    %c0_i32 = arith.constant 0 : i32
    %c0_i32_0 = arith.constant 0 : i32
    return %arg0, %c0_i32 : i32, i32
  }
  func.func @transform_2(%arg0: i32) -> (i32, i32) {
    %c0_i32 = arith.constant 0 : i32
    %c0_i32_0 = arith.constant 0 : i32
    return %arg0, %c0_i32 : i32, i32
  }
  func.func @transform_3(%arg0: i32) -> (i32, i32) {
    %c0_i32 = arith.constant 0 : i32
    %c0_i32_0 = arith.constant 0 : i32
    %c0_i32_1 = arith.constant 0 : i32
    return %c0_i32, %c0_i32_0 : i32, i32
  }
  func.func @transform_4(%arg0: i32) -> (i32, i32) {
    %c0_i32 = arith.constant 0 : i32
    %c0_i32_0 = arith.constant 0 : i32
    %c0_i32_1 = arith.constant 0 : i32
    return %c0_i32, %c0_i32_0 : i32, i32
  }
  func.func @transform_5(%arg0: i32) -> (i32, i32) {
    %c0_i32 = arith.constant 0 : i32
    %c0_i32_0 = arith.constant 0 : i32
    %c0_i32_1 = arith.constant 0 : i32
    return %c0_i32, %c0_i32_0 : i32, i32
  }
  func.func @transform_6(%arg0: i32) -> (i32, i32) {
    %c0_i32 = arith.constant 0 : i32
    %c0_i32_0 = arith.constant 0 : i32
    return %arg0, %c0_i32 : i32, i32
  }
}

</mosaic_0001>

<sc_bundles>
// kernel: kernel.10.cloned.1.call-start
scs
__scs_entry_jumppad:
0x0: {  	(pc) =	sbr.rel $0x88, $3  }
0x1: {  	(tag) =	ssettag $0x0;
	lr =	simm.s32 $0x1  }
0x2: {  	[smem:$0x3F9B] =	sst lr;
	_ =	strace $0xD0000000  }
0x3: {  	_ = 	snop  }
0x4: {  	_ = 	snop  }
0x5: {  	_ = 	snop  }
0x6: {  	_ = 	snop  }
0x7: {  	_ = 	snop  }
__scs_overlays_trampoline_lowered:
0x8: {  	[smem:$0x3FAA] =	sst s0  }
0x9: {  	[smem:$0x3FAB] =	sst s1  }
0xa: {  	[smem:$0x3FAC] =	sst s2  }
0xb: {  	[smem:$0x3FAD] =	sst s3  }
0xc: {  	[smem:$0x3FAE] =	sst s4  }
0xd: {  	[smem:$0x3FAF] =	sst s5  }
0xe: {  	[smem:$0x3FB0] =	sst s6  }
0xf: {  	[smem:$0x3FB1] =	sst s7  }
0x10: {  	[smem:$0x3FB2] =	sst s8  }
0x11: {  	[smem:$0x3FB3] =	sst s9;
	s0 =	simm.s32 @!p0 $0x0  }
0x12: {  	s1 =	sld [smem:$0x3F99];
	s0 =	simm.s32 @p0 $0x1  }
0x13: {  	[smem:$0x3FB4] =	sst s0;
	s0 =	simm.s32 @!p1 $0x0  }
0x14: {  	s2 =	sld [smem:$0x3F98];
	s0 =	simm.s32 @p1 $0x1  }
0x15: {  	[smem:$0x3FB5] =	sst s0;
	s0 =	simm.s32 @!p2 $0x0  }
0x16: {  	s3 =	sld [smem:$0x3FDB];
	s0 =	simm.s32 @p2 $0x1  }
0x17: {  	s4 =	simm.s32 $0x1BF5;
	[smem:$0x3FB7] =	sst s0  }
0x18: {  	s0 =	sld [smem:$0x3F9A];
	_ =	swait.ge [sflag:s4], $0x0  }
0x19: {  	s7 =	sld [smem:$0x3F9B]  }
0x1a: {  	s8 =	sadd.s32 $0xFFFFE003, lr  }
0x1b: {  	s9 =	sadd.s32 $0xFFFFFEF7, lr;
	s5 =	simm.s32 $0xFFFFFFFF;
	p2 =	slt.u32 s8, $0xFFFFF086  }
0x1c: {  	p1 =	slt.u32 s9, $0xF7A;
	s5 =	simm.s32 @!p2 $0x0  }
0x1d: {  	s5 =	simm.s32 @p1 $0x1;
	p0 =	seq.s32 s7, s2  }
0x1e: {  	s7 =	smul.u32 @!p0 $0xF7A, s2;
	p2 =	seq.s32 @!p0 s5, $0x0  }
0x1f: {  	s9 =	smul.u32 $0xF7A, s1;
	s8 =	simm.s32 @!p0 $0x1BF5;
	p2 =	por !p2, p0  }
0x20: {  	[sflag:s8] =	ssyncset.s32 @!p0 $0xFFFFF086;
	s6 =	sadd.s32 @!p0 s3, s7;
	s7 =	simm.s32 @!p0 $0x108  }
0x21: {  	s3 =	sadd.s32 s3, s9;
	s6 =	sadd.s32 @!p0 $0x88, s6;
	s7 =	simm.s32 @p2 $0x1082  }
0x22: {  	[simem:s7], [sflag:s8] =	dma.local @!p0 [hbm:s6], $0xF7A  }
0x23: {  	s9 =	sor.u32 $0xD0000000, s2;
	s6 =	simm.s32 $0x108;
	_ =	swait.ge @!p0 [sflag:s8], $0x0  }
0x24: {  	s3 =	sadd.s32 $0x88, s3;
	s6 =	simm.s32 @!p1 $0x1082;
	[sflag:s4] =	ssyncset.s32 $0xFFFFF086  }
0x25: {  	[simem:s6], [sflag:s4] =	dma.local [hbm:s3], $0xF7A  }
0x26: {  	[smem:$0x3F9B] =	sst s1;
	(tag) =	ssettag s2;
	_ =	strace s9  }
0x27: {  	s1 =	sld [smem:$0x3FAB]  }
0x28: {  	s2 =	sld [smem:$0x3FAC]  }
0x29: {  	s4 =	sld [smem:$0x3FAE]  }
0x2a: {  	p0 =	seq.s32 s5, $0x0;
	s5 =	sld [smem:$0x3FAF]  }
0x2b: {  	s6 =	sld [smem:$0x3FB0]  }
0x2c: {  	s7 =	sld [smem:$0x3FB1]  }
0x2d: {  	s3 =	simm.s32 $0x108;
	s8 =	sld [smem:$0x3FB2]  }
0x2e: {  	s3 =	simm.s32 @!p0 $0x1082;
	s9 =	sld [smem:$0x3FB3]  }
0x2f: {  	lr =	sadd.s32 s0, s3;
	s0 =	sld [smem:$0x3FAA]  }
0x30: {  	s3 =	sld [smem:$0x3FAD]  }
0x31: {  	[smem:$0x3FB6] =	sst s10  }
0x32: {  	s10 =	sld [smem:$0x3FB4];
	_ =	sdelay $0x3  }
0x33: {  	p0 =	seq.s32 s10, $0x1;
	s10 =	sld [smem:$0x3FB6];
	_ =	sdelay $0x3  }
0x34: {  	[smem:$0x3FB6] =	sst s10  }
0x35: {  	s10 =	sld [smem:$0x3FB5];
	_ =	sdelay $0x3  }
0x36: {  	p1 =	seq.s32 s10, $0x1;
	s10 =	sld [smem:$0x3FB6];
	_ =	sdelay $0x3  }
0x37: {  	[smem:$0x3FB6] =	sst s10  }
0x38: {  	s10 =	sld [smem:$0x3FB7]  }
0x39: {  	_ = 	snop;
	(pc) =	sbr.ind lr, $3  }
0x3a: {  	_ = 	snop  }
0x3b: {  	_ = 	snop  }
0x3c: {  	p2 =	seq.s32 s10, $0x1;
	s10 =	sld [smem:$0x3FB6]  }
0x3d: {  	_ =	shalt  }
0x3e: {  	_ =	shalt  }
0x3f: {  	_ =	shalt  }
0x40: {  	_ =	shalt  }
0x41: {  	_ =	shalt  }
0x42: {  	_ =	shalt  }
0x43: {  	_ =	shalt  }
0x44: {  	_ =	shalt  }
0x45: {  	_ =	shalt  }
0x46: {  	_ =	shalt  }
0x47: {  	_ =	shalt  }
0x48: {  	_ =	shalt  }
0x49: {  	_ =	shalt  }
0x4a: {  	_ =	shalt  }
0x4b: {  	_ =	shalt  }
0x4c: {  	_ =	shalt  }
0x4d: {  	_ =	shalt  }
0x4e: {  	_ =	shalt  }
0x4f: {  	_ =	shalt  }
0x50: {  	_ =	shalt  }
0x51: {  	_ =	shalt  }
0x52: {  	_ =	shalt  }
0x53: {  	_ =	shalt  }
0x54: {  	_ =	shalt  }
0x55: {  	_ =	shalt  }
0x56: {  	_ =	shalt  }
0x57: {  	_ =	shalt  }
0x58: {  	_ =	shalt  }
0x59: {  	_ =	shalt  }
0x5a: {  	_ =	shalt  }
0x5b: {  	_ =	shalt  }
0x5c: {  	_ =	shalt  }
0x5d: {  	_ =	shalt  }
0x5e: {  	_ =	shalt  }
0x5f: {  	_ =	shalt  }
0x60: {  	_ =	shalt  }
0x61: {  	_ =	shalt  }
0x62: {  	_ =	shalt  }
0x63: {  	_ =	shalt  }
0x64: {  	_ =	shalt  }
0x65: {  	_ =	shalt  }
0x66: {  	_ =	shalt  }
0x67: {  	_ =	shalt  }
0x68: {  	_ =	shalt  }
0x69: {  	_ =	shalt  }
0x6a: {  	_ =	shalt  }
0x6b: {  	_ =	shalt  }
0x6c: {  	_ =	shalt  }
0x6d: {  	_ =	shalt  }
0x6e: {  	_ =	shalt  }
0x6f: {  	_ =	shalt  }
0x70: {  	_ =	shalt  }
0x71: {  	_ =	shalt  }
0x72: {  	_ =	shalt  }
0x73: {  	_ =	shalt  }
0x74: {  	_ =	shalt  }
0x75: {  	_ =	shalt  }
0x76: {  	_ =	shalt  }
0x77: {  	_ =	shalt  }
0x78: {  	_ =	shalt  }
0x79: {  	_ =	shalt  }
0x7a: {  	_ =	shalt  }
0x7b: {  	_ =	shalt  }
0x7c: {  	_ =	shalt  }
0x7d: {  	_ =	shalt  }
0x7e: {  	_ =	shalt  }
0x7f: {  	_ =	shalt  }
0x80: {  	_ =	shalt  }
0x81: {  	_ =	shalt  }
0x82: {  	_ =	shalt  }
0x83: {  	_ =	shalt  }
0x84: {  	_ =	shalt  }
0x85: {  	_ =	shalt  }
0x86: {  	_ =	shalt  }
0x87: {  	_ =	shalt  }
.Lfunc_end0:
.L_simem_size_0:
called_computation.1_lowered:
.L_overlay_start_0:
0x88: {  	s2 =	sld [smem:$0x3FD9]  }
0x89: {  	s3 =	sld [smem:$0x3FFE];
	_ =	sdelay $0x1  }
0x8a: {  	s1 =	srdreg.scid  }
0x8b: {  	s0 =	sand.u32 $0x1, s1  }
0x8c: {  	s17 =	sshll.u32 s0, $0xA;
	s2 =	sadd.s32 s3, s2  }
0x8d: {  	s2 =	sadd.s32 s2, s17  }
0x8e: {  	[smem:$0x3FC2] =	sst s2  }
0x8f: {  	_ = 	snop  }
0x90: {  	s2 =	sld [smem:$0x3FD0];
	(tm) =	ssettm $0x1  }
0x91: {  	s18 =	sld [smem:$0x3FFB];
	_ =	sdelay $0x3  }
0x92: {  	_ =	strace s18  }
0x93: {  	s3 =	sld [smem:$0x3FFC];
	_ =	sdelay $0x3  }
0x94: {  	_ =	strace s3  }
0x95: {  	s3 =	sld [smem:$0x3FFD];
	_ =	sdelay $0x3  }
0x96: {  	_ =	strace s3  }
0x97: {  	_ =	strace $0x8FFFFFFF  }
0x98: {  	s19 =	sld [smem:$0x3FDB];
	_ =	sdelay $0x1  }
0x99: {  	s4 =	simm.s32 $_scs_section_size  }
0x9a: {  	s5 =	simm.s32 $_size__tile_overlayer_lowered;
	s6 =	simm.s32 $_tile_overlayer_lowered  }
0x9b: {  	s22 =	simm.s32 $0x1BFF;
	s21 =	sshll.u32 s6, $0x1;
	s3 =	sadd.s32 s4, s19  }
0x9c: {  	s7 =	simm.s32 $0x0;
	s20 =	sshll.u32 s5, $0x1;
	s5 =	sadd.s32 s21, s3  }
0x9d: {  	[timem:s7], [sflag:s22] =	dma.local [hbm:s5], s20  }
0x9e: {  	_ =	swait.ge [sflag:s22], s20  }
0x9f: {  	s4 =	ssub.s32 $0x0, s20;
	[sflag:s22] =	ssyncset.done $0x0  }
0xa0: {  	[sflag:s22] =	ssyncadd.s32 s4;
	_ =	sdelay $0x1  }
0xa1: {  	s23 =	simm.s32 $0x1B8B  }
0xa2: {  	_ =	swait.ge [sflag:s23], $0x1  }
0xa3: {  	[sflag:s23] =	ssyncset.done $0x0  }
0xa4: {  	s25 =	simm.s32 $0x1B8E;
	s24 =	sld [smem:$0x3FFE];
	[sflag:s23] =	ssyncadd.s32 $0xFFFFFFFF  }
0xa5: {  	s26 =	simm.s32 $execute0_lowered;
	[smem:$0x3FD2] =	sst s25  }
0xa6: {  	s5 =	sshll.u32 s26, $0x1;
	_ =	strace $0x80000049;
	[dreg:$0x1] =	wrdreg $0xFFFFFFFF  }
0xa7: {  	s28 =	simm.s32 $_size_execute0_lowered;
	s3 =	sadd.s32 s3, s5;
	[dreg:$0x0] =	wrdreg $0x0  }
0xa8: {  	s5 =	sshll.u32 s28, $0x1;
	[dreg:$0x2] =	wrdreg s3  }
0xa9: {  	[dreg:$0x3] =	wrdreg s5  }
0xaa: {  	[dreg:$0x4] =	wrdreg $0xC0  }
0xab: {  	_ =	task [dreg:s7], $0x5FFFF  }
0xac: {  	[dreg:$0x1] =	wrdreg $0xFFFFFFFF  }
0xad: {  	[dreg:$0x0] =	wrdreg $0x60  }
0xae: {  	[dreg:$0x2] =	wrdreg s24  }
0xaf: {  	[dreg:$0x3] =	wrdreg s2  }
0xb0: {  	[dreg:$0x4] =	wrdreg $0x84000  }
0xb1: {  	[dreg:$0x5] =	wrdreg $0x9  }
0xb2: {  	_ =	task.clear_ibuf [dreg:s7], $0x6FFFF;
	_ =	strace $0x90000049  }
0xb3: {  	s29 =	simm.s32 $0x9;
	_ =	strace $0x8000004B  }
0xb4: {  	_ =	swait.ge [sflag:s29], $0x1  }
0xb5: {  	[sflag:s29] =	ssyncadd.s32 $0xFFFFFFFF  }
0xb6: {  	_ =	strace $0x9000004B  }
0xb7: {  	_ =	sfence  }
0xb8: {  	s30 =	sld [smem:$0x0];
	_ =	sdelay $0x2  }
0xb9: {  	s31 =	sshll.u32 s1, $0xD;
	s1 =	sshrl.u32 s1, $0x2  }
0xba: {  	s3 =	sand.u32 $0x4000, s31;
	s1 =	sadd.s32 s1, s30  }
0xbb: {  	s0 =	sor.u32 s3, s0;
	s1 =	sshll.u32 s1, $0x11  }
0xbc: {  	s0 =	sor.u32 s1, s0  }
0xbd: {  	s0 =	sadd.s32 $0x8F2B, s0  }
0xbe: {  	[sflag:s0] =	ssyncadd.remote.s32 $0x1  }
0xbf: {  	_ =	sfence.sel $0xFFFF  }
0xc0: {  	[dreg:$0x0] =	wrdreg $0xFFFFFFFF;
	(pc) =	sbr.abs _section_cstart, $3  }
0xc1: {  	[dreg:$0x1] =	wrdreg $0xFFFFFFFF  }
0xc2: {  	_ =	task.clear_ibuf [dreg:s7], $0x2FFFF;
	_ =	strace $0x9FFFFFFF  }
0xc3: {  	(tm) =	ssettm $0x7FFFFFFF  }
tec
execute0_lowered:
.L_overlay_start_1:
0x0: {  	(tag) =	ssettag $0x1  }
0x1: {  	s0 =	rddreg [dreg:$0x0]  }
0x2: {  	s1 =	rddreg [dreg:$0x1];
	s12 =	stileid.u32  }
0x3: {  	s2 =	rddreg [dreg:$0x2];
	s4 =	simm.s32 $0x0;
	s8 =	smul.u32 $0x14000, s12  }
0x4: {  	s3 =	srdreg.scid;
	s31 =	simm.s32 $0x200;
	s16 =	smul.u32 $0x50000, s12  }
0x5: {  	s3 =	sand.u32 $0x1, s3;
	s9 =	sshll.u32 s12, $0x1;
	s12 =	smul.u32 $0x4F00, s12  }
0x6: {  	[smem:$0x7FF] =	sst s4;
	s5 =	sadd.s32 $0x1800, s0;
	s7 =	smul.u32 $0x140000, s3  }
0x7: {  	s9 =	sor.u32 s3, s9;
	s10 =	ssub.s32 $0x2, s3;
	s3 =	smul.u32 $0x2780, s3  }
0x8: {  	s6 =	sadd.s32 $0xB600, s0;
	_ =	strace $0x8000004A;
	s9 =	smul.u32 $0x2780, s9  }
0x9: {  	s11 =	sshrl.u32 s10, $0x1;
	s20 =	sshrl.u32 s16, $0x2;
	s8 =	sadd.s32 s8, s7  }
0xa: {  	s7 =	sadd.s32 $0x15400, s0;
	s3 =	sadd.s32 s3, s12;
	s8 =	sshrl.u32 s8, $0x3  }
0xb: {  	s9 =	sshrl.u32 s9, $0x3;
	s12 =	sadd.s32 $0x380, s3;
	s29 =	sadd.s32 $0x300, s3  }
0xc: {  	s28 =	sadd.s32 $0x200, s3;
	s0 =	sadd.s32 s8, s0;
	s14 =	sadd.s32 s5, s9  }
0xd: {  	s15 =	sadd.s32 $0x10, s9;
	s13 =	sadd.s32 s6, s9;
	[dreg:$0xa] =	wrdreg s14  }
0xe: {  	s8 =	ssub.s32 s10, s11;
	[dreg:$0xb] =	wrdreg s13;
	s17 =	sadd.s32 s5, s15  }
0xf: {  	s18 =	sadd.s32 $0x20, s9;
	s10 =	sadd.s32 s6, s15;
	[dreg:$0xc] =	wrdreg s17  }
0x10: {  	s21 =	sadd.s32 $0x30, s9;
	s19 =	sadd.s32 s5, s18;
	[dreg:$0xd] =	wrdreg s10  }
0x11: {  	s23 =	sadd.s32 $0x4C0, s9;
	s22 =	sadd.s32 s5, s21;
	[dreg:$0xe] =	wrdreg s19  }
0x12: {  	s25 =	sshrl.u32 s12, $0x3;
	s24 =	sadd.s32 s5, s23;
	[dreg:$0x11] =	wrdreg s22  }
0x13: {  	s30 =	sshrl.u32 s29, $0x3;
	s11 =	sadd.s32 s6, s23;
	[dreg:$0x13] =	wrdreg s24  }
0x14: {  	s13 =	sadd.s32 s20, s2;
	s26 =	sadd.s32 s25, s6;
	[dreg:$0x14] =	wrdreg s11  }
0x15: {  	s12 =	sadd.s32 s30, s6;
	s14 =	sadd.s32 $0x280, s3;
	[dreg:$0x4] =	wrdreg s26  }
0x16: {  	s15 =	sadd.s32 s30, s5;
	s0 =	sadd.s32 $0x3C600, s0;
	[dreg:$0x6] =	wrdreg s12  }
0x17: {  	s23 =	smax.u32 s8, $0x1;
	s3 =	simm.s32 $0x280;
	[dreg:$0x7] =	wrdreg s15  }
0x18: {  	s8 =	simm.s32 $0x100;
	s10 =	sadd.s32 s6, s18;
	[dreg:$0x19] =	wrdreg s0  }
0x19: {  	s16 =	sshrl.u32 s14, $0x3;
	s17 =	sadd.s32 $0x4D0, s9;
	[dreg:$0x1a] =	wrdreg s23  }
0x1a: {  	s9 =	sadd.s32 $0x4E0, s9;
	s24 =	sadd.s32 $0x4000, s13;
	[dreg:$0x10] =	wrdreg s13  }
0x1b: {  	s26 =	sadd.s32 $0xC000, s13;
	[dreg:$0xf] =	wrdreg s10;
	s10 =	sadd.s32 s6, s21  }
0x1c: {  	s30 =	sadd.s32 $0x10000, s13;
	s18 =	sadd.s32 s16, s6;
	[dreg:$0x12] =	wrdreg s10  }
0x1d: {  	s11 =	simm.s32 $0x400;
	s19 =	sadd.s32 s5, s17;
	[dreg:$0x8] =	wrdreg s18  }
0x1e: {  	s12 =	simm.s32 $0x7;
	s21 =	sadd.s32 s6, s17;
	[dreg:$0x15] =	wrdreg s19  }
0x1f: {  	s15 =	simm.s32 $0x5;
	s20 =	sadd.s32 s16, s5;
	[dreg:$0x16] =	wrdreg s21  }
0x20: {  	s22 =	sadd.s32 s5, s9;
	s9 =	sadd.s32 s6, s9;
	[dreg:$0x9] =	wrdreg s20  }
0x21: {  	s0 =	sshrl.u32 s24, $0x3;
	s29 =	sshrl.u32 s26, $0x3;
	[dreg:$0x17] =	wrdreg s22  }
0x22: {  	s16 =	simm.s32 $0x4400;
	s17 =	simm.s32 $0x180;
	[dreg:$0x18] =	wrdreg s9  }
0x23: {  	s10 =	sadd.s32 s25, s5;
	[dreg:$0x1b] =	wrdreg s0;
	s25 =	sadd.s32 $0x8000, s13  }
0x24: {  	[dreg:$0x1d] =	wrdreg s29;
	s9 =	simm.s32 $0x300;
	s13 =	simm.s32 $0x2  }
0x25: {  	s18 =	simm.s32 $0x380;
	s19 =	simm.s32 $0x3;
	s20 =	simm.s32 $0x6  }
0x26: {  	s21 =	simm.s32 $0x4;
	[dreg:$0x5] =	wrdreg s10;
	s0 =	sshrl.u32 s25, $0x3  }
0x27: {  	s22 =	simm.s32 $0x0;
	[dreg:$0x1c] =	wrdreg s0;
	s0 =	sshrl.u32 s30, $0x3  }
0x28: {  	s10 =	simm.s32 $0x1;
	[dreg:$0x1e] =	wrdreg s0;
	s0 =	simm.s32 $0x80  }
.LBB2_1:
0x29: {  	s14 =	rddreg [dreg:$0xa]  }
0x2a: {  	[tilespmem:s4], [sflag:$0x1] =	stream.linear.gather [hbm4b:s14+s4], $0x80, $0x38;
	[tilespmem:$0x1C400] =	vst v63  }
0x2b: {  	s25 =	rddreg [dreg:$0xb]  }
0x2c: {  	[tilespmem:s31], [sflag:$0x1] =	stream.linear.gather [hbm4b:s25+s4], $0x80, $0x38;
	[tilespmem:$0x1C400] =	vst v63  }
0x2d: {  	s26 =	rddreg [dreg:$0xc]  }
0x2e: {  	[tilespmem:s0], [sflag:$0x2] =	stream.linear.gather [hbm4b:s26+s4], $0x80, $0x38;
	[tilespmem:$0x1C400] =	vst v63  }
0x2f: {  	s29 =	rddreg [dreg:$0xd]  }
0x30: {  	[tilespmem:s3], [sflag:$0x2] =	stream.linear.gather [hbm4b:s29+s4], $0x80, $0x38;
	[tilespmem:$0x1C400] =	vst v63  }
0x31: {  	s30 =	rddreg [dreg:$0xe]  }
0x32: {  	[tilespmem:s8], [sflag:$0x3] =	stream.linear.gather [hbm4b:s30+s4], $0x80, $0x38;
	[tilespmem:$0x1C400] =	vst v63  }
0x33: {  	s23 =	rddreg [dreg:$0xf]  }
0x34: {  	[tilespmem:s9], [sflag:$0x3] =	stream.linear.gather [hbm4b:s23+s4], $0x80, $0x38;
	[tilespmem:$0x1C400] =	vst v63  }
0x35: {  	_ =	swait.ge [sflag:s10], $0x80  }
0x36: {  	[sflag:s10] =	ssyncset.done $0x0  }
0x37: {  	[sflag:s10] =	ssyncadd.s32 $0xFFFFFF80  }
0x38: {  	s24 =	stileid.u32;
	_ =	swait.ge [sflag:s10], $0x80  }
0x39: {  	s23 =	sshll.u32 s24, $0x6;
	[sflag:s10] =	ssyncset.done $0x0;
	s25 =	rddreg [dreg:$0x10]  }
0x3a: {  	s23 =	sor.u32 $0x1C07, s23;
	[sflag:s10] =	ssyncadd.s32 $0xFFFFFF80;
	s24 =	sshrl.u32 s25, $0x3  }
0x3b: {  	[tilespmem:s11], [sflag:$0x5] =	stream.indirect.gather [hbm4b:s7+s0], $0x80, s4, s0, $0xb8;
	[tilespmem:$0x1C400] =	vst v63  }
0x3c: {  	[spmem:s24], [sflag:s23] =	dma.local [hbm:s1], $0x800  }
0x3d: {  	_ =	swait.ge [sflag:s12], $0x800  }
0x3e: {  	[sflag:s12] =	ssyncset.done $0x0  }
0x3f: {  	s26 =	rddreg [dreg:$0x1b];
	[sflag:s12] =	ssyncadd.s32 $0xFFFFF800  }
0x40: {  	[spmem:s26], [sflag:s23] =	dma.local [hbm:s1], $0x800  }
0x41: {  	_ =	swait.ge [sflag:s12], $0x800  }
0x42: {  	[sflag:s12] =	ssyncset.done $0x0  }
0x43: {  	s29 =	rddreg [dreg:$0x1c];
	[sflag:s12] =	ssyncadd.s32 $0xFFFFF800  }
0x44: {  	[spmem:s29], [sflag:s23] =	dma.local [hbm:s1], $0x800  }
0x45: {  	_ =	swait.ge [sflag:s12], $0x800  }
0x46: {  	[sflag:s12] =	ssyncset.done $0x0  }
0x47: {  	s30 =	rddreg [dreg:$0x1d];
	[sflag:s12] =	ssyncadd.s32 $0xFFFFF800  }
0x48: {  	[spmem:s30], [sflag:s23] =	dma.local [hbm:s1], $0x800  }
0x49: {  	_ =	swait.ge [sflag:s12], $0x800  }
0x4a: {  	[sflag:s12] =	ssyncset.done $0x0  }
0x4b: {  	s25 =	rddreg [dreg:$0x1e];
	[sflag:s12] =	ssyncadd.s32 $0xFFFFF800  }
0x4c: {  	[spmem:s25], [sflag:s23] =	dma.local [hbm:s1], $0x800  }
0x4d: {  	_ =	swait.ge [sflag:s12], $0x800  }
0x4e: {  	[sflag:s12] =	ssyncset.done $0x0  }
0x4f: {  	[sflag:s12] =	ssyncadd.s32 $0xFFFFF800  }
0x50: {  	[bflag:$0x0] =	sbarrier.arrive $0xFFFF  }
0x51: {  	_ =	swait.ge [sflag:s13], $0x80  }
0x52: {  	[sflag:s13] =	ssyncset.done $0x0  }
0x53: {  	[sflag:s13] =	ssyncadd.s32 $0xFFFFFF80  }
0x54: {  	_ =	swait.ge [sflag:s13], $0x80  }
0x55: {  	[sflag:s13] =	ssyncset.done $0x0  }
0x56: {  	[sflag:s13] =	ssyncadd.s32 $0xFFFFFF80  }
0x57: {  	_ =	swait.ge [sflag:s15], $0x4000  }
0x58: {  	[sflag:s15] =	ssyncset.done $0x0  }
0x59: {  	[sflag:s15] =	ssyncadd.s32 $0xFFFFC000  }
0x5a: {  	[tilespmem:s16], [sflag:$0x6] =	stream.indirect.gather [hbm4b:s7+s0], $0x80, s0, s0, $0xb8;
	[tilespmem:$0x1C400] =	vst v63  }
0x5b: {  	s26 =	rddreg [dreg:$0x11]  }
0x5c: {  	[tilespmem:s17], [sflag:$0x4] =	stream.linear.gather [hbm4b:s26+s4], $0x80, $0x38;
	[tilespmem:$0x1C400] =	vst v63  }
0x5d: {  	s29 =	rddreg [dreg:$0x12]  }
0x5e: {  	[tilespmem:s18], [sflag:$0x4] =	stream.linear.gather [hbm4b:s29+s4], $0x80, $0x38;
	[tilespmem:$0x1C400] =	vst v63  }
0x5f: {  	_ = 	snop  }
0x60: {  	[spmem:s2] =	stream.indirect.scatter.add.f32 [tilespmem:s11], [sflag:$0x7], $0x80, s31, s0, $0xb8;
	[tilespmem:$0x1C400] =	vst v63  }
0x61: {  	_ =	swait.ge [sflag:s12], $0x4000  }
0x62: {  	[sflag:s12] =	ssyncset.done $0x0  }
0x63: {  	[sflag:s12] =	ssyncadd.s32 $0xFFFFC000  }
0x64: {  	_ =	swait.ge [sflag:s19], $0x80  }
0x65: {  	[sflag:s19] =	ssyncset.done $0x0  }
0x66: {  	[sflag:s19] =	ssyncadd.s32 $0xFFFFFF80  }
0x67: {  	_ =	swait.ge [sflag:s19], $0x80  }
0x68: {  	[sflag:s19] =	ssyncset.done $0x0  }
0x69: {  	[sflag:s19] =	ssyncadd.s32 $0xFFFFFF80  }
0x6a: {  	_ =	swait.ge [sflag:s20], $0x4000  }
0x6b: {  	[sflag:s20] =	ssyncset.done $0x0  }
0x6c: {  	s25 =	sshrl.u32 s28, $0x3;
	[sflag:s20] =	ssyncadd.s32 $0xFFFFC000  }
0x6d: {  	[tilespmem:s11], [sflag:$0x5] =	stream.indirect.gather [hbm4b:s7+s0], $0x80, s8, s0, $0xb8;
	[tilespmem:$0x1C400] =	vst v63  }
0x6e: {  	s26 =	sadd.s32 s5, s25  }
0x6f: {  	[tilespmem:s4], [sflag:$0x1] =	stream.linear.gather [hbm4b:s26+s4], $0x80, $0x38;
	[tilespmem:$0x1C400] =	vst v63  }
0x70: {  	s25 =	sadd.s32 s6, s25  }
0x71: {  	[tilespmem:s31], [sflag:$0x1] =	stream.linear.gather [hbm4b:s25+s4], $0x80, $0x38;
	[tilespmem:$0x1C400] =	vst v63  }
0x72: {  	_ = 	snop  }
0x73: {  	[spmem:s2] =	stream.indirect.scatter.add.f32 [tilespmem:s16], [sflag:$0x7], $0x80, s3, s0, $0xb8;
	[tilespmem:$0x1C400] =	vst v63  }
0x74: {  	_ =	swait.ge [sflag:s12], $0x4000  }
0x75: {  	[sflag:s12] =	ssyncset.done $0x0  }
0x76: {  	[sflag:s12] =	ssyncadd.s32 $0xFFFFC000  }
0x77: {  	_ =	swait.ge [sflag:s21], $0x80  }
0x78: {  	[sflag:s21] =	ssyncset.done $0x0  }
0x79: {  	[sflag:s21] =	ssyncadd.s32 $0xFFFFFF80  }
0x7a: {  	_ =	swait.ge [sflag:s21], $0x80  }
0x7b: {  	[sflag:s21] =	ssyncset.done $0x0  }
0x7c: {  	[sflag:s21] =	ssyncadd.s32 $0xFFFFFF80  }
0x7d: {  	_ =	swait.ge [sflag:s15], $0x4000  }
0x7e: {  	[sflag:s15] =	ssyncset.done $0x0  }
0x7f: {  	s30 =	rddreg [dreg:$0x9];
	[sflag:s15] =	ssyncadd.s32 $0xFFFFC000  }
0x80: {  	[tilespmem:s16], [sflag:$0x6] =	stream.indirect.gather [hbm4b:s7+s0], $0x80, s17, s0, $0xb8;
	[tilespmem:$0x1C400] =	vst v63  }
0x81: {  	s14 =	rddreg [dreg:$0x8];
	s25 =	sadd.s32 $0x0, s30  }
0x82: {  	[tilespmem:s0], [sflag:$0x2] =	stream.linear.gather [hbm4b:s25+s4], $0x80, $0x38;
	[tilespmem:$0x1C400] =	vst v63  }
0x83: {  	s26 =	sadd.s32 $0x0, s14  }
0x84: {  	[tilespmem:s3], [sflag:$0x2] =	stream.linear.gather [hbm4b:s26+s4], $0x80, $0x38;
	[tilespmem:$0x1C400] =	vst v63  }
0x85: {  	_ = 	snop  }
0x86: {  	[spmem:s2] =	stream.indirect.scatter.add.f32 [tilespmem:s11], [sflag:$0x7], $0x80, s9, s0, $0xb8;
	[tilespmem:$0x1C400] =	vst v63  }
0x87: {  	_ =	swait.ge [sflag:s12], $0x4000  }
0x88: {  	[sflag:s12] =	ssyncset.done $0x0  }
0x89: {  	[sflag:s12] =	ssyncadd.s32 $0xFFFFC000  }
0x8a: {  	_ =	swait.ge [sflag:s10], $0x80  }
0x8b: {  	[sflag:s10] =	ssyncset.done $0x0  }
0x8c: {  	[sflag:s10] =	ssyncadd.s32 $0xFFFFFF80  }
0x8d: {  	_ =	swait.ge [sflag:s10], $0x80  }
0x8e: {  	[sflag:s10] =	ssyncset.done $0x0  }
0x8f: {  	[sflag:s10] =	ssyncadd.s32 $0xFFFFFF80  }
0x90: {  	_ =	swait.ge [sflag:s20], $0x4000  }
0x91: {  	[sflag:s20] =	ssyncset.done $0x0  }
0x92: {  	s29 =	rddreg [dreg:$0x7];
	[sflag:s20] =	ssyncadd.s32 $0xFFFFC000  }
0x93: {  	[tilespmem:s11], [sflag:$0x5] =	stream.indirect.gather [hbm4b:s7+s0], $0x80, s4, s0, $0xb8;
	[tilespmem:$0x1C400] =	vst v63  }
0x94: {  	s30 =	rddreg [dreg:$0x6];
	s25 =	sadd.s32 $0x0, s29  }
0x95: {  	[tilespmem:s8], [sflag:$0x3] =	stream.linear.gather [hbm4b:s25+s4], $0x80, $0x38;
	[tilespmem:$0x1C400] =	vst v63  }
0x96: {  	s14 =	sadd.s32 $0x0, s30  }
0x97: {  	[tilespmem:s9], [sflag:$0x3] =	stream.linear.gather [hbm4b:s14+s4], $0x80, $0x38;
	[tilespmem:$0x1C400] =	vst v63  }
0x98: {  	_ = 	snop  }
0x99: {  	[spmem:s2] =	stream.indirect.scatter.add.f32 [tilespmem:s16], [sflag:$0x7], $0x80, s18, s0, $0xb8;
	[tilespmem:$0x1C400] =	vst v63  }
0x9a: {  	_ =	swait.ge [sflag:s12], $0x4000  }
0x9b: {  	[sflag:s12] =	ssyncset.done $0x0  }
0x9c: {  	[sflag:s12] =	ssyncadd.s32 $0xFFFFC000  }
0x9d: {  	_ =	swait.ge [sflag:s13], $0x80  }
0x9e: {  	[sflag:s13] =	ssyncset.done $0x0  }
0x9f: {  	[sflag:s13] =	ssyncadd.s32 $0xFFFFFF80  }
0xa0: {  	_ =	swait.ge [sflag:s13], $0x80  }
0xa1: {  	[sflag:s13] =	ssyncset.done $0x0  }
0xa2: {  	[sflag:s13] =	ssyncadd.s32 $0xFFFFFF80  }
0xa3: {  	_ =	swait.ge [sflag:s15], $0x4000  }
0xa4: {  	[sflag:s15] =	ssyncset.done $0x0  }
0xa5: {  	s26 =	rddreg [dreg:$0x5];
	[sflag:s15] =	ssyncadd.s32 $0xFFFFC000  }
0xa6: {  	[tilespmem:s16], [sflag:$0x6] =	stream.indirect.gather [hbm4b:s7+s0], $0x80, s0, s0, $0xb8;
	[tilespmem:$0x1C400] =	vst v63  }
0xa7: {  	s29 =	rddreg [dreg:$0x4];
	s25 =	sadd.s32 $0x0, s26  }
0xa8: {  	[tilespmem:s17], [sflag:$0x4] =	stream.linear.gather [hbm4b:s25+s4], $0x80, $0x38;
	[tilespmem:$0x1C400] =	vst v63  }
0xa9: {  	s30 =	sadd.s32 $0x0, s29  }
0xaa: {  	[tilespmem:s18], [sflag:$0x4] =	stream.linear.gather [hbm4b:s30+s4], $0x80, $0x38;
	[tilespmem:$0x1C400] =	vst v63  }
0xab: {  	_ = 	snop  }
0xac: {  	[spmem:s2] =	stream.indirect.scatter.add.f32 [tilespmem:s11], [sflag:$0x7], $0x80, s31, s0, $0xb8;
	[tilespmem:$0x1C400] =	vst v63  }
0xad: {  	_ =	swait.ge [sflag:s12], $0x4000  }
0xae: {  	s26 =	simm.s32 $0x40;
	s25 =	smov.u32 s28;
	[sflag:s12] =	ssyncset.done $0x0  }
.LBB2_2:
0xaf: {  	[sflag:s12] =	ssyncadd.s32 $0xFFFFC000  }
0xb0: {  	_ =	swait.ge [sflag:s19], $0x80  }
0xb1: {  	[sflag:s19] =	ssyncset.done $0x0  }
0xb2: {  	[sflag:s19] =	ssyncadd.s32 $0xFFFFFF80  }
0xb3: {  	_ =	swait.ge [sflag:s19], $0x80  }
0xb4: {  	[sflag:s19] =	ssyncset.done $0x0  }
0xb5: {  	[sflag:s19] =	ssyncadd.s32 $0xFFFFFF80  }
0xb6: {  	_ =	swait.ge [sflag:s20], $0x4000  }
0xb7: {  	s25 =	sadd.s32 $0x200, s25;
	[sflag:s20] =	ssyncset.done $0x0  }
0xb8: {  	s30 =	sshrl.u32 s25, $0x3;
	[sflag:s20] =	ssyncadd.s32 $0xFFFFC000  }
0xb9: {  	[tilespmem:s11], [sflag:$0x5] =	stream.indirect.gather [hbm4b:s7+s0], $0x80, s8, s0, $0xb8;
	[tilespmem:$0x1C400] =	vst v63  }
0xba: {  	s14 =	sadd.s32 s5, s30  }
0xbb: {  	[tilespmem:s4], [sflag:$0x1] =	stream.linear.gather [hbm4b:s14+s4], $0x80, $0x38;
	[tilespmem:$0x1C400] =	vst v63  }
0xbc: {  	s30 =	sadd.s32 s6, s30  }
0xbd: {  	[tilespmem:s31], [sflag:$0x1] =	stream.linear.gather [hbm4b:s30+s4], $0x80, $0x38;
	[tilespmem:$0x1C400] =	vst v63  }
0xbe: {  	_ = 	snop  }
0xbf: {  	[spmem:s2] =	stream.indirect.scatter.add.f32 [tilespmem:s16], [sflag:$0x7], $0x80, s3, s0, $0xb8;
	[tilespmem:$0x1C400] =	vst v63  }
0xc0: {  	_ =	swait.ge [sflag:s12], $0x4000  }
0xc1: {  	[sflag:s12] =	ssyncset.done $0x0  }
0xc2: {  	[sflag:s12] =	ssyncadd.s32 $0xFFFFC000  }
0xc3: {  	_ =	swait.ge [sflag:s21], $0x80  }
0xc4: {  	[sflag:s21] =	ssyncset.done $0x0  }
0xc5: {  	[sflag:s21] =	ssyncadd.s32 $0xFFFFFF80  }
0xc6: {  	_ =	swait.ge [sflag:s21], $0x80  }
0xc7: {  	[sflag:s21] =	ssyncset.done $0x0  }
0xc8: {  	[sflag:s21] =	ssyncadd.s32 $0xFFFFFF80  }
0xc9: {  	_ =	swait.ge [sflag:s15], $0x4000  }
0xca: {  	[sflag:s15] =	ssyncset.done $0x0  }
0xcb: {  	s29 =	smov.u32 s26;
	s14 =	rddreg [dreg:$0x9];
	[sflag:s15] =	ssyncadd.s32 $0xFFFFC000  }
0xcc: {  	[tilespmem:s16], [sflag:$0x6] =	stream.indirect.gather [hbm4b:s7+s0], $0x80, s17, s0, $0xb8;
	[tilespmem:$0x1C400] =	vst v63  }
0xcd: {  	s30 =	rddreg [dreg:$0x8];
	s14 =	sadd.s32 s29, s14  }
0xce: {  	[tilespmem:s0], [sflag:$0x2] =	stream.linear.gather [hbm4b:s14+s4], $0x80, $0x38;
	[tilespmem:$0x1C400] =	vst v63  }
0xcf: {  	s30 =	sadd.s32 s29, s30  }
0xd0: {  	[tilespmem:s3], [sflag:$0x2] =	stream.linear.gather [hbm4b:s30+s4], $0x80, $0x38;
	[tilespmem:$0x1C400] =	vst v63  }
0xd1: {  	_ = 	snop  }
0xd2: {  	[spmem:s2] =	stream.indirect.scatter.add.f32 [tilespmem:s11], [sflag:$0x7], $0x80, s9, s0, $0xb8;
	[tilespmem:$0x1C400] =	vst v63  }
0xd3: {  	_ =	swait.ge [sflag:s12], $0x4000  }
0xd4: {  	[sflag:s12] =	ssyncset.done $0x0  }
0xd5: {  	[sflag:s12] =	ssyncadd.s32 $0xFFFFC000  }
0xd6: {  	_ =	swait.ge [sflag:s10], $0x80  }
0xd7: {  	[sflag:s10] =	ssyncset.done $0x0  }
0xd8: {  	[sflag:s10] =	ssyncadd.s32 $0xFFFFFF80  }
0xd9: {  	_ =	swait.ge [sflag:s10], $0x80  }
0xda: {  	[sflag:s10] =	ssyncset.done $0x0  }
0xdb: {  	[sflag:s10] =	ssyncadd.s32 $0xFFFFFF80  }
0xdc: {  	_ =	swait.ge [sflag:s20], $0x4000  }
0xdd: {  	[sflag:s20] =	ssyncset.done $0x0  }
0xde: {  	s14 =	rddreg [dreg:$0x7];
	[sflag:s20] =	ssyncadd.s32 $0xFFFFC000  }
0xdf: {  	[tilespmem:s11], [sflag:$0x5] =	stream.indirect.gather [hbm4b:s7+s0], $0x80, s4, s0, $0xb8;
	[tilespmem:$0x1C400] =	vst v63  }
0xe0: {  	s30 =	rddreg [dreg:$0x6];
	s14 =	sadd.s32 s29, s14  }
0xe1: {  	[tilespmem:s8], [sflag:$0x3] =	stream.linear.gather [hbm4b:s14+s4], $0x80, $0x38;
	[tilespmem:$0x1C400] =	vst v63  }
0xe2: {  	s30 =	sadd.s32 s29, s30  }
0xe3: {  	[tilespmem:s9], [sflag:$0x3] =	stream.linear.gather [hbm4b:s30+s4], $0x80, $0x38;
	[tilespmem:$0x1C400] =	vst v63  }
0xe4: {  	_ = 	snop  }
0xe5: {  	[spmem:s2] =	stream.indirect.scatter.add.f32 [tilespmem:s16], [sflag:$0x7], $0x80, s18, s0, $0xb8;
	[tilespmem:$0x1C400] =	vst v63  }
0xe6: {  	_ =	swait.ge [sflag:s12], $0x4000  }
0xe7: {  	[sflag:s12] =	ssyncset.done $0x0  }
0xe8: {  	[sflag:s12] =	ssyncadd.s32 $0xFFFFC000  }
0xe9: {  	_ =	swait.ge [sflag:s13], $0x80  }
0xea: {  	[sflag:s13] =	ssyncset.done $0x0  }
0xeb: {  	[sflag:s13] =	ssyncadd.s32 $0xFFFFFF80  }
0xec: {  	_ =	swait.ge [sflag:s13], $0x80  }
0xed: {  	[sflag:s13] =	ssyncset.done $0x0  }
0xee: {  	[sflag:s13] =	ssyncadd.s32 $0xFFFFFF80  }
0xef: {  	_ =	swait.ge [sflag:s15], $0x4000  }
0xf0: {  	[sflag:s15] =	ssyncset.done $0x0  }
0xf1: {  	s14 =	rddreg [dreg:$0x5];
	[sflag:s15] =	ssyncadd.s32 $0xFFFFC000  }
0xf2: {  	[tilespmem:s16], [sflag:$0x6] =	stream.indirect.gather [hbm4b:s7+s0], $0x80, s0, s0, $0xb8;
	[tilespmem:$0x1C400] =	vst v63  }
0xf3: {  	s30 =	rddreg [dreg:$0x4];
	s14 =	sadd.s32 s29, s14  }
0xf4: {  	[tilespmem:s17], [sflag:$0x4] =	stream.linear.gather [hbm4b:s14+s4], $0x80, $0x38;
	[tilespmem:$0x1C400] =	vst v63  }
0xf5: {  	p0 =	sne.s32 s26, $0x440;
	s30 =	sadd.s32 s29, s30  }
0xf6: {  	[tilespmem:s18], [sflag:$0x4] =	stream.linear.gather [hbm4b:s30+s4], $0x80, $0x38;
	[tilespmem:$0x1C400] =	vst v63  }
.Ltmp0:
0xf7: {  	_ = 	snop;
	(pc) =	sbr.rel @p0 .LBB2_2-.Ltmp0, $4  }
0xf8: {  	_ = 	snop  }
0xf9: {  	[spmem:s2] =	stream.indirect.scatter.add.f32 [tilespmem:s11], [sflag:$0x7], $0x80, s31, s0, $0xb8;
	[tilespmem:$0x1C400] =	vst v63  }
0xfa: {  	_ =	swait.ge [sflag:s12], $0x4000  }
0xfb: {  	s26 =	sadd.s32 $0x40, s26;
	[sflag:s12] =	ssyncset.done $0x0  }
0xfc: {  	[sflag:s12] =	ssyncadd.s32 $0xFFFFC000  }
0xfd: {  	_ =	swait.ge [sflag:s19], $0x80  }
0xfe: {  	[sflag:s19] =	ssyncset.done $0x0  }
0xff: {  	[sflag:s19] =	ssyncadd.s32 $0xFFFFFF80  }
0x100: {  	_ =	swait.ge [sflag:s19], $0x80  }
0x101: {  	[sflag:s19] =	ssyncset.done $0x0  }
0x102: {  	[sflag:s19] =	ssyncadd.s32 $0xFFFFFF80  }
0x103: {  	_ =	swait.ge [sflag:s20], $0x4000  }
0x104: {  	[sflag:s20] =	ssyncset.done $0x0  }
0x105: {  	[sflag:s20] =	ssyncadd.s32 $0xFFFFC000  }
0x106: {  	[tilespmem:s11], [sflag:$0x5] =	stream.indirect.gather [hbm4b:s7+s0], $0x80, s8, s0, $0xb8;
	[tilespmem:$0x1C400] =	vst v63  }
0x107: {  	s14 =	rddreg [dreg:$0x13]  }
0x108: {  	[tilespmem:s4], [sflag:$0x1] =	stream.linear.gather [hbm4b:s14+s4], $0x80, $0x38;
	[tilespmem:$0x1C400] =	vst v63  }
0x109: {  	s26 =	rddreg [dreg:$0x14]  }
0x10a: {  	[tilespmem:s31], [sflag:$0x1] =	stream.linear.gather [hbm4b:s26+s4], $0x80, $0x38;
	[tilespmem:$0x1C400] =	vst v63  }
0x10b: {  	_ = 	snop  }
0x10c: {  	[spmem:s2] =	stream.indirect.scatter.add.f32 [tilespmem:s16], [sflag:$0x7], $0x80, s3, s0, $0xb8;
	[tilespmem:$0x1C400] =	vst v63  }
0x10d: {  	_ =	swait.ge [sflag:s12], $0x4000  }
0x10e: {  	[sflag:s12] =	ssyncset.done $0x0  }
0x10f: {  	[sflag:s12] =	ssyncadd.s32 $0xFFFFC000  }
0x110: {  	_ =	swait.ge [sflag:s21], $0x80  }
0x111: {  	[sflag:s21] =	ssyncset.done $0x0  }
0x112: {  	[sflag:s21] =	ssyncadd.s32 $0xFFFFFF80  }
0x113: {  	_ =	swait.ge [sflag:s21], $0x80  }
0x114: {  	[sflag:s21] =	ssyncset.done $0x0  }
0x115: {  	[sflag:s21] =	ssyncadd.s32 $0xFFFFFF80  }
0x116: {  	_ =	swait.ge [sflag:s15], $0x4000  }
0x117: {  	[sflag:s15] =	ssyncset.done $0x0  }
0x118: {  	[sflag:s15] =	ssyncadd.s32 $0xFFFFC000  }
0x119: {  	[tilespmem:s16], [sflag:$0x6] =	stream.indirect.gather [hbm4b:s7+s0], $0x80, s17, s0, $0xb8;
	[tilespmem:$0x1C400] =	vst v63  }
0x11a: {  	s29 =	rddreg [dreg:$0x15]  }
0x11b: {  	[tilespmem:s0], [sflag:$0x2] =	stream.linear.gather [hbm4b:s29+s4], $0x80, $0x38;
	[tilespmem:$0x1C400] =	vst v63  }
0x11c: {  	s30 =	rddreg [dreg:$0x16]  }
0x11d: {  	[tilespmem:s3], [sflag:$0x2] =	stream.linear.gather [hbm4b:s30+s4], $0x80, $0x38;
	[tilespmem:$0x1C400] =	vst v63  }
0x11e: {  	_ = 	snop  }
0x11f: {  	[spmem:s2] =	stream.indirect.scatter.add.f32 [tilespmem:s11], [sflag:$0x7], $0x80, s9, s0, $0xb8;
	[tilespmem:$0x1C400] =	vst v63  }
0x120: {  	_ =	swait.ge [sflag:s12], $0x4000  }
0x121: {  	[sflag:s12] =	ssyncset.done $0x0  }
0x122: {  	[sflag:s12] =	ssyncadd.s32 $0xFFFFC000  }
0x123: {  	_ =	swait.ge [sflag:s10], $0x80  }
0x124: {  	[sflag:s10] =	ssyncset.done $0x0  }
0x125: {  	[sflag:s10] =	ssyncadd.s32 $0xFFFFFF80  }
0x126: {  	_ =	swait.ge [sflag:s10], $0x80  }
0x127: {  	[sflag:s10] =	ssyncset.done $0x0  }
0x128: {  	[sflag:s10] =	ssyncadd.s32 $0xFFFFFF80  }
0x129: {  	_ =	swait.ge [sflag:s20], $0x4000  }
0x12a: {  	[sflag:s20] =	ssyncset.done $0x0  }
0x12b: {  	[sflag:s20] =	ssyncadd.s32 $0xFFFFC000  }
0x12c: {  	[tilespmem:s11], [sflag:$0x5] =	stream.indirect.gather [hbm4b:s7+s0], $0x80, s4, s0, $0xb8;
	[tilespmem:$0x1C400] =	vst v63  }
0x12d: {  	s25 =	rddreg [dreg:$0x17]  }
0x12e: {  	[tilespmem:s8], [sflag:$0x3] =	stream.linear.gather [hbm4b:s25+s4], $0x80, $0x38;
	[tilespmem:$0x1C400] =	vst v63  }
0x12f: {  	s26 =	rddreg [dreg:$0x18]  }
0x130: {  	[tilespmem:s9], [sflag:$0x3] =	stream.linear.gather [hbm4b:s26+s4], $0x80, $0x38;
	[tilespmem:$0x1C400] =	vst v63  }
0x131: {  	_ = 	snop  }
0x132: {  	[spmem:s2] =	stream.indirect.scatter.add.f32 [tilespmem:s16], [sflag:$0x7], $0x80, s18, s0, $0xb8;
	[tilespmem:$0x1C400] =	vst v63  }
0x133: {  	_ =	swait.ge [sflag:s12], $0x4000  }
0x134: {  	[sflag:s12] =	ssyncset.done $0x0  }
0x135: {  	[sflag:s12] =	ssyncadd.s32 $0xFFFFC000  }
0x136: {  	_ =	swait.ge [sflag:s13], $0x80  }
0x137: {  	[sflag:s13] =	ssyncset.done $0x0  }
0x138: {  	[sflag:s13] =	ssyncadd.s32 $0xFFFFFF80  }
0x139: {  	_ =	swait.ge [sflag:s13], $0x80  }
0x13a: {  	[sflag:s13] =	ssyncset.done $0x0  }
0x13b: {  	[sflag:s13] =	ssyncadd.s32 $0xFFFFFF80  }
0x13c: {  	_ =	swait.ge [sflag:s15], $0x4000  }
0x13d: {  	[sflag:s15] =	ssyncset.done $0x0  }
0x13e: {  	[sflag:s15] =	ssyncadd.s32 $0xFFFFC000  }
0x13f: {  	[tilespmem:s16], [sflag:$0x6] =	stream.indirect.gather [hbm4b:s7+s0], $0x80, s0, s0, $0xb8;
	[tilespmem:$0x1C400] =	vst v63  }
0x140: {  	_ = 	snop  }
0x141: {  	[spmem:s2] =	stream.indirect.scatter.add.f32 [tilespmem:s11], [sflag:$0x7], $0x80, s31, s0, $0xb8;
	[tilespmem:$0x1C400] =	vst v63  }
0x142: {  	_ =	swait.ge [sflag:s12], $0x4000  }
0x143: {  	[sflag:s12] =	ssyncset.done $0x0  }
0x144: {  	[sflag:s12] =	ssyncadd.s32 $0xFFFFC000  }
0x145: {  	_ =	swait.ge [sflag:s19], $0x80  }
0x146: {  	[sflag:s19] =	ssyncset.done $0x0  }
0x147: {  	[sflag:s19] =	ssyncadd.s32 $0xFFFFFF80  }
0x148: {  	_ =	swait.ge [sflag:s19], $0x80  }
0x149: {  	[sflag:s19] =	ssyncset.done $0x0  }
0x14a: {  	[sflag:s19] =	ssyncadd.s32 $0xFFFFFF80  }
0x14b: {  	_ =	swait.ge [sflag:s20], $0x4000  }
0x14c: {  	[sflag:s20] =	ssyncset.done $0x0  }
0x14d: {  	[sflag:s20] =	ssyncadd.s32 $0xFFFFC000  }
0x14e: {  	[tilespmem:s11], [sflag:$0x5] =	stream.indirect.gather [hbm4b:s7+s0], $0x80, s8, s0, $0xb8;
	[tilespmem:$0x1C400] =	vst v63  }
0x14f: {  	_ = 	snop  }
0x150: {  	[spmem:s2] =	stream.indirect.scatter.add.f32 [tilespmem:s16], [sflag:$0x7], $0x80, s3, s0, $0xb8;
	[tilespmem:$0x1C400] =	vst v63  }
0x151: {  	_ =	swait.ge [sflag:s12], $0x4000  }
0x152: {  	[sflag:s12] =	ssyncset.done $0x0  }
0x153: {  	[sflag:s12] =	ssyncadd.s32 $0xFFFFC000  }
0x154: {  	_ =	swait.ge [sflag:s15], $0x4000  }
0x155: {  	[sflag:s15] =	ssyncset.done $0x0  }
0x156: {  	[sflag:s15] =	ssyncadd.s32 $0xFFFFC000  }
0x157: {  	[spmem:s2] =	stream.indirect.scatter.add.f32 [tilespmem:s11], [sflag:$0x7], $0x80, s9, s0, $0xb8;
	[tilespmem:$0x1C400] =	vst v63  }
0x158: {  	_ =	swait.ge [sflag:s12], $0x4000  }
0x159: {  	[sflag:s12] =	ssyncset.done $0x0  }
0x15a: {  	[sflag:s12] =	ssyncadd.s32 $0xFFFFC000  }
0x15b: {  	[bflag:$0x0] =	sbarrier.arrive $0xFFFF  }
0x15c: {  	s29 =	rddreg [dreg:$0x19]  }
0x15d: {  	[hbm:s29], [sflag:s23] =	dma.local [spmem:s24], $0x2800  }
0x15e: {  	_ =	swait.ge [sflag:s12], $0x2800  }
0x15f: {  	s22 =	sadd.s32 $0x1, s22;
	s30 =	rddreg [dreg:$0x1a]  }
0x160: {  	p0 =	sne.s32 s22, s30  }
.Ltmp1:
0x161: {  	_ = 	snop;
	(pc) =	sbr.rel @p0 .LBB2_1-.Ltmp1, $3  }
0x162: {  	_ =	sdelay $0x1  }
0x163: {  	[sflag:s12] =	ssyncset.done $0x0  }
0x164: {  	[sflag:s12] =	ssyncadd.s32 $0xFFFFD800  }
0x165: {  	_ =	sfence.sel $0x180000  }
0x166: {  	[bflag:$0x0] =	sbarrier.arrive $0xFFFF  }
0x167: {  	_ =	strace $0x9000004A  }
0x168: {  	s0 =	stileid.u32;
	[bflag:$0x2] =	sbarrier.arrive $0xFFFF  }
0x169: {  	p0 =	sne.s32 s0, $0x0;
	s0 =	rddreg [dreg:$0x3]  }
0x16a: {  	s0 =	sadd.s32 @!p0 $0x100000, s0  }
0x16b: {  	[sflag:s0] =	ssyncadd.tile.s32 @!p0 $0x1;
	_ =	shalt  }
.Lfunc_end2:
_tile_overlayer_lowered:
.L_overlay_start_2:
0x16c: {  	(tag) =	ssettag $0x2  }
0x16d: {  	s0 =	rddreg [dreg:$0x0];
	s2 =	stileid.u32  }
0x16e: {  	s1 =	rddreg [dreg:$0x1];
	p0 =	sne.s32 s2, $0x0  }
0x16f: {  	s3 =	rddreg [dreg:$0x2];
	[bflag:$0x3] =	sbarrier.arrive $0xFFFF;
	s2 =	simm.s32 @!p0 $0x1C07  }
0x170: {  	[timem:s3], [sflag:s2] =	dma.local @!p0 [hbm:s0], s1  }
0x171: {  	s0 =	simm.s32 @!p0 $0x7  }
0x172: {  	_ =	swait.ge @!p0 [sflag:s0], s1  }
0x173: {  	s1 =	ssub.s32 @!p0 $0x0, s1;
	[sflag:s0] =	ssyncset.done @!p0 $0x0  }
0x174: {  	[sflag:s0] =	ssyncadd.s32 @!p0 s1  }
0x175: {  	[bflag:$0x3] =	sbarrier.arrive $0xFFFF  }
0x176: {  	_ =	shalt  }

// kernel: kernel.7.cloned.1.call-start
scs
__scs_entry_jumppad:
0x0: {  	(pc) =	sbr.rel $0x88, $3  }
0x1: {  	(tag) =	ssettag $0x0;
	lr =	simm.s32 $0x1  }
0x2: {  	[smem:$0x3F9B] =	sst lr;
	_ =	strace $0xD0000000  }
0x3: {  	_ = 	snop  }
0x4: {  	_ = 	snop  }
0x5: {  	_ = 	snop  }
0x6: {  	_ = 	snop  }
0x7: {  	_ = 	snop  }
__scs_overlays_trampoline_lowered:
0x8: {  	[smem:$0x3FAA] =	sst s0  }
0x9: {  	[smem:$0x3FAB] =	sst s1  }
0xa: {  	[smem:$0x3FAC] =	sst s2  }
0xb: {  	[smem:$0x3FAD] =	sst s3  }
0xc: {  	[smem:$0x3FAE] =	sst s4  }
0xd: {  	[smem:$0x3FAF] =	sst s5  }
0xe: {  	[smem:$0x3FB0] =	sst s6  }
0xf: {  	[smem:$0x3FB1] =	sst s7  }
0x10: {  	[smem:$0x3FB2] =	sst s8  }
0x11: {  	[smem:$0x3FB3] =	sst s9;
	s0 =	simm.s32 @!p0 $0x0  }
0x12: {  	s1 =	sld [smem:$0x3F99];
	s0 =	simm.s32 @p0 $0x1  }
0x13: {  	[smem:$0x3FB4] =	sst s0;
	s0 =	simm.s32 @!p1 $0x0  }
0x14: {  	s2 =	sld [smem:$0x3F98];
	s0 =	simm.s32 @p1 $0x1  }
0x15: {  	[smem:$0x3FB5] =	sst s0;
	s0 =	simm.s32 @!p2 $0x0  }
0x16: {  	s3 =	sld [smem:$0x3FDB];
	s0 =	simm.s32 @p2 $0x1  }
0x17: {  	s4 =	simm.s32 $0x1BF5;
	[smem:$0x3FB7] =	sst s0  }
0x18: {  	s0 =	sld [smem:$0x3F9A];
	_ =	swait.ge [sflag:s4], $0x0  }
0x19: {  	s7 =	sld [smem:$0x3F9B]  }
0x1a: {  	s8 =	sadd.s32 $0xFFFFE003, lr  }
0x1b: {  	s9 =	sadd.s32 $0xFFFFFEF7, lr;
	s5 =	simm.s32 $0xFFFFFFFF;
	p2 =	slt.u32 s8, $0xFFFFF086  }
0x1c: {  	p1 =	slt.u32 s9, $0xF7A;
	s5 =	simm.s32 @!p2 $0x0  }
0x1d: {  	s5 =	simm.s32 @p1 $0x1;
	p0 =	seq.s32 s7, s2  }
0x1e: {  	s7 =	smul.u32 @!p0 $0xF7A, s2;
	p2 =	seq.s32 @!p0 s5, $0x0  }
0x1f: {  	s9 =	smul.u32 $0xF7A, s1;
	s8 =	simm.s32 @!p0 $0x1BF5;
	p2 =	por !p2, p0  }
0x20: {  	[sflag:s8] =	ssyncset.s32 @!p0 $0xFFFFF086;
	s6 =	sadd.s32 @!p0 s3, s7;
	s7 =	simm.s32 @!p0 $0x108  }
0x21: {  	s3 =	sadd.s32 s3, s9;
	s6 =	sadd.s32 @!p0 $0x88, s6;
	s7 =	simm.s32 @p2 $0x1082  }
0x22: {  	[simem:s7], [sflag:s8] =	dma.local @!p0 [hbm:s6], $0xF7A  }
0x23: {  	s9 =	sor.u32 $0xD0000000, s2;
	s6 =	simm.s32 $0x108;
	_ =	swait.ge @!p0 [sflag:s8], $0x0  }
0x24: {  	s3 =	sadd.s32 $0x88, s3;
	s6 =	simm.s32 @!p1 $0x1082;
	[sflag:s4] =	ssyncset.s32 $0xFFFFF086  }
0x25: {  	[simem:s6], [sflag:s4] =	dma.local [hbm:s3], $0xF7A  }
0x26: {  	[smem:$0x3F9B] =	sst s1;
	(tag) =	ssettag s2;
	_ =	strace s9  }
0x27: {  	s1 =	sld [smem:$0x3FAB]  }
0x28: {  	s2 =	sld [smem:$0x3FAC]  }
0x29: {  	s4 =	sld [smem:$0x3FAE]  }
0x2a: {  	p0 =	seq.s32 s5, $0x0;
	s5 =	sld [smem:$0x3FAF]  }
0x2b: {  	s6 =	sld [smem:$0x3FB0]  }
0x2c: {  	s7 =	sld [smem:$0x3FB1]  }
0x2d: {  	s3 =	simm.s32 $0x108;
	s8 =	sld [smem:$0x3FB2]  }
0x2e: {  	s3 =	simm.s32 @!p0 $0x1082;
	s9 =	sld [smem:$0x3FB3]  }
0x2f: {  	lr =	sadd.s32 s0, s3;
	s0 =	sld [smem:$0x3FAA]  }
0x30: {  	s3 =	sld [smem:$0x3FAD]  }
0x31: {  	[smem:$0x3FB6] =	sst s10  }
0x32: {  	s10 =	sld [smem:$0x3FB4];
	_ =	sdelay $0x3  }
0x33: {  	p0 =	seq.s32 s10, $0x1;
	s10 =	sld [smem:$0x3FB6];
	_ =	sdelay $0x3  }
0x34: {  	[smem:$0x3FB6] =	sst s10  }
0x35: {  	s10 =	sld [smem:$0x3FB5];
	_ =	sdelay $0x3  }
0x36: {  	p1 =	seq.s32 s10, $0x1;
	s10 =	sld [smem:$0x3FB6];
	_ =	sdelay $0x3  }
0x37: {  	[smem:$0x3FB6] =	sst s10  }
0x38: {  	s10 =	sld [smem:$0x3FB7]  }
0x39: {  	_ = 	snop;
	(pc) =	sbr.ind lr, $3  }
0x3a: {  	_ = 	snop  }
0x3b: {  	_ = 	snop  }
0x3c: {  	p2 =	seq.s32 s10, $0x1;
	s10 =	sld [smem:$0x3FB6]  }
0x3d: {  	_ =	shalt  }
0x3e: {  	_ =	shalt  }
0x3f: {  	_ =	shalt  }
0x40: {  	_ =	shalt  }
0x41: {  	_ =	shalt  }
0x42: {  	_ =	shalt  }
0x43: {  	_ =	shalt  }
0x44: {  	_ =	shalt  }
0x45: {  	_ =	shalt  }
0x46: {  	_ =	shalt  }
0x47: {  	_ =	shalt  }
0x48: {  	_ =	shalt  }
0x49: {  	_ =	shalt  }
0x4a: {  	_ =	shalt  }
0x4b: {  	_ =	shalt  }
0x4c: {  	_ =	shalt  }
0x4d: {  	_ =	shalt  }
0x4e: {  	_ =	shalt  }
0x4f: {  	_ =	shalt  }
0x50: {  	_ =	shalt  }
0x51: {  	_ =	shalt  }
0x52: {  	_ =	shalt  }
0x53: {  	_ =	shalt  }
0x54: {  	_ =	shalt  }
0x55: {  	_ =	shalt  }
0x56: {  	_ =	shalt  }
0x57: {  	_ =	shalt  }
0x58: {  	_ =	shalt  }
0x59: {  	_ =	shalt  }
0x5a: {  	_ =	shalt  }
0x5b: {  	_ =	shalt  }
0x5c: {  	_ =	shalt  }
0x5d: {  	_ =	shalt  }
0x5e: {  	_ =	shalt  }
0x5f: {  	_ =	shalt  }
0x60: {  	_ =	shalt  }
0x61: {  	_ =	shalt  }
0x62: {  	_ =	shalt  }
0x63: {  	_ =	shalt  }
0x64: {  	_ =	shalt  }
0x65: {  	_ =	shalt  }
0x66: {  	_ =	shalt  }
0x67: {  	_ =	shalt  }
0x68: {  	_ =	shalt  }
0x69: {  	_ =	shalt  }
0x6a: {  	_ =	shalt  }
0x6b: {  	_ =	shalt  }
0x6c: {  	_ =	shalt  }
0x6d: {  	_ =	shalt  }
0x6e: {  	_ =	shalt  }
0x6f: {  	_ =	shalt  }
0x70: {  	_ =	shalt  }
0x71: {  	_ =	shalt  }
0x72: {  	_ =	shalt  }
0x73: {  	_ =	shalt  }
0x74: {  	_ =	shalt  }
0x75: {  	_ =	shalt  }
0x76: {  	_ =	shalt  }
0x77: {  	_ =	shalt  }
0x78: {  	_ =	shalt  }
0x79: {  	_ =	shalt  }
0x7a: {  	_ =	shalt  }
0x7b: {  	_ =	shalt  }
0x7c: {  	_ =	shalt  }
0x7d: {  	_ =	shalt  }
0x7e: {  	_ =	shalt  }
0x7f: {  	_ =	shalt  }
0x80: {  	_ =	shalt  }
0x81: {  	_ =	shalt  }
0x82: {  	_ =	shalt  }
0x83: {  	_ =	shalt  }
0x84: {  	_ =	shalt  }
0x85: {  	_ =	shalt  }
0x86: {  	_ =	shalt  }
0x87: {  	_ =	shalt  }
.Lfunc_end0:
.L_simem_size_0:
called_computation_lowered:
.L_overlay_start_0:
0x88: {  	s2 =	sld [smem:$0x3FD9]  }
0x89: {  	s3 =	sld [smem:$0x3FFE];
	_ =	sdelay $0x1  }
0x8a: {  	s1 =	srdreg.scid  }
0x8b: {  	s0 =	sand.u32 $0x1, s1  }
0x8c: {  	s17 =	sshll.u32 s0, $0xA;
	s2 =	sadd.s32 s3, s2  }
0x8d: {  	s2 =	sadd.s32 s2, s17  }
0x8e: {  	[smem:$0x3FC2] =	sst s2  }
0x8f: {  	_ = 	snop  }
0x90: {  	s2 =	sld [smem:$0x3FD0];
	(tm) =	ssettm $0x1  }
0x91: {  	s18 =	sld [smem:$0x3FFB];
	_ =	sdelay $0x3  }
0x92: {  	_ =	strace s18  }
0x93: {  	s3 =	sld [smem:$0x3FFC];
	_ =	sdelay $0x3  }
0x94: {  	_ =	strace s3  }
0x95: {  	s3 =	sld [smem:$0x3FFD];
	_ =	sdelay $0x3  }
0x96: {  	_ =	strace s3  }
0x97: {  	_ =	strace $0x8FFFFFFF  }
0x98: {  	s19 =	sld [smem:$0x3FDB];
	_ =	sdelay $0x1  }
0x99: {  	s4 =	simm.s32 $_scs_section_size  }
0x9a: {  	s5 =	simm.s32 $_size__tile_overlayer_lowered;
	s6 =	simm.s32 $_tile_overlayer_lowered  }
0x9b: {  	s22 =	simm.s32 $0x1BFF;
	s21 =	sshll.u32 s6, $0x1;
	s3 =	sadd.s32 s4, s19  }
0x9c: {  	s7 =	simm.s32 $0x0;
	s20 =	sshll.u32 s5, $0x1;
	s5 =	sadd.s32 s21, s3  }
0x9d: {  	[timem:s7], [sflag:s22] =	dma.local [hbm:s5], s20  }
0x9e: {  	_ =	swait.ge [sflag:s22], s20  }
0x9f: {  	s4 =	ssub.s32 $0x0, s20;
	[sflag:s22] =	ssyncset.done $0x0  }
0xa0: {  	[sflag:s22] =	ssyncadd.s32 s4;
	_ =	sdelay $0x1  }
0xa1: {  	s23 =	simm.s32 $0x1B8B  }
0xa2: {  	_ =	swait.ge [sflag:s23], $0x1  }
0xa3: {  	[sflag:s23] =	ssyncset.done $0x0  }
0xa4: {  	s25 =	simm.s32 $0x1B8E;
	s24 =	sld [smem:$0x3FFE];
	[sflag:s23] =	ssyncadd.s32 $0xFFFFFFFF  }
0xa5: {  	s26 =	simm.s32 $execute0_lowered;
	[smem:$0x3FD2] =	sst s25  }
0xa6: {  	s5 =	sshll.u32 s26, $0x1;
	_ =	strace $0x80000046;
	[dreg:$0x1] =	wrdreg $0xFFFFFFFF  }
0xa7: {  	s28 =	simm.s32 $_size_execute0_lowered;
	s3 =	sadd.s32 s3, s5;
	[dreg:$0x0] =	wrdreg $0x0  }
0xa8: {  	s5 =	sshll.u32 s28, $0x1;
	[dreg:$0x2] =	wrdreg s3  }
0xa9: {  	[dreg:$0x3] =	wrdreg s5  }
0xaa: {  	[dreg:$0x4] =	wrdreg $0xC0  }
0xab: {  	_ =	task [dreg:s7], $0x5FFFF  }
0xac: {  	[dreg:$0x1] =	wrdreg $0xFFFFFFFF  }
0xad: {  	[dreg:$0x0] =	wrdreg $0x60  }
0xae: {  	[dreg:$0x2] =	wrdreg s24  }
0xaf: {  	[dreg:$0x3] =	wrdreg s2  }
0xb0: {  	[dreg:$0x4] =	wrdreg $0x2800  }
0xb1: {  	[dreg:$0x5] =	wrdreg $0x9  }
0xb2: {  	_ =	task.clear_ibuf [dreg:s7], $0x6FFFF;
	_ =	strace $0x90000046  }
0xb3: {  	s29 =	simm.s32 $0x9;
	_ =	strace $0x80000048  }
0xb4: {  	_ =	swait.ge [sflag:s29], $0x1  }
0xb5: {  	[sflag:s29] =	ssyncadd.s32 $0xFFFFFFFF  }
0xb6: {  	_ =	strace $0x90000048  }
0xb7: {  	_ =	sfence  }
0xb8: {  	s30 =	sld [smem:$0x0];
	_ =	sdelay $0x2  }
0xb9: {  	s31 =	sshll.u32 s1, $0xD;
	s1 =	sshrl.u32 s1, $0x2  }
0xba: {  	s3 =	sand.u32 $0x4000, s31;
	s1 =	sadd.s32 s1, s30  }
0xbb: {  	s0 =	sor.u32 s3, s0;
	s1 =	sshll.u32 s1, $0x11  }
0xbc: {  	s0 =	sor.u32 s1, s0  }
0xbd: {  	s0 =	sadd.s32 $0x8F2B, s0  }
0xbe: {  	[sflag:s0] =	ssyncadd.remote.s32 $0x1  }
0xbf: {  	_ =	sfence.sel $0xFFFF  }
0xc0: {  	[dreg:$0x0] =	wrdreg $0xFFFFFFFF;
	(pc) =	sbr.abs _section_cstart, $3  }
0xc1: {  	[dreg:$0x1] =	wrdreg $0xFFFFFFFF  }
0xc2: {  	_ =	task.clear_ibuf [dreg:s7], $0x2FFFF;
	_ =	strace $0x9FFFFFFF  }
0xc3: {  	(tm) =	ssettm $0x7FFFFFFF  }
tec
execute0_lowered:
.L_overlay_start_1:
0x0: {  	(tag) =	ssettag $0x1  }
0x1: {  	s0 =	rddreg [dreg:$0x0]  }
0x2: {  	s1 =	rddreg [dreg:$0x1]  }
0x3: {  	s2 =	rddreg [dreg:$0x2]  }
0x4: {  	s12 =	stileid.u32;
	s3 =	srdreg.scid;
	s28 =	simm.s32 $0x180  }
0x5: {  	s29 =	simm.s32 $0x2;
	s30 =	simm.s32 $0x5;
	s31 =	simm.s32 $0x3  }
0x6: {  	s6 =	sand.u32 $0x1, s3;
	s4 =	sshll.u32 s12, $0x1;
	s7 =	smul.u32 $0x280, s12  }
0x7: {  	s3 =	simm.s32 $0x0;
	s18 =	sshll.u32 s12, $0x6;
	s12 =	smul.u32 $0x4F00, s12  }
0x8: {  	s4 =	sor.u32 s6, s4;
	[smem:$0x7FF] =	sst s3;
	s9 =	ssub.s32 $0x2, s6  }
0x9: {  	s5 =	smul.u32 $0x2780, s4;
	_ =	strace $0x80000047;
	s4 =	sadd.s32 $0xB600, s0  }
0xa: {  	s8 =	sshrl.u32 s7, $0x3;
	s10 =	sshrl.u32 s9, $0x1;
	s13 =	sadd.s32 s7, s2  }
0xb: {  	s8 =	sadd.s32 s8, s0;
	s0 =	sadd.s32 $0x15400, s0;
	s5 =	sshrl.u32 s5, $0x3  }
0xc: {  	[dreg:$0x4] =	wrdreg s0;
	s8 =	sadd.s32 $0x15600, s8;
	s5 =	sadd.s32 s4, s5  }
0xd: {  	s26 =	ssub.s32 s9, s10;
	[dreg:$0x7] =	wrdreg s8;
	s10 =	sadd.s32 $0x10, s5  }
0xe: {  	s16 =	smax.u32 s26, $0x1;
	s11 =	sadd.s32 $0x20, s5;
	[dreg:$0x5] =	wrdreg s10  }
0xf: {  	s8 =	simm.s32 $0x0;
	s19 =	sadd.s32 $0x30, s5;
	[dreg:$0x6] =	wrdreg s11  }
0x10: {  	s20 =	sadd.s32 $0x4C0, s5;
	s11 =	smul.u32 $0x2800, s6;
	[dreg:$0x8] =	wrdreg s19  }
0x11: {  	s21 =	sadd.s32 $0x4D0, s5;
	s6 =	smul.u32 $0x2780, s6;
	[dreg:$0x9] =	wrdreg s20  }
0x12: {  	s14 =	sadd.s32 $0x4E0, s5;
	s10 =	sor.u32 $0x1C09, s18;
	[dreg:$0xa] =	wrdreg s21  }
0x13: {  	s21 =	simm.s32 $0x80;
	s7 =	sadd.s32 s7, s11;
	s6 =	sadd.s32 s6, s12  }
0x14: {  	s7 =	sshrl.u32 s7, $0x3;
	s22 =	sadd.s32 $0x380, s6;
	s23 =	sadd.s32 $0x300, s6  }
0x15: {  	s24 =	sadd.s32 $0x280, s6;
	s20 =	sadd.s32 $0x200, s6;
	s6 =	simm.s32 $0x7  }
0x16: {  	s15 =	sadd.s32 s1, s7;
	s0 =	sshrl.u32 s22, $0x3;
	s25 =	sshrl.u32 s23, $0x3  }
0x17: {  	s26 =	sshrl.u32 s24, $0x3;
	s22 =	simm.s32 $0x100;
	s23 =	sshrl.u32 s13, $0x3  }
0x18: {  	s24 =	simm.s32 $0x9;
	s1 =	simm.s32 $0x4;
	s7 =	simm.s32 $0x8  }
0x19: {  	s17 =	sadd.s32 s0, s4;
	s18 =	sadd.s32 s25, s4;
	s19 =	sadd.s32 s26, s4  }
0x1a: {  	s25 =	simm.s32 $0x200;
	s26 =	simm.s32 $0x1;
	s0 =	simm.s32 $0x6  }
.LBB2_1:
0x1b: {  	[tilespmem:s3], [sflag:$0x1] =	stream.linear.gather [hbm4b:s5+s3], $0x80, $0x38;
	[tilespmem:$0x500] =	vst v63  }
0x1c: {  	s9 =	rddreg [dreg:$0x5]  }
0x1d: {  	s13 =	rddreg [dreg:$0x6]  }
0x1e: {  	[tilespmem:s21], [sflag:$0x2] =	stream.linear.gather [hbm4b:s9+s3], $0x80, $0x38;
	[tilespmem:$0x500] =	vst v63  }
0x1f: {  	s11 =	rddreg [dreg:$0x7]  }
0x20: {  	[tilespmem:s22], [sflag:$0x3] =	stream.linear.gather [hbm4b:s13+s3], $0x80, $0x38;
	[tilespmem:$0x500] =	vst v63  }
0x21: {  	[spmem:s23], [sflag:s10] =	dma.local [hbm:s11], $0x50  }
0x22: {  	_ =	swait.ge [sflag:s24], $0x50  }
0x23: {  	[sflag:s24] =	ssyncset.done $0x0  }
0x24: {  	s12 =	rddreg [dreg:$0x4];
	[sflag:s24] =	ssyncadd.s32 $0xFFFFFFB0  }
0x25: {  	[tilespmem:s25], [sflag:$0x9] =	stream.linear.gather [hbm4b:s12+s3], $0x80, $0x38;
	[tilespmem:$0x500] =	vst v63  }
0x26: {  	_ =	swait.ge [sflag:s24], $0x80  }
0x27: {  	[sflag:s24] =	ssyncset.done $0x0  }
0x28: {  	[sflag:s24] =	ssyncadd.s32 $0xFFFFFF80  }
0x29: {  	[bflag:$0x0] =	sbarrier.arrive $0xFFFF  }
0x2a: {  	_ =	swait.ge [sflag:s26], $0x80  }
0x2b: {  	[sflag:s26] =	ssyncset.done $0x0  }
0x2c: {  	[sflag:s26] =	ssyncadd.s32 $0xFFFFFF80  }
0x2d: {  	[spmem:s2] =	stream.indirect.scatter.add.f32 [tilespmem:s25], [sflag:$0x5], $0x1, s3, s21, $0xb8;
	[tilespmem:$0x500] =	vst v63  }
0x2e: {  	s13 =	rddreg [dreg:$0x8]  }
0x2f: {  	[tilespmem:s28], [sflag:$0x4] =	stream.linear.gather [hbm4b:s13+s3], $0x80, $0x38;
	[tilespmem:$0x500] =	vst v63  }
0x30: {  	_ =	swait.ge [sflag:s29], $0x80  }
0x31: {  	[sflag:s29] =	ssyncset.done $0x0  }
0x32: {  	[sflag:s29] =	ssyncadd.s32 $0xFFFFFF80  }
0x33: {  	[spmem:s2] =	stream.indirect.scatter.add.f32 [tilespmem:s25], [sflag:$0x6], $0x1, s21, s21, $0xb8;
	[tilespmem:$0x500] =	vst v63  }
0x34: {  	_ =	swait.ge [sflag:s30], $0x80  }
0x35: {  	s11 =	sshrl.u32 s20, $0x3;
	[sflag:s30] =	ssyncset.done $0x0  }
0x36: {  	s9 =	sadd.s32 s4, s11;
	[sflag:s30] =	ssyncadd.s32 $0xFFFFFF80  }
0x37: {  	[tilespmem:s3], [sflag:$0x1] =	stream.linear.gather [hbm4b:s9+s3], $0x80, $0x38;
	[tilespmem:$0x500] =	vst v63  }
0x38: {  	_ =	swait.ge [sflag:s31], $0x80  }
0x39: {  	[sflag:s31] =	ssyncset.done $0x0  }
0x3a: {  	[sflag:s31] =	ssyncadd.s32 $0xFFFFFF80  }
0x3b: {  	[spmem:s2] =	stream.indirect.scatter.add.f32 [tilespmem:s25], [sflag:$0x7], $0x1, s22, s21, $0xb8;
	[tilespmem:$0x500] =	vst v63  }
0x3c: {  	_ =	swait.ge [sflag:s0], $0x80  }
0x3d: {  	[sflag:s0] =	ssyncset.done $0x0  }
0x3e: {  	s12 =	sadd.s32 $0x0, s19;
	[sflag:s0] =	ssyncadd.s32 $0xFFFFFF80  }
0x3f: {  	[tilespmem:s21], [sflag:$0x2] =	stream.linear.gather [hbm4b:s12+s3], $0x80, $0x38;
	[tilespmem:$0x500] =	vst v63  }
0x40: {  	_ =	swait.ge [sflag:s1], $0x80  }
0x41: {  	[sflag:s1] =	ssyncset.done $0x0  }
0x42: {  	[sflag:s1] =	ssyncadd.s32 $0xFFFFFF80  }
0x43: {  	[spmem:s2] =	stream.indirect.scatter.add.f32 [tilespmem:s25], [sflag:$0x8], $0x1, s28, s21, $0xb8;
	[tilespmem:$0x500] =	vst v63  }
0x44: {  	_ =	swait.ge [sflag:s6], $0x80  }
0x45: {  	[sflag:s6] =	ssyncset.done $0x0  }
0x46: {  	s13 =	sadd.s32 $0x0, s18;
	[sflag:s6] =	ssyncadd.s32 $0xFFFFFF80  }
0x47: {  	[tilespmem:s22], [sflag:$0x3] =	stream.linear.gather [hbm4b:s13+s3], $0x80, $0x38;
	[tilespmem:$0x500] =	vst v63  }
0x48: {  	_ =	swait.ge [sflag:s26], $0x80  }
0x49: {  	[sflag:s26] =	ssyncset.done $0x0  }
0x4a: {  	[sflag:s26] =	ssyncadd.s32 $0xFFFFFF80  }
0x4b: {  	[spmem:s2] =	stream.indirect.scatter.add.f32 [tilespmem:s25], [sflag:$0x5], $0x1, s3, s21, $0xb8;
	[tilespmem:$0x500] =	vst v63  }
0x4c: {  	_ =	swait.ge [sflag:s7], $0x80  }
0x4d: {  	s11 =	sadd.s32 $0x200, s20;
	[sflag:s7] =	ssyncset.done $0x0  }
0x4e: {  	s9 =	simm.s32 $0x40;
	s12 =	sadd.s32 $0x0, s17;
	[sflag:s7] =	ssyncadd.s32 $0xFFFFFF80  }
.LBB2_2:
0x4f: {  	[tilespmem:s28], [sflag:$0x4] =	stream.linear.gather [hbm4b:s12+s3], $0x80, $0x38;
	[tilespmem:$0x500] =	vst v63  }
0x50: {  	s12 =	smov.u32 s9  }
0x51: {  	p0 =	sne.s32 s9, $0x440;
	s9 =	sadd.s32 $0x40, s9;
	_ =	swait.ge [sflag:s29], $0x80  }
0x52: {  	[sflag:s29] =	ssyncset.done $0x0  }
0x53: {  	[sflag:s29] =	ssyncadd.s32 $0xFFFFFF80  }
0x54: {  	[spmem:s2] =	stream.indirect.scatter.add.f32 [tilespmem:s25], [sflag:$0x6], $0x1, s21, s21, $0xb8;
	[tilespmem:$0x500] =	vst v63  }
0x55: {  	_ =	swait.ge [sflag:s30], $0x80  }
0x56: {  	s13 =	sshrl.u32 s11, $0x3;
	[sflag:s30] =	ssyncset.done $0x0  }
0x57: {  	s13 =	sadd.s32 s4, s13;
	[sflag:s30] =	ssyncadd.s32 $0xFFFFFF80  }
0x58: {  	[tilespmem:s3], [sflag:$0x1] =	stream.linear.gather [hbm4b:s13+s3], $0x80, $0x38;
	[tilespmem:$0x500] =	vst v63  }
0x59: {  	_ =	swait.ge [sflag:s31], $0x80  }
0x5a: {  	[sflag:s31] =	ssyncset.done $0x0  }
0x5b: {  	[sflag:s31] =	ssyncadd.s32 $0xFFFFFF80  }
0x5c: {  	[spmem:s2] =	stream.indirect.scatter.add.f32 [tilespmem:s25], [sflag:$0x7], $0x1, s22, s21, $0xb8;
	[tilespmem:$0x500] =	vst v63  }
0x5d: {  	_ =	swait.ge [sflag:s0], $0x80  }
0x5e: {  	[sflag:s0] =	ssyncset.done $0x0  }
0x5f: {  	s13 =	sadd.s32 s12, s19;
	[sflag:s0] =	ssyncadd.s32 $0xFFFFFF80  }
0x60: {  	[tilespmem:s21], [sflag:$0x2] =	stream.linear.gather [hbm4b:s13+s3], $0x80, $0x38;
	[tilespmem:$0x500] =	vst v63  }
0x61: {  	_ =	swait.ge [sflag:s1], $0x80  }
0x62: {  	[sflag:s1] =	ssyncset.done $0x0  }
0x63: {  	[sflag:s1] =	ssyncadd.s32 $0xFFFFFF80  }
0x64: {  	[spmem:s2] =	stream.indirect.scatter.add.f32 [tilespmem:s25], [sflag:$0x8], $0x1, s28, s21, $0xb8;
	[tilespmem:$0x500] =	vst v63  }
0x65: {  	_ =	swait.ge [sflag:s6], $0x80  }
0x66: {  	[sflag:s6] =	ssyncset.done $0x0  }
0x67: {  	s13 =	sadd.s32 s12, s18;
	[sflag:s6] =	ssyncadd.s32 $0xFFFFFF80  }
0x68: {  	[tilespmem:s22], [sflag:$0x3] =	stream.linear.gather [hbm4b:s13+s3], $0x80, $0x38;
	[tilespmem:$0x500] =	vst v63  }
0x69: {  	_ =	swait.ge [sflag:s26], $0x80  }
0x6a: {  	[sflag:s26] =	ssyncset.done $0x0  }
.Ltmp0:
0x6b: {  	[sflag:s26] =	ssyncadd.s32 $0xFFFFFF80;
	(pc) =	sbr.rel @p0 .LBB2_2-.Ltmp0, $4  }
0x6c: {  	[spmem:s2] =	stream.indirect.scatter.add.f32 [tilespmem:s25], [sflag:$0x5], $0x1, s3, s21, $0xb8;
	[tilespmem:$0x500] =	vst v63  }
0x6d: {  	_ =	swait.ge [sflag:s7], $0x80  }
0x6e: {  	[sflag:s7] =	ssyncset.done $0x0  }
0x6f: {  	s11 =	sadd.s32 $0x200, s11;
	s12 =	sadd.s32 s12, s17;
	[sflag:s7] =	ssyncadd.s32 $0xFFFFFF80  }
0x70: {  	[tilespmem:s28], [sflag:$0x4] =	stream.linear.gather [hbm4b:s12+s3], $0x80, $0x38;
	[tilespmem:$0x500] =	vst v63  }
0x71: {  	_ =	swait.ge [sflag:s29], $0x80  }
0x72: {  	[sflag:s29] =	ssyncset.done $0x0  }
0x73: {  	[sflag:s29] =	ssyncadd.s32 $0xFFFFFF80  }
0x74: {  	[spmem:s2] =	stream.indirect.scatter.add.f32 [tilespmem:s25], [sflag:$0x6], $0x1, s21, s21, $0xb8;
	[tilespmem:$0x500] =	vst v63  }
0x75: {  	_ =	swait.ge [sflag:s30], $0x80  }
0x76: {  	[sflag:s30] =	ssyncset.done $0x0  }
0x77: {  	s9 =	rddreg [dreg:$0x9];
	[sflag:s30] =	ssyncadd.s32 $0xFFFFFF80  }
0x78: {  	[tilespmem:s3], [sflag:$0x1] =	stream.linear.gather [hbm4b:s9+s3], $0x80, $0x38;
	[tilespmem:$0x500] =	vst v63  }
0x79: {  	_ =	swait.ge [sflag:s31], $0x80  }
0x7a: {  	[sflag:s31] =	ssyncset.done $0x0  }
0x7b: {  	[sflag:s31] =	ssyncadd.s32 $0xFFFFFF80  }
0x7c: {  	[spmem:s2] =	stream.indirect.scatter.add.f32 [tilespmem:s25], [sflag:$0x7], $0x1, s22, s21, $0xb8;
	[tilespmem:$0x500] =	vst v63  }
0x7d: {  	_ =	swait.ge [sflag:s0], $0x80  }
0x7e: {  	[sflag:s0] =	ssyncset.done $0x0  }
0x7f: {  	s13 =	rddreg [dreg:$0xa];
	[sflag:s0] =	ssyncadd.s32 $0xFFFFFF80  }
0x80: {  	[tilespmem:s21], [sflag:$0x2] =	stream.linear.gather [hbm4b:s13+s3], $0x80, $0x38;
	[tilespmem:$0x500] =	vst v63  }
0x81: {  	_ =	swait.ge [sflag:s1], $0x80  }
0x82: {  	[sflag:s1] =	ssyncset.done $0x0  }
0x83: {  	[sflag:s1] =	ssyncadd.s32 $0xFFFFFF80  }
0x84: {  	[spmem:s2] =	stream.indirect.scatter.add.f32 [tilespmem:s25], [sflag:$0x8], $0x1, s28, s21, $0xb8;
	[tilespmem:$0x500] =	vst v63  }
0x85: {  	_ =	swait.ge [sflag:s6], $0x80  }
0x86: {  	[sflag:s6] =	ssyncset.done $0x0  }
0x87: {  	[sflag:s6] =	ssyncadd.s32 $0xFFFFFF80  }
0x88: {  	[tilespmem:s22], [sflag:$0x3] =	stream.linear.gather [hbm4b:s14+s3], $0x80, $0x38;
	[tilespmem:$0x500] =	vst v63  }
0x89: {  	_ =	swait.ge [sflag:s26], $0x80  }
0x8a: {  	[sflag:s26] =	ssyncset.done $0x0  }
0x8b: {  	[sflag:s26] =	ssyncadd.s32 $0xFFFFFF80  }
0x8c: {  	[spmem:s2] =	stream.indirect.scatter.add.f32 [tilespmem:s25], [sflag:$0x5], $0x1, s3, s21, $0xb8;
	[tilespmem:$0x500] =	vst v63  }
0x8d: {  	_ =	swait.ge [sflag:s29], $0x80  }
0x8e: {  	[sflag:s29] =	ssyncset.done $0x0  }
0x8f: {  	[sflag:s29] =	ssyncadd.s32 $0xFFFFFF80  }
0x90: {  	[spmem:s2] =	stream.indirect.scatter.add.f32 [tilespmem:s25], [sflag:$0x6], $0x1, s21, s21, $0xb8;
	[tilespmem:$0x500] =	vst v63  }
0x91: {  	_ =	swait.ge [sflag:s31], $0x80  }
0x92: {  	[sflag:s31] =	ssyncset.done $0x0  }
0x93: {  	[sflag:s31] =	ssyncadd.s32 $0xFFFFFF80  }
0x94: {  	[spmem:s2] =	stream.indirect.scatter.add.f32 [tilespmem:s25], [sflag:$0x7], $0x1, s22, s21, $0xb8;
	[tilespmem:$0x500] =	vst v63  }
0x95: {  	_ =	swait.ge [sflag:s7], $0x80  }
0x96: {  	[sflag:s7] =	ssyncset.done $0x0  }
0x97: {  	[sflag:s7] =	ssyncadd.s32 $0xFFFFFF80  }
0x98: {  	_ =	swait.ge [sflag:s30], $0x80  }
0x99: {  	[sflag:s30] =	ssyncset.done $0x0  }
0x9a: {  	[sflag:s30] =	ssyncadd.s32 $0xFFFFFF80  }
0x9b: {  	_ =	swait.ge [sflag:s0], $0x80  }
0x9c: {  	[sflag:s0] =	ssyncset.done $0x0  }
0x9d: {  	[sflag:s0] =	ssyncadd.s32 $0xFFFFFF80  }
0x9e: {  	_ =	swait.ge [sflag:s6], $0x80  }
0x9f: {  	s8 =	sadd.s32 $0x1, s8;
	[sflag:s6] =	ssyncset.done $0x0  }
0xa0: {  	p0 =	sne.s32 s8, s16;
	[sflag:s6] =	ssyncadd.s32 $0xFFFFFF80  }
.Ltmp1:
0xa1: {  	[bflag:$0x0] =	sbarrier.arrive $0xFFFF;
	(pc) =	sbr.rel @p0 .LBB2_1-.Ltmp1, $4  }
0xa2: {  	[hbm:s15], [sflag:s10] =	dma.local [spmem:s23], $0x50  }
0xa3: {  	_ =	swait.ge [sflag:s24], $0x50  }
0xa4: {  	[sflag:s24] =	ssyncset.done $0x0  }
0xa5: {  	[sflag:s24] =	ssyncadd.s32 $0xFFFFFFB0  }
0xa6: {  	_ =	sfence.sel $0x180000  }
0xa7: {  	[bflag:$0x0] =	sbarrier.arrive $0xFFFF  }
0xa8: {  	_ =	strace $0x90000047  }
0xa9: {  	s0 =	stileid.u32;
	[bflag:$0x2] =	sbarrier.arrive $0xFFFF  }
0xaa: {  	p0 =	sne.s32 s0, $0x0;
	s0 =	rddreg [dreg:$0x3]  }
0xab: {  	s0 =	sadd.s32 @!p0 $0x100000, s0  }
0xac: {  	[sflag:s0] =	ssyncadd.tile.s32 @!p0 $0x1;
	_ =	shalt  }
.Lfunc_end2:
_tile_overlayer_lowered:
.L_overlay_start_2:
0xad: {  	(tag) =	ssettag $0x2  }
0xae: {  	s0 =	rddreg [dreg:$0x0];
	s2 =	stileid.u32  }
0xaf: {  	s1 =	rddreg [dreg:$0x1];
	p0 =	sne.s32 s2, $0x0  }
0xb0: {  	s3 =	rddreg [dreg:$0x2];
	[bflag:$0x3] =	sbarrier.arrive $0xFFFF;
	s2 =	simm.s32 @!p0 $0x1C09  }
0xb1: {  	[timem:s3], [sflag:s2] =	dma.local @!p0 [hbm:s0], s1  }
0xb2: {  	s0 =	simm.s32 @!p0 $0x9  }
0xb3: {  	_ =	swait.ge @!p0 [sflag:s0], s1  }
0xb4: {  	s1 =	ssub.s32 @!p0 $0x0, s1;
	[sflag:s0] =	ssyncset.done @!p0 $0x0  }
0xb5: {  	[sflag:s0] =	ssyncadd.s32 @!p0 s1  }
0xb6: {  	[bflag:$0x3] =	sbarrier.arrive $0xFFFF  }
0xb7: {  	_ =	shalt  }

</sc_bundles>
